<compile_context>
chip_gen: v7x
topology: tpu7x:2x2x1
jax: 0.10.2.dev20260603
libtpu: 0.0.44.dev20260713+nightly
codegen_flags: <defaults>
</compile_context>

<pallas_src>
import functools

import jax
import jax.numpy as jnp
from jax import lax
from jax.experimental import pallas as pl
from jax.experimental.pallas import tpu as pltpu
from jax.experimental.pallas import tpu_sc as plsc

V = 1000
VP = 1024
N_TOK = 1024 * 50
NC, NS, LANES = 2, 16, 16
NW = NC * NS
NB = 16
BC = 64
NG = NW // NB
TB = 256
TOK_PER_G = N_TOK // NG
N_ITEM = TOK_PER_G // TB
G1 = (V - 15 * BC) // 8
G2 = BC // 8 - G1


def _lse_body(tab_ref, lse_ref):
    t = tab_ref[...]
    m = jnp.max(t, axis=1)
    lse_ref[...] = m + jnp.log(jnp.sum(jnp.exp(t - m[:, None]), axis=1))


def _row_lse(table):
    return pl.pallas_call(
        _lse_body,
        out_shape=jax.ShapeDtypeStruct((V,), jnp.float32),
    )(table)


_MESH = plsc.VectorSubcoreMesh(core_axis_name="c", subcore_axis_name="s")


@functools.partial(
    pl.kernel,
    out_type=[
        jax.ShapeDtypeStruct((V // 8, 8, N_TOK), jnp.float32),
        jax.ShapeDtypeStruct((NW, LANES), jnp.float32),
    ],
    mesh=_MESH,
    compiler_params=pltpu.CompilerParams(use_tc_tiling_on_sc=True,
                                         needs_layout_passes=False),
    scratch_types=[
        pltpu.VMEM((BC * VP,), jnp.float32),
        pltpu.VMEM((V,), jnp.float32),
        [pltpu.VMEM((TB,), jnp.int32)] * 2,
        [pltpu.VMEM((TB,), jnp.int32)] * 2,
        [pltpu.VMEM((BC // 8, 8, TB), jnp.float32)] * 2,
        pltpu.VMEM((LANES,), jnp.float32),
        [pltpu.SemaphoreType.DMA] * 2,
        [pltpu.SemaphoreType.DMA] * 2,
    ],
)
def _sc_main(tabt_hbm, idx_hbm, tgt_hbm, lse_hbm, xt_hbm, part_hbm,
             tab_v, lse_v, idx_r, tgt_r, stg, part_v, sem_f, sem_s):
    wid = lax.axis_index("s") * NC + lax.axis_index("c")
    q = wid % NB
    tok0 = (wid // NB) * TOK_PER_G
    gq = q * (BC // 8)
    pltpu.sync_copy(tabt_hbm.at[pl.ds(q * BC * VP, BC * VP)], tab_v)
    pltpu.sync_copy(lse_hbm, lse_v)

    def start_fetch(m, b):
        s = pl.ds(tok0 + m * TB, TB)
        pltpu.make_async_copy(idx_hbm.at[s], idx_r[b], sem_f[b]).start()
        pltpu.make_async_copy(tgt_hbm.at[s], tgt_r[b], sem_f[b]).start()

    def wait_fetch(b):
        s = pl.ds(tok0, TB)
        pltpu.make_async_copy(idx_hbm.at[s], idx_r[b], sem_f[b]).wait()
        pltpu.make_async_copy(tgt_hbm.at[s], tgt_r[b], sem_f[b]).wait()

    def start_scatter(m, b):
        t0 = tok0 + m * TB
        pltpu.make_async_copy(
            stg[b].at[pl.ds(0, G1)],
            xt_hbm.at[pl.ds(gq, G1), slice(None), pl.ds(t0, TB)],
            sem_s[b]).start()

        @pl.when(q < NB - 1)
        def _():
            pltpu.make_async_copy(
                stg[b].at[pl.ds(G1, G2)],
                xt_hbm.at[pl.ds(gq + G1, G2), slice(None), pl.ds(t0, TB)],
                sem_s[b]).start()

    def wait_scatter(b):
        pltpu.make_async_copy(
            stg[b].at[pl.ds(0, G1)],
            xt_hbm.at[pl.ds(gq, G1), slice(None), pl.ds(0, TB)],
            sem_s[b]).wait()

        @pl.when(q < NB - 1)
        def _():
            pltpu.make_async_copy(
                stg[b].at[pl.ds(G1, G2)],
                xt_hbm.at[pl.ds(gq + G1, G2), slice(None), pl.ds(0, TB)],
                sem_s[b]).wait()

    start_fetch(0, 0)
    start_fetch(1, 1)
    q16 = jnp.full((LANES,), q, jnp.int32)

    def item(m, acc):
        for b in range(2):
            k = m * 2 + b
            wait_fetch(b)

            @pl.when(k >= 2)
            def _():
                wait_scatter(b)

            iv = [idx_r[b][pl.ds(tt * LANES, LANES)]
                  for tt in range(TB // LANES)]

            @plsc.parallel_loop(0, BC, 1, unroll=4)
            def col(cl):
                base = cl * VP
                gc = jnp.right_shift(cl, 3)
                sc = jnp.bitwise_and(cl, 7)
                for tt in range(TB // LANES):
                    v = plsc.load_gather(tab_v, [iv[tt] + base])
                    stg[b][gc, sc, pl.ds(tt * LANES, LANES)] = v

            for tt in range(TB // LANES):
                s = pl.ds(tt * LANES, LANES)
                tg = tgt_r[b][s]
                picked = plsc.load_gather(
                    tab_v, [iv[tt] + jnp.bitwise_and(tg, BC - 1) * VP])
                lseg = plsc.load_gather(lse_v, [iv[tt]])
                hit = jnp.right_shift(tg, 6) == q16
                acc = acc + jnp.where(hit, lseg - picked,
                                      jnp.zeros((LANES,), jnp.float32))

            start_scatter(k, b)

            @pl.when(k + 2 < N_ITEM)
            def _():
                start_fetch(k + 2, b)
        return acc

    acc = lax.fori_loop(0, N_ITEM // 2, item,
                        jnp.zeros((LANES,), jnp.float32))
    for b in range(2):
        wait_scatter(b)
    part_v[...] = acc
    pltpu.sync_copy(part_v, part_hbm.at[wid])


def _loss_body(part_ref, out_ref):
    out_ref[0, 0] = jnp.sum(part_ref[...]) * (1.0 / N_TOK)


def _final_loss(partials):
    return pl.pallas_call(
        _loss_body,
        out_shape=jax.ShapeDtypeStruct((1, 1), jnp.float32),
        out_specs=pl.BlockSpec(memory_space=pltpu.SMEM),
    )(partials)


def kernel(input_index, targets, token_embedding_table):
    idx = input_index.reshape(-1).astype(jnp.int32)
    tgt = targets.reshape(-1).astype(jnp.int32)
    table = token_embedding_table
    lse = _row_lse(table)
    tabt = jnp.pad(table.T, ((0, 0), (0, VP - V))).reshape(-1)
    xt, partials = _sc_main(tabt, idx, tgt, lse)
    loss = _final_loss(partials)[0, 0]
    return (xt.reshape(V, N_TOK).T, loss)

# --- scband reference (transcript-rebuilt; emitter-appended) ---
"""Pipeline reference for scband-bigram-language-model-48180943127327 (READ-ONLY COPY).

The authoritative reference and input builder live on the scoring server;
editing this copy changes nothing except your own understanding.
"""

import jax, jax.numpy as jnp
import numpy as np

VOCAB = 1000
B, T = 1024, 50


def setup_inputs(seed: int = 0) -> dict:
    key = jax.random.key(seed)
    k1, k2, k3 = jax.random.split(key, 3)
    input_index = jax.random.randint(k1, (B, T), 0, VOCAB)
    targets = jax.random.randint(k2, (B, T), 0, VOCAB)
    # learned parameter: nn.Embedding(vocabulary_size, vocabulary_size)
    token_embedding_table = jax.random.normal(k3, (VOCAB, VOCAB), dtype=jnp.float32)
    return {"input_index": input_index, "targets": targets, "token_embedding_table": token_embedding_table}


def reference(input_index, targets, token_embedding_table):
    # logits = self.token_embedding_table(input_index)
    input_logits = jnp.take(token_embedding_table, input_index, axis=0)
    N1, N2, C = input_logits.shape
    N = N1 * N2
    x = input_logits.reshape(N, C)
    t = targets.reshape(N)
    # F.cross_entropy(x, t) with mean reduction
    logp = jax.nn.log_softmax(x, axis=-1)
    nll = -jnp.take_along_axis(logp, t[:, None], axis=1)[:, 0]
    loss = jnp.mean(nll)
    return (x, loss)

if __name__ == "__main__":
    import jax
    _d = setup_inputs()
    print(jax.jit(kernel)(*tuple(_d.values())))

</pallas_src>

<mosaic_0001>
#map = affine_map<(d0, d1) -> (0)>
#map1 = affine_map<(d0, d1) -> (0, 0, 0)>
#map2 = affine_map<(d0, d1) -> (0, 0)>
module attributes {stable_mosaic.version = 14 : i64} {
  func.func @_sc_main(%arg0: i32, %arg1: i32, %arg2: memref<1024000xf32, #tpu.memory_space<hbm>>, %arg3: memref<51200xi32, #tpu.memory_space<hbm>>, %arg4: memref<51200xi32, #tpu.memory_space<hbm>>, %arg5: memref<1000xf32, #tpu.memory_space<hbm>>, %arg6: memref<125x8x51200xf32, #tpu.memory_space<hbm>>, %arg7: memref<32x16xf32, #tpu.memory_space<hbm>>, %arg8: memref<65536xf32, #tpu.memory_space<vmem>>, %arg9: memref<1000xf32, #tpu.memory_space<vmem>>, %arg10: memref<256xi32, #tpu.memory_space<vmem>>, %arg11: memref<256xi32, #tpu.memory_space<vmem>>, %arg12: memref<256xi32, #tpu.memory_space<vmem>>, %arg13: memref<256xi32, #tpu.memory_space<vmem>>, %arg14: memref<8x8x256xf32, #tpu.memory_space<vmem>>, %arg15: memref<8x8x256xf32, #tpu.memory_space<vmem>>, %arg16: memref<16xf32, #tpu.memory_space<vmem>>, %arg17: memref<!tpu.dma_semaphore, #tpu.memory_space<semaphore_mem>>, %arg18: memref<!tpu.dma_semaphore, #tpu.memory_space<semaphore_mem>>, %arg19: memref<!tpu.dma_semaphore, #tpu.memory_space<semaphore_mem>>, %arg20: memref<!tpu.dma_semaphore, #tpu.memory_space<semaphore_mem>>) attributes {dimension_semantics = [#tpu.dimension_semantics<core_parallel>, #tpu.dimension_semantics<subcore_parallel>], iteration_bounds = array<i64: 2, 16>, scalar_prefetch = 0 : i64, scratch_operands = 13 : i64, tpu.core_type = #tpu.core_type<sc_vector_subcore>, window_params = [{transform_indices = #map}, {transform_indices = #map}, {transform_indices = #map}, {transform_indices = #map}, {transform_indices = #map1}, {transform_indices = #map2}]} {
    %mul3A = arith.constant 2 : i32
    %mul3A_0 = arith.muli %arg1, %mul3A : i32
    %add3A = arith.addi %mul3A_0, %arg0 : i32
    %jit3A = arith.constant 16 : i32
    %eq3A = arith.constant 0 : i32
    %eq3A_1 = arith.cmpi eq, %jit3A, %eq3A : i32
    %jit3A_2 = arith.constant 1 : i32
    %select_n3A = arith.select %eq3A_1, %jit3A_2, %jit3A : i32
    %rem3A = arith.remsi %add3A, %select_n3A : i32
    %ne3A = arith.constant 0 : i32
    %ne3A_3 = arith.cmpi ne, %rem3A, %ne3A : i32
    %lt3A = arith.constant 0 : i32
    %lt3A_4 = arith.cmpi slt, %rem3A, %lt3A : i32
    %lt3A_5 = arith.constant 0 : i32
    %lt3A_6 = arith.cmpi slt, %select_n3A, %lt3A_5 : i32
    %ne3A_7 = arith.xori %lt3A_4, %lt3A_6 : i1
    %and3A = arith.andi %ne3A_7, %ne3A_3 : i1
    %add3A_8 = arith.addi %rem3A, %select_n3A : i32
    %select_n3A_9 = arith.select %and3A, %add3A_8, %rem3A : i32
    %jit3A_10 = arith.constant 16 : i32
    %div3A = arith.divsi %add3A, %jit3A_10 : i32
    %sign3A = arith.constant 0 : i32
    %sign3A_11 = arith.cmpi sgt, %add3A, %sign3A : i32
    %sign3A_12 = arith.extui %sign3A_11 : i1 to i32
    %sign3A_13 = arith.constant 0 : i32
    %sign3A_14 = arith.cmpi slt, %add3A, %sign3A_13 : i32
    %sign3A_15 = arith.extui %sign3A_14 : i1 to i32
    %sign3A_16 = arith.subi %sign3A_12, %sign3A_15 : i32
    %sign3A_17 = arith.constant 0 : i32
    %sign3A_18 = arith.cmpi sgt, %jit3A_10, %sign3A_17 : i32
    %sign3A_19 = arith.extui %sign3A_18 : i1 to i32
    %sign3A_20 = arith.constant 0 : i32
    %sign3A_21 = arith.cmpi slt, %jit3A_10, %sign3A_20 : i32
    %sign3A_22 = arith.extui %sign3A_21 : i1 to i32
    %sign3A_23 = arith.subi %sign3A_19, %sign3A_22 : i32
    %ne3A_24 = arith.cmpi ne, %sign3A_16, %sign3A_23 : i32
    %rem3A_25 = arith.remsi %add3A, %jit3A_10 : i32
    %ne3A_26 = arith.constant 0 : i32
    %ne3A_27 = arith.cmpi ne, %rem3A_25, %ne3A_26 : i32
    %and3A_28 = arith.andi %ne3A_24, %ne3A_27 : i1
    %sub3A = arith.constant 1 : i32
    %sub3A_29 = arith.subi %div3A, %sub3A : i32
    %select_n3A_30 = arith.select %and3A_28, %sub3A_29, %div3A : i32
    %mul3A_31 = arith.constant 25600 : i32
    %mul3A_32 = arith.muli %select_n3A_30, %mul3A_31 : i32
    %mul3A_33 = arith.constant 8 : i32
    %mul3A_34 = arith.muli %select_n3A_9, %mul3A_33 : i32
    %mul3A_35 = arith.constant 64 : i32
    %mul3A_36 = arith.muli %select_n3A_9, %mul3A_35 : i32
    %mul3A_37 = arith.constant 1024 : i32
    %mul3A_38 = arith.muli %mul3A_36, %mul3A_37 : i32
    "tpu.region"() ({
      %run_scoped3A = tpu.sem_alloc : memref<!tpu.dma_semaphore, #tpu.memory_space<semaphore_mem>>
      %dma_start3A_93 = tpu.memref_slice %arg2[%mul3A_38] : memref<1024000xf32, #tpu.memory_space<hbm>> -> memref<65536xf32, #tpu.memory_space<hbm>>
      %dma_start3A_94 = tpu.memref_slice %arg2[%mul3A_38] : memref<1024000xf32, #tpu.memory_space<hbm>> -> memref<65536xf32, #tpu.memory_space<hbm>>
      tpu.enqueue_dma source(%dma_start3A_94 : memref<65536xf32, #tpu.memory_space<hbm>>) target(%arg8 : memref<65536xf32, #tpu.memory_space<vmem>>) target_semaphore(%run_scoped3A : memref<!tpu.dma_semaphore, #tpu.memory_space<semaphore_mem>>)
      %dma_wait3A_95 = tpu.memref_slice %arg2[%mul3A_38] : memref<1024000xf32, #tpu.memory_space<hbm>> -> memref<65536xf32, #tpu.memory_space<hbm>>
      %dma_wait3A_96 = tpu.memref_slice %arg2[%mul3A_38] : memref<1024000xf32, #tpu.memory_space<hbm>> -> memref<65536xf32, #tpu.memory_space<hbm>>
      tpu.wait_dma2 semaphore(%run_scoped3A : memref<!tpu.dma_semaphore, #tpu.memory_space<semaphore_mem>>) src(%dma_wait3A_96 : memref<65536xf32, #tpu.memory_space<hbm>>) dst(%arg8 : memref<65536xf32, #tpu.memory_space<vmem>>)
      tpu.yield
    }) : () -> ()
    "tpu.region"() ({
      %run_scoped3A = tpu.sem_alloc : memref<!tpu.dma_semaphore, #tpu.memory_space<semaphore_mem>>
      tpu.enqueue_dma source(%arg5 : memref<1000xf32, #tpu.memory_space<hbm>>) target(%arg9 : memref<1000xf32, #tpu.memory_space<vmem>>) target_semaphore(%run_scoped3A : memref<!tpu.dma_semaphore, #tpu.memory_space<semaphore_mem>>)
      tpu.wait_dma2 semaphore(%run_scoped3A : memref<!tpu.dma_semaphore, #tpu.memory_space<semaphore_mem>>) src(%arg5 : memref<1000xf32, #tpu.memory_space<hbm>>) dst(%arg9 : memref<1000xf32, #tpu.memory_space<vmem>>)
      tpu.yield
    }) : () -> ()
    %add3A_39 = arith.constant 0 : i32
    %add3A_40 = arith.addi %mul3A_32, %add3A_39 : i32
    %dma_start3A = tpu.memref_slice %arg3[%add3A_40] : memref<51200xi32, #tpu.memory_space<hbm>> -> memref<256xi32, #tpu.memory_space<hbm>>
    %dma_start3A_41 = tpu.memref_slice %arg3[%add3A_40] : memref<51200xi32, #tpu.memory_space<hbm>> -> memref<256xi32, #tpu.memory_space<hbm>>
    tpu.enqueue_dma source(%dma_start3A_41 : memref<256xi32, #tpu.memory_space<hbm>>) target(%arg10 : memref<256xi32, #tpu.memory_space<vmem>>) target_semaphore(%arg17 : memref<!tpu.dma_semaphore, #tpu.memory_space<semaphore_mem>>)
    %dma_start3A_42 = tpu.memref_slice %arg4[%add3A_40] : memref<51200xi32, #tpu.memory_space<hbm>> -> memref<256xi32, #tpu.memory_space<hbm>>
    %dma_start3A_43 = tpu.memref_slice %arg4[%add3A_40] : memref<51200xi32, #tpu.memory_space<hbm>> -> memref<256xi32, #tpu.memory_space<hbm>>
    tpu.enqueue_dma source(%dma_start3A_43 : memref<256xi32, #tpu.memory_space<hbm>>) target(%arg12 : memref<256xi32, #tpu.memory_space<vmem>>) target_semaphore(%arg17 : memref<!tpu.dma_semaphore, #tpu.memory_space<semaphore_mem>>)
    %add3A_44 = arith.constant 256 : i32
    %add3A_45 = arith.addi %mul3A_32, %add3A_44 : i32
    %dma_start3A_46 = tpu.memref_slice %arg3[%add3A_45] : memref<51200xi32, #tpu.memory_space<hbm>> -> memref<256xi32, #tpu.memory_space<hbm>>
    %dma_start3A_47 = tpu.memref_slice %arg3[%add3A_45] : memref<51200xi32, #tpu.memory_space<hbm>> -> memref<256xi32, #tpu.memory_space<hbm>>
    tpu.enqueue_dma source(%dma_start3A_47 : memref<256xi32, #tpu.memory_space<hbm>>) target(%arg11 : memref<256xi32, #tpu.memory_space<vmem>>) target_semaphore(%arg18 : memref<!tpu.dma_semaphore, #tpu.memory_space<semaphore_mem>>)
    %dma_start3A_48 = tpu.memref_slice %arg4[%add3A_45] : memref<51200xi32, #tpu.memory_space<hbm>> -> memref<256xi32, #tpu.memory_space<hbm>>
    %dma_start3A_49 = tpu.memref_slice %arg4[%add3A_45] : memref<51200xi32, #tpu.memory_space<hbm>> -> memref<256xi32, #tpu.memory_space<hbm>>
    tpu.enqueue_dma source(%dma_start3A_49 : memref<256xi32, #tpu.memory_space<hbm>>) target(%arg13 : memref<256xi32, #tpu.memory_space<vmem>>) target_semaphore(%arg18 : memref<!tpu.dma_semaphore, #tpu.memory_space<semaphore_mem>>)
    %broadcast_in_dim3A = vector.broadcast %select_n3A_9 : i32 to vector<16xi32>
    %broadcast_in_dim3A_50 = arith.constant 0.000000e+00 : f32
    %broadcast_in_dim3A_51 = vector.broadcast %broadcast_in_dim3A_50 : f32 to vector<16xf32>
    %scan3A = arith.constant 0 : i32
    %scan3A_52 = arith.constant 50 : i32
    %scan3A_53 = arith.addi %scan3A, %scan3A_52 : i32
    %scan3A_54 = arith.constant 1 : i32
    %scan3A_55 = scf.for %scan3A_93 = %scan3A to %scan3A_53 step %scan3A_54 iter_args(%scan3A_94 = %broadcast_in_dim3A_51) -> (vector<16xf32>)  : i32 {
      %mul3A_95 = arith.constant 2 : i32
      %mul3A_96 = arith.muli %scan3A_93, %mul3A_95 : i32
      %add3A_97 = arith.constant 0 : i32
      %add3A_98 = arith.addi %mul3A_96, %add3A_97 : i32
      %dma_wait3A_99 = tpu.memref_slice %arg3[%mul3A_32] : memref<51200xi32, #tpu.memory_space<hbm>> -> memref<256xi32, #tpu.memory_space<hbm>>
      %dma_wait3A_100 = tpu.memref_slice %arg3[%mul3A_32] : memref<51200xi32, #tpu.memory_space<hbm>> -> memref<256xi32, #tpu.memory_space<hbm>>
      tpu.wait_dma2 semaphore(%arg17 : memref<!tpu.dma_semaphore, #tpu.memory_space<semaphore_mem>>) src(%dma_wait3A_100 : memref<256xi32, #tpu.memory_space<hbm>>) dst(%arg10 : memref<256xi32, #tpu.memory_space<vmem>>)
      %dma_wait3A_101 = tpu.memref_slice %arg4[%mul3A_32] : memref<51200xi32, #tpu.memory_space<hbm>> -> memref<256xi32, #tpu.memory_space<hbm>>
      %dma_wait3A_102 = tpu.memref_slice %arg4[%mul3A_32] : memref<51200xi32, #tpu.memory_space<hbm>> -> memref<256xi32, #tpu.memory_space<hbm>>
      tpu.wait_dma2 semaphore(%arg17 : memref<!tpu.dma_semaphore, #tpu.memory_space<semaphore_mem>>) src(%dma_wait3A_102 : memref<256xi32, #tpu.memory_space<hbm>>) dst(%arg12 : memref<256xi32, #tpu.memory_space<vmem>>)
      %ge3A = arith.constant 2 : i32
      %ge3A_103 = arith.cmpi sge, %add3A_98, %ge3A : i32
      %convert_element_type3A_104 = arith.extui %ge3A_103 : i1 to i32
      %cond3A_105 = arith.constant 0 : i32
      %cond3A_106 = arith.cmpi ne, %convert_element_type3A_104, %cond3A_105 : i32
      scf.if %cond3A_106 {
        %dma_wait3A_880 = arith.constant 0 : i32
        %dma_wait3A_881 = arith.constant 0 : i32
        %dma_wait3A_882 = arith.constant 0 : i32
        %dma_wait3A_883 = tpu.memref_slice %arg14[%dma_wait3A_880, %dma_wait3A_881, %dma_wait3A_882] : memref<8x8x256xf32, #tpu.memory_space<vmem>> -> memref<5x8x256xf32, #tpu.memory_space<vmem>>
        %dma_wait3A_884 = arith.constant 0 : i32
        %dma_wait3A_885 = arith.constant 0 : i32
        %dma_wait3A_886 = tpu.memref_slice %arg6[%mul3A_34, %dma_wait3A_884, %dma_wait3A_885] : memref<125x8x51200xf32, #tpu.memory_space<hbm>> -> memref<5x8x256xf32, #tpu.memory_space<hbm>>
        %dma_wait3A_887 = arith.constant 0 : i32
        %dma_wait3A_888 = arith.constant 0 : i32
        %dma_wait3A_889 = tpu.memref_slice %arg6[%mul3A_34, %dma_wait3A_887, %dma_wait3A_888] : memref<125x8x51200xf32, #tpu.memory_space<hbm>> -> memref<5x8x256xf32, #tpu.memory_space<hbm>>
        %dma_wait3A_890 = arith.constant 0 : i32
        %dma_wait3A_891 = arith.constant 0 : i32
        %dma_wait3A_892 = arith.constant 0 : i32
        %dma_wait3A_893 = tpu.memref_slice %arg14[%dma_wait3A_890, %dma_wait3A_891, %dma_wait3A_892] : memref<8x8x256xf32, #tpu.memory_space<vmem>> -> memref<5x8x256xf32, #tpu.memory_space<vmem>>
        tpu.wait_dma2 semaphore(%arg19 : memref<!tpu.dma_semaphore, #tpu.memory_space<semaphore_mem>>) src(%dma_wait3A_893 : memref<5x8x256xf32, #tpu.memory_space<vmem>>) dst(%dma_wait3A_889 : memref<5x8x256xf32, #tpu.memory_space<hbm>>)
        %lt3A_894 = arith.constant 15 : i32
        %lt3A_895 = arith.cmpi slt, %select_n3A_9, %lt3A_894 : i32
        %convert_element_type3A_896 = arith.extui %lt3A_895 : i1 to i32
        %cond3A_897 = arith.constant 0 : i32
        %cond3A_898 = arith.cmpi ne, %convert_element_type3A_896, %cond3A_897 : i32
        scf.if %cond3A_898 {
          %add3A_899 = arith.constant 5 : i32
          %add3A_900 = arith.addi %mul3A_34, %add3A_899 : i32
          %dma_wait3A_901 = arith.constant 5 : i32
          %dma_wait3A_902 = arith.constant 0 : i32
          %dma_wait3A_903 = arith.constant 0 : i32
          %dma_wait3A_904 = tpu.memref_slice %arg14[%dma_wait3A_901, %dma_wait3A_902, %dma_wait3A_903] : memref<8x8x256xf32, #tpu.memory_space<vmem>> -> memref<3x8x256xf32, #tpu.memory_space<vmem>>
          %dma_wait3A_905 = arith.constant 0 : i32
          %dma_wait3A_906 = arith.constant 0 : i32
          %dma_wait3A_907 = tpu.memref_slice %arg6[%add3A_900, %dma_wait3A_905, %dma_wait3A_906] : memref<125x8x51200xf32, #tpu.memory_space<hbm>> -> memref<3x8x256xf32, #tpu.memory_space<hbm>>
          %dma_wait3A_908 = arith.constant 0 : i32
          %dma_wait3A_909 = arith.constant 0 : i32
          %dma_wait3A_910 = tpu.memref_slice %arg6[%add3A_900, %dma_wait3A_908, %dma_wait3A_909] : memref<125x8x51200xf32, #tpu.memory_space<hbm>> -> memref<3x8x256xf32, #tpu.memory_space<hbm>>
          %dma_wait3A_911 = arith.constant 5 : i32
          %dma_wait3A_912 = arith.constant 0 : i32
          %dma_wait3A_913 = arith.constant 0 : i32
          %dma_wait3A_914 = tpu.memref_slice %arg14[%dma_wait3A_911, %dma_wait3A_912, %dma_wait3A_913] : memref<8x8x256xf32, #tpu.memory_space<vmem>> -> memref<3x8x256xf32, #tpu.memory_space<vmem>>
          tpu.wait_dma2 semaphore(%arg19 : memref<!tpu.dma_semaphore, #tpu.memory_space<semaphore_mem>>) src(%dma_wait3A_914 : memref<3x8x256xf32, #tpu.memory_space<vmem>>) dst(%dma_wait3A_910 : memref<3x8x256xf32, #tpu.memory_space<hbm>>)
        } else {
        }
      } else {
      }
      %get3A = arith.constant 0 : index
      %get3A_107 = tpu.vector_load %arg10[%get3A] {strides = array<i32>} : memref<256xi32, #tpu.memory_space<vmem>>, vector<16xi32>,
      %get3A_108 = arith.constant 16 : index
      %get3A_109 = tpu.vector_load %arg10[%get3A_108] {strides = array<i32>} : memref<256xi32, #tpu.memory_space<vmem>>, vector<16xi32>,
      %get3A_110 = arith.constant 32 : index
      %get3A_111 = tpu.vector_load %arg10[%get3A_110] {strides = array<i32>} : memref<256xi32, #tpu.memory_space<vmem>>, vector<16xi32>,
      %get3A_112 = arith.constant 48 : index
      %get3A_113 = tpu.vector_load %arg10[%get3A_112] {strides = array<i32>} : memref<256xi32, #tpu.memory_space<vmem>>, vector<16xi32>,
      %get3A_114 = arith.constant 64 : index
      %get3A_115 = tpu.vector_load %arg10[%get3A_114] {strides = array<i32>} : memref<256xi32, #tpu.memory_space<vmem>>, vector<16xi32>,
      %get3A_116 = arith.constant 80 : index
      %get3A_117 = tpu.vector_load %arg10[%get3A_116] {strides = array<i32>} : memref<256xi32, #tpu.memory_space<vmem>>, vector<16xi32>,
      %get3A_118 = arith.constant 96 : index
      %get3A_119 = tpu.vector_load %arg10[%get3A_118] {strides = array<i32>} : memref<256xi32, #tpu.memory_space<vmem>>, vector<16xi32>,
      %get3A_120 = arith.constant 112 : index
      %get3A_121 = tpu.vector_load %arg10[%get3A_120] {strides = array<i32>} : memref<256xi32, #tpu.memory_space<vmem>>, vector<16xi32>,
      %get3A_122 = arith.constant 128 : index
      %get3A_123 = tpu.vector_load %arg10[%get3A_122] {strides = array<i32>} : memref<256xi32, #tpu.memory_space<vmem>>, vector<16xi32>,
      %get3A_124 = arith.constant 144 : index
      %get3A_125 = tpu.vector_load %arg10[%get3A_124] {strides = array<i32>} : memref<256xi32, #tpu.memory_space<vmem>>, vector<16xi32>,
      %get3A_126 = arith.constant 160 : index
      %get3A_127 = tpu.vector_load %arg10[%get3A_126] {strides = array<i32>} : memref<256xi32, #tpu.memory_space<vmem>>, vector<16xi32>,
      %get3A_128 = arith.constant 176 : index
      %get3A_129 = tpu.vector_load %arg10[%get3A_128] {strides = array<i32>} : memref<256xi32, #tpu.memory_space<vmem>>, vector<16xi32>,
      %get3A_130 = arith.constant 192 : index
      %get3A_131 = tpu.vector_load %arg10[%get3A_130] {strides = array<i32>} : memref<256xi32, #tpu.memory_space<vmem>>, vector<16xi32>,
      %get3A_132 = arith.constant 208 : index
      %get3A_133 = tpu.vector_load %arg10[%get3A_132] {strides = array<i32>} : memref<256xi32, #tpu.memory_space<vmem>>, vector<16xi32>,
      %get3A_134 = arith.constant 224 : index
      %get3A_135 = tpu.vector_load %arg10[%get3A_134] {strides = array<i32>} : memref<256xi32, #tpu.memory_space<vmem>>, vector<16xi32>,
      %get3A_136 = arith.constant 240 : index
      %get3A_137 = tpu.vector_load %arg10[%get3A_136] {strides = array<i32>} : memref<256xi32, #tpu.memory_space<vmem>>, vector<16xi32>,
      %parallel_loop3A = arith.constant 0 : i32
      %parallel_loop3A_138 = arith.constant 64 : i32
      %parallel_loop3A_139 = arith.constant 1 : i32
      scf.for %parallel_loop3A_880 = %parallel_loop3A to %parallel_loop3A_138 step %parallel_loop3A_139  : i32 {
        %parallel_loop3A_881 = arith.constant 1024 : i32
        %parallel_loop3A_882 = arith.muli %parallel_loop3A_880, %parallel_loop3A_881 : i32
        %parallel_loop3A_883 = arith.constant 3 : i32
        %parallel_loop3A_884 = arith.shrsi %parallel_loop3A_880, %parallel_loop3A_883 : i32
        %parallel_loop3A_885 = arith.constant 7 : i32
        %parallel_loop3A_886 = arith.andi %parallel_loop3A_880, %parallel_loop3A_885 : i32
        %parallel_loop3A_887 = vector.broadcast %parallel_loop3A_882 : i32 to vector<16xi32>
        %parallel_loop3A_888 = arith.addi %get3A_107, %parallel_loop3A_887 : vector<16xi32>
        %parallel_loop3A_889 = tpu.vector_load_idx %arg8[%parallel_loop3A_888] : memref<65536xf32, #tpu.memory_space<vmem>>[vector<16xi32>], vector<16xf32>,
        %parallel_loop3A_890 = arith.index_cast %parallel_loop3A_884 : i32 to index
        %parallel_loop3A_891 = arith.index_cast %parallel_loop3A_886 : i32 to index
        %parallel_loop3A_892 = arith.constant 0 : index
        %parallel_loop3A_893 = tpu.vector_load %arg14[%parallel_loop3A_890, %parallel_loop3A_891, %parallel_loop3A_892] {strides = array<i32>} : memref<8x8x256xf32, #tpu.memory_space<vmem>>, vector<16xf32>,
        tpu.vector_store %arg14[%parallel_loop3A_890, %parallel_loop3A_891, %parallel_loop3A_892], %parallel_loop3A_889 {strides = array<i32>} : memref<8x8x256xf32, #tpu.memory_space<vmem>>, vector<16xf32>,
        %parallel_loop3A_894 = vector.broadcast %parallel_loop3A_882 : i32 to vector<16xi32>
        %parallel_loop3A_895 = arith.addi %get3A_109, %parallel_loop3A_894 : vector<16xi32>
        %parallel_loop3A_896 = tpu.vector_load_idx %arg8[%parallel_loop3A_895] : memref<65536xf32, #tpu.memory_space<vmem>>[vector<16xi32>], vector<16xf32>,
        %parallel_loop3A_897 = arith.index_cast %parallel_loop3A_884 : i32 to index
        %parallel_loop3A_898 = arith.index_cast %parallel_loop3A_886 : i32 to index
        %parallel_loop3A_899 = arith.constant 16 : index
        %parallel_loop3A_900 = tpu.vector_load %arg14[%parallel_loop3A_897, %parallel_loop3A_898, %parallel_loop3A_899] {strides = array<i32>} : memref<8x8x256xf32, #tpu.memory_space<vmem>>, vector<16xf32>,
        tpu.vector_store %arg14[%parallel_loop3A_897, %parallel_loop3A_898, %parallel_loop3A_899], %parallel_loop3A_896 {strides = array<i32>} : memref<8x8x256xf32, #tpu.memory_space<vmem>>, vector<16xf32>,
        %parallel_loop3A_901 = vector.broadcast %parallel_loop3A_882 : i32 to vector<16xi32>
        %parallel_loop3A_902 = arith.addi %get3A_111, %parallel_loop3A_901 : vector<16xi32>
        %parallel_loop3A_903 = tpu.vector_load_idx %arg8[%parallel_loop3A_902] : memref<65536xf32, #tpu.memory_space<vmem>>[vector<16xi32>], vector<16xf32>,
        %parallel_loop3A_904 = arith.index_cast %parallel_loop3A_884 : i32 to index
        %parallel_loop3A_905 = arith.index_cast %parallel_loop3A_886 : i32 to index
        %parallel_loop3A_906 = arith.constant 32 : index
        %parallel_loop3A_907 = tpu.vector_load %arg14[%parallel_loop3A_904, %parallel_loop3A_905, %parallel_loop3A_906] {strides = array<i32>} : memref<8x8x256xf32, #tpu.memory_space<vmem>>, vector<16xf32>,
        tpu.vector_store %arg14[%parallel_loop3A_904, %parallel_loop3A_905, %parallel_loop3A_906], %parallel_loop3A_903 {strides = array<i32>} : memref<8x8x256xf32, #tpu.memory_space<vmem>>, vector<16xf32>,
        %parallel_loop3A_908 = vector.broadcast %parallel_loop3A_882 : i32 to vector<16xi32>
        %parallel_loop3A_909 = arith.addi %get3A_113, %parallel_loop3A_908 : vector<16xi32>
        %parallel_loop3A_910 = tpu.vector_load_idx %arg8[%parallel_loop3A_909] : memref<65536xf32, #tpu.memory_space<vmem>>[vector<16xi32>], vector<16xf32>,
        %parallel_loop3A_911 = arith.index_cast %parallel_loop3A_884 : i32 to index
        %parallel_loop3A_912 = arith.index_cast %parallel_loop3A_886 : i32 to index
        %parallel_loop3A_913 = arith.constant 48 : index
        %parallel_loop3A_914 = tpu.vector_load %arg14[%parallel_loop3A_911, %parallel_loop3A_912, %parallel_loop3A_913] {strides = array<i32>} : memref<8x8x256xf32, #tpu.memory_space<vmem>>, vector<16xf32>,
        tpu.vector_store %arg14[%parallel_loop3A_911, %parallel_loop3A_912, %parallel_loop3A_913], %parallel_loop3A_910 {strides = array<i32>} : memref<8x8x256xf32, #tpu.memory_space<vmem>>, vector<16xf32>,
        %parallel_loop3A_915 = vector.broadcast %parallel_loop3A_882 : i32 to vector<16xi32>
        %parallel_loop3A_916 = arith.addi %get3A_115, %parallel_loop3A_915 : vector<16xi32>
        %parallel_loop3A_917 = tpu.vector_load_idx %arg8[%parallel_loop3A_916] : memref<65536xf32, #tpu.memory_space<vmem>>[vector<16xi32>], vector<16xf32>,
        %parallel_loop3A_918 = arith.index_cast %parallel_loop3A_884 : i32 to index
        %parallel_loop3A_919 = arith.index_cast %parallel_loop3A_886 : i32 to index
        %parallel_loop3A_920 = arith.constant 64 : index
        %parallel_loop3A_921 = tpu.vector_load %arg14[%parallel_loop3A_918, %parallel_loop3A_919, %parallel_loop3A_920] {strides = array<i32>} : memref<8x8x256xf32, #tpu.memory_space<vmem>>, vector<16xf32>,
        tpu.vector_store %arg14[%parallel_loop3A_918, %parallel_loop3A_919, %parallel_loop3A_920], %parallel_loop3A_917 {strides = array<i32>} : memref<8x8x256xf32, #tpu.memory_space<vmem>>, vector<16xf32>,
        %parallel_loop3A_922 = vector.broadcast %parallel_loop3A_882 : i32 to vector<16xi32>
        %parallel_loop3A_923 = arith.addi %get3A_117, %parallel_loop3A_922 : vector<16xi32>
        %parallel_loop3A_924 = tpu.vector_load_idx %arg8[%parallel_loop3A_923] : memref<65536xf32, #tpu.memory_space<vmem>>[vector<16xi32>], vector<16xf32>,
        %parallel_loop3A_925 = arith.index_cast %parallel_loop3A_884 : i32 to index
        %parallel_loop3A_926 = arith.index_cast %parallel_loop3A_886 : i32 to index
        %parallel_loop3A_927 = arith.constant 80 : index
        %parallel_loop3A_928 = tpu.vector_load %arg14[%parallel_loop3A_925, %parallel_loop3A_926, %parallel_loop3A_927] {strides = array<i32>} : memref<8x8x256xf32, #tpu.memory_space<vmem>>, vector<16xf32>,
        tpu.vector_store %arg14[%parallel_loop3A_925, %parallel_loop3A_926, %parallel_loop3A_927], %parallel_loop3A_924 {strides = array<i32>} : memref<8x8x256xf32, #tpu.memory_space<vmem>>, vector<16xf32>,
        %parallel_loop3A_929 = vector.broadcast %parallel_loop3A_882 : i32 to vector<16xi32>
        %parallel_loop3A_930 = arith.addi %get3A_119, %parallel_loop3A_929 : vector<16xi32>
        %parallel_loop3A_931 = tpu.vector_load_idx %arg8[%parallel_loop3A_930] : memref<65536xf32, #tpu.memory_space<vmem>>[vector<16xi32>], vector<16xf32>,
        %parallel_loop3A_932 = arith.index_cast %parallel_loop3A_884 : i32 to index
        %parallel_loop3A_933 = arith.index_cast %parallel_loop3A_886 : i32 to index
        %parallel_loop3A_934 = arith.constant 96 : index
        %parallel_loop3A_935 = tpu.vector_load %arg14[%parallel_loop3A_932, %parallel_loop3A_933, %parallel_loop3A_934] {strides = array<i32>} : memref<8x8x256xf32, #tpu.memory_space<vmem>>, vector<16xf32>,
        tpu.vector_store %arg14[%parallel_loop3A_932, %parallel_loop3A_933, %parallel_loop3A_934], %parallel_loop3A_931 {strides = array<i32>} : memref<8x8x256xf32, #tpu.memory_space<vmem>>, vector<16xf32>,
        %parallel_loop3A_936 = vector.broadcast %parallel_loop3A_882 : i32 to vector<16xi32>
        %parallel_loop3A_937 = arith.addi %get3A_121, %parallel_loop3A_936 : vector<16xi32>
        %parallel_loop3A_938 = tpu.vector_load_idx %arg8[%parallel_loop3A_937] : memref<65536xf32, #tpu.memory_space<vmem>>[vector<16xi32>], vector<16xf32>,
        %parallel_loop3A_939 = arith.index_cast %parallel_loop3A_884 : i32 to index
        %parallel_loop3A_940 = arith.index_cast %parallel_loop3A_886 : i32 to index
        %parallel_loop3A_941 = arith.constant 112 : index
        %parallel_loop3A_942 = tpu.vector_load %arg14[%parallel_loop3A_939, %parallel_loop3A_940, %parallel_loop3A_941] {strides = array<i32>} : memref<8x8x256xf32, #tpu.memory_space<vmem>>, vector<16xf32>,
        tpu.vector_store %arg14[%parallel_loop3A_939, %parallel_loop3A_940, %parallel_loop3A_941], %parallel_loop3A_938 {strides = array<i32>} : memref<8x8x256xf32, #tpu.memory_space<vmem>>, vector<16xf32>,
        %parallel_loop3A_943 = vector.broadcast %parallel_loop3A_882 : i32 to vector<16xi32>
        %parallel_loop3A_944 = arith.addi %get3A_123, %parallel_loop3A_943 : vector<16xi32>
        %parallel_loop3A_945 = tpu.vector_load_idx %arg8[%parallel_loop3A_944] : memref<65536xf32, #tpu.memory_space<vmem>>[vector<16xi32>], vector<16xf32>,
        %parallel_loop3A_946 = arith.index_cast %parallel_loop3A_884 : i32 to index
        %parallel_loop3A_947 = arith.index_cast %parallel_loop3A_886 : i32 to index
        %parallel_loop3A_948 = arith.constant 128 : index
        %parallel_loop3A_949 = tpu.vector_load %arg14[%parallel_loop3A_946, %parallel_loop3A_947, %parallel_loop3A_948] {strides = array<i32>} : memref<8x8x256xf32, #tpu.memory_space<vmem>>, vector<16xf32>,
        tpu.vector_store %arg14[%parallel_loop3A_946, %parallel_loop3A_947, %parallel_loop3A_948], %parallel_loop3A_945 {strides = array<i32>} : memref<8x8x256xf32, #tpu.memory_space<vmem>>, vector<16xf32>,
        %parallel_loop3A_950 = vector.broadcast %parallel_loop3A_882 : i32 to vector<16xi32>
        %parallel_loop3A_951 = arith.addi %get3A_125, %parallel_loop3A_950 : vector<16xi32>
        %parallel_loop3A_952 = tpu.vector_load_idx %arg8[%parallel_loop3A_951] : memref<65536xf32, #tpu.memory_space<vmem>>[vector<16xi32>], vector<16xf32>,
        %parallel_loop3A_953 = arith.index_cast %parallel_loop3A_884 : i32 to index
        %parallel_loop3A_954 = arith.index_cast %parallel_loop3A_886 : i32 to index
        %parallel_loop3A_955 = arith.constant 144 : index
        %parallel_loop3A_956 = tpu.vector_load %arg14[%parallel_loop3A_953, %parallel_loop3A_954, %parallel_loop3A_955] {strides = array<i32>} : memref<8x8x256xf32, #tpu.memory_space<vmem>>, vector<16xf32>,
        tpu.vector_store %arg14[%parallel_loop3A_953, %parallel_loop3A_954, %parallel_loop3A_955], %parallel_loop3A_952 {strides = array<i32>} : memref<8x8x256xf32, #tpu.memory_space<vmem>>, vector<16xf32>,
        %parallel_loop3A_957 = vector.broadcast %parallel_loop3A_882 : i32 to vector<16xi32>
        %parallel_loop3A_958 = arith.addi %get3A_127, %parallel_loop3A_957 : vector<16xi32>
        %parallel_loop3A_959 = tpu.vector_load_idx %arg8[%parallel_loop3A_958] : memref<65536xf32, #tpu.memory_space<vmem>>[vector<16xi32>], vector<16xf32>,
        %parallel_loop3A_960 = arith.index_cast %parallel_loop3A_884 : i32 to index
        %parallel_loop3A_961 = arith.index_cast %parallel_loop3A_886 : i32 to index
        %parallel_loop3A_962 = arith.constant 160 : index
        %parallel_loop3A_963 = tpu.vector_load %arg14[%parallel_loop3A_960, %parallel_loop3A_961, %parallel_loop3A_962] {strides = array<i32>} : memref<8x8x256xf32, #tpu.memory_space<vmem>>, vector<16xf32>,
        tpu.vector_store %arg14[%parallel_loop3A_960, %parallel_loop3A_961, %parallel_loop3A_962], %parallel_loop3A_959 {strides = array<i32>} : memref<8x8x256xf32, #tpu.memory_space<vmem>>, vector<16xf32>,
        %parallel_loop3A_964 = vector.broadcast %parallel_loop3A_882 : i32 to vector<16xi32>
        %parallel_loop3A_965 = arith.addi %get3A_129, %parallel_loop3A_964 : vector<16xi32>
        %parallel_loop3A_966 = tpu.vector_load_idx %arg8[%parallel_loop3A_965] : memref<65536xf32, #tpu.memory_space<vmem>>[vector<16xi32>], vector<16xf32>,
        %parallel_loop3A_967 = arith.index_cast %parallel_loop3A_884 : i32 to index
        %parallel_loop3A_968 = arith.index_cast %parallel_loop3A_886 : i32 to index
        %parallel_loop3A_969 = arith.constant 176 : index
        %parallel_loop3A_970 = tpu.vector_load %arg14[%parallel_loop3A_967, %parallel_loop3A_968, %parallel_loop3A_969] {strides = array<i32>} : memref<8x8x256xf32, #tpu.memory_space<vmem>>, vector<16xf32>,
        tpu.vector_store %arg14[%parallel_loop3A_967, %parallel_loop3A_968, %parallel_loop3A_969], %parallel_loop3A_966 {strides = array<i32>} : memref<8x8x256xf32, #tpu.memory_space<vmem>>, vector<16xf32>,
        %parallel_loop3A_971 = vector.broadcast %parallel_loop3A_882 : i32 to vector<16xi32>
        %parallel_loop3A_972 = arith.addi %get3A_131, %parallel_loop3A_971 : vector<16xi32>
        %parallel_loop3A_973 = tpu.vector_load_idx %arg8[%parallel_loop3A_972] : memref<65536xf32, #tpu.memory_space<vmem>>[vector<16xi32>], vector<16xf32>,
        %parallel_loop3A_974 = arith.index_cast %parallel_loop3A_884 : i32 to index
        %parallel_loop3A_975 = arith.index_cast %parallel_loop3A_886 : i32 to index
        %parallel_loop3A_976 = arith.constant 192 : index
        %parallel_loop3A_977 = tpu.vector_load %arg14[%parallel_loop3A_974, %parallel_loop3A_975, %parallel_loop3A_976] {strides = array<i32>} : memref<8x8x256xf32, #tpu.memory_space<vmem>>, vector<16xf32>,
        tpu.vector_store %arg14[%parallel_loop3A_974, %parallel_loop3A_975, %parallel_loop3A_976], %parallel_loop3A_973 {strides = array<i32>} : memref<8x8x256xf32, #tpu.memory_space<vmem>>, vector<16xf32>,
        %parallel_loop3A_978 = vector.broadcast %parallel_loop3A_882 : i32 to vector<16xi32>
        %parallel_loop3A_979 = arith.addi %get3A_133, %parallel_loop3A_978 : vector<16xi32>
        %parallel_loop3A_980 = tpu.vector_load_idx %arg8[%parallel_loop3A_979] : memref<65536xf32, #tpu.memory_space<vmem>>[vector<16xi32>], vector<16xf32>,
        %parallel_loop3A_981 = arith.index_cast %parallel_loop3A_884 : i32 to index
        %parallel_loop3A_982 = arith.index_cast %parallel_loop3A_886 : i32 to index
        %parallel_loop3A_983 = arith.constant 208 : index
        %parallel_loop3A_984 = tpu.vector_load %arg14[%parallel_loop3A_981, %parallel_loop3A_982, %parallel_loop3A_983] {strides = array<i32>} : memref<8x8x256xf32, #tpu.memory_space<vmem>>, vector<16xf32>,
        tpu.vector_store %arg14[%parallel_loop3A_981, %parallel_loop3A_982, %parallel_loop3A_983], %parallel_loop3A_980 {strides = array<i32>} : memref<8x8x256xf32, #tpu.memory_space<vmem>>, vector<16xf32>,
        %parallel_loop3A_985 = vector.broadcast %parallel_loop3A_882 : i32 to vector<16xi32>
        %parallel_loop3A_986 = arith.addi %get3A_135, %parallel_loop3A_985 : vector<16xi32>
        %parallel_loop3A_987 = tpu.vector_load_idx %arg8[%parallel_loop3A_986] : memref<65536xf32, #tpu.memory_space<vmem>>[vector<16xi32>], vector<16xf32>,
        %parallel_loop3A_988 = arith.index_cast %parallel_loop3A_884 : i32 to index
        %parallel_loop3A_989 = arith.index_cast %parallel_loop3A_886 : i32 to index
        %parallel_loop3A_990 = arith.constant 224 : index
        %parallel_loop3A_991 = tpu.vector_load %arg14[%parallel_loop3A_988, %parallel_loop3A_989, %parallel_loop3A_990] {strides = array<i32>} : memref<8x8x256xf32, #tpu.memory_space<vmem>>, vector<16xf32>,
        tpu.vector_store %arg14[%parallel_loop3A_988, %parallel_loop3A_989, %parallel_loop3A_990], %parallel_loop3A_987 {strides = array<i32>} : memref<8x8x256xf32, #tpu.memory_space<vmem>>, vector<16xf32>,
        %parallel_loop3A_992 = vector.broadcast %parallel_loop3A_882 : i32 to vector<16xi32>
        %parallel_loop3A_993 = arith.addi %get3A_137, %parallel_loop3A_992 : vector<16xi32>
        %parallel_loop3A_994 = tpu.vector_load_idx %arg8[%parallel_loop3A_993] : memref<65536xf32, #tpu.memory_space<vmem>>[vector<16xi32>], vector<16xf32>,
        %parallel_loop3A_995 = arith.index_cast %parallel_loop3A_884 : i32 to index
        %parallel_loop3A_996 = arith.index_cast %parallel_loop3A_886 : i32 to index
        %parallel_loop3A_997 = arith.constant 240 : index
        %parallel_loop3A_998 = tpu.vector_load %arg14[%parallel_loop3A_995, %parallel_loop3A_996, %parallel_loop3A_997] {strides = array<i32>} : memref<8x8x256xf32, #tpu.memory_space<vmem>>, vector<16xf32>,
        tpu.vector_store %arg14[%parallel_loop3A_995, %parallel_loop3A_996, %parallel_loop3A_997], %parallel_loop3A_994 {strides = array<i32>} : memref<8x8x256xf32, #tpu.memory_space<vmem>>, vector<16xf32>,
      } {sc.loop_unroll_factor = 4 : i64, sc.parallel_access}
      %get3A_140 = arith.constant 0 : index
      %get3A_141 = tpu.vector_load %arg12[%get3A_140] {strides = array<i32>} : memref<256xi32, #tpu.memory_space<vmem>>, vector<16xi32>,
      %and3A_142 = arith.constant 63 : i32
      %and3A_143 = vector.broadcast %and3A_142 : i32 to vector<16xi32>
      %and3A_144 = arith.andi %get3A_141, %and3A_143 : vector<16xi32>
      %mul3A_145 = arith.constant 1024 : i32
      %mul3A_146 = vector.broadcast %mul3A_145 : i32 to vector<16xi32>
      %mul3A_147 = arith.muli %and3A_144, %mul3A_146 : vector<16xi32>
      %add3A_148 = arith.addi %get3A_107, %mul3A_147 : vector<16xi32>
      %gather3A = tpu.vector_load_idx %arg8[%add3A_148] : memref<65536xf32, #tpu.memory_space<vmem>>[vector<16xi32>], vector<16xf32>,
      %gather3A_149 = tpu.vector_load_idx %arg9[%get3A_107] : memref<1000xf32, #tpu.memory_space<vmem>>[vector<16xi32>], vector<16xf32>,
      %shift_right_arithmetic3A = arith.constant 6 : i32
      %shift_right_arithmetic3A_150 = vector.broadcast %shift_right_arithmetic3A : i32 to vector<16xi32>
      %shift_right_arithmetic3A_151 = arith.shrsi %get3A_141, %shift_right_arithmetic3A_150 : vector<16xi32>
      %eq3A_152 = arith.cmpi eq, %shift_right_arithmetic3A_151, %broadcast_in_dim3A : vector<16xi32>
      %sub3A_153 = arith.subf %gather3A_149, %gather3A : vector<16xf32>
      %broadcast_in_dim3A_154 = arith.constant 0.000000e+00 : f32
      %broadcast_in_dim3A_155 = vector.broadcast %broadcast_in_dim3A_154 : f32 to vector<16xf32>
      %select_n3A_156 = arith.select %eq3A_152, %sub3A_153, %broadcast_in_dim3A_155 : vector<16xi1>, vector<16xf32>
      %add3A_157 = arith.addf %scan3A_94, %select_n3A_156 : vector<16xf32>
      %get3A_158 = arith.constant 16 : index
      %get3A_159 = tpu.vector_load %arg12[%get3A_158] {strides = array<i32>} : memref<256xi32, #tpu.memory_space<vmem>>, vector<16xi32>,
      %and3A_160 = arith.constant 63 : i32
      %and3A_161 = vector.broadcast %and3A_160 : i32 to vector<16xi32>
      %and3A_162 = arith.andi %get3A_159, %and3A_161 : vector<16xi32>
      %mul3A_163 = arith.constant 1024 : i32
      %mul3A_164 = vector.broadcast %mul3A_163 : i32 to vector<16xi32>
      %mul3A_165 = arith.muli %and3A_162, %mul3A_164 : vector<16xi32>
      %add3A_166 = arith.addi %get3A_109, %mul3A_165 : vector<16xi32>
      %gather3A_167 = tpu.vector_load_idx %arg8[%add3A_166] : memref<65536xf32, #tpu.memory_space<vmem>>[vector<16xi32>], vector<16xf32>,
      %gather3A_168 = tpu.vector_load_idx %arg9[%get3A_109] : memref<1000xf32, #tpu.memory_space<vmem>>[vector<16xi32>], vector<16xf32>,
      %shift_right_arithmetic3A_169 = arith.constant 6 : i32
      %shift_right_arithmetic3A_170 = vector.broadcast %shift_right_arithmetic3A_169 : i32 to vector<16xi32>
      %shift_right_arithmetic3A_171 = arith.shrsi %get3A_159, %shift_right_arithmetic3A_170 : vector<16xi32>
      %eq3A_172 = arith.cmpi eq, %shift_right_arithmetic3A_171, %broadcast_in_dim3A : vector<16xi32>
      %sub3A_173 = arith.subf %gather3A_168, %gather3A_167 : vector<16xf32>
      %broadcast_in_dim3A_174 = arith.constant 0.000000e+00 : f32
      %broadcast_in_dim3A_175 = vector.broadcast %broadcast_in_dim3A_174 : f32 to vector<16xf32>
      %select_n3A_176 = arith.select %eq3A_172, %sub3A_173, %broadcast_in_dim3A_175 : vector<16xi1>, vector<16xf32>
      %add3A_177 = arith.addf %add3A_157, %select_n3A_176 : vector<16xf32>
      %get3A_178 = arith.constant 32 : index
      %get3A_179 = tpu.vector_load %arg12[%get3A_178] {strides = array<i32>} : memref<256xi32, #tpu.memory_space<vmem>>, vector<16xi32>,
      %and3A_180 = arith.constant 63 : i32
      %and3A_181 = vector.broadcast %and3A_180 : i32 to vector<16xi32>
      %and3A_182 = arith.andi %get3A_179, %and3A_181 : vector<16xi32>
      %mul3A_183 = arith.constant 1024 : i32
      %mul3A_184 = vector.broadcast %mul3A_183 : i32 to vector<16xi32>
      %mul3A_185 = arith.muli %and3A_182, %mul3A_184 : vector<16xi32>
      %add3A_186 = arith.addi %get3A_111, %mul3A_185 : vector<16xi32>
      %gather3A_187 = tpu.vector_load_idx %arg8[%add3A_186] : memref<65536xf32, #tpu.memory_space<vmem>>[vector<16xi32>], vector<16xf32>,
      %gather3A_188 = tpu.vector_load_idx %arg9[%get3A_111] : memref<1000xf32, #tpu.memory_space<vmem>>[vector<16xi32>], vector<16xf32>,
      %shift_right_arithmetic3A_189 = arith.constant 6 : i32
      %shift_right_arithmetic3A_190 = vector.broadcast %shift_right_arithmetic3A_189 : i32 to vector<16xi32>
      %shift_right_arithmetic3A_191 = arith.shrsi %get3A_179, %shift_right_arithmetic3A_190 : vector<16xi32>
      %eq3A_192 = arith.cmpi eq, %shift_right_arithmetic3A_191, %broadcast_in_dim3A : vector<16xi32>
      %sub3A_193 = arith.subf %gather3A_188, %gather3A_187 : vector<16xf32>
      %broadcast_in_dim3A_194 = arith.constant 0.000000e+00 : f32
      %broadcast_in_dim3A_195 = vector.broadcast %broadcast_in_dim3A_194 : f32 to vector<16xf32>
      %select_n3A_196 = arith.select %eq3A_192, %sub3A_193, %broadcast_in_dim3A_195 : vector<16xi1>, vector<16xf32>
      %add3A_197 = arith.addf %add3A_177, %select_n3A_196 : vector<16xf32>
      %get3A_198 = arith.constant 48 : index
      %get3A_199 = tpu.vector_load %arg12[%get3A_198] {strides = array<i32>} : memref<256xi32, #tpu.memory_space<vmem>>, vector<16xi32>,
      %and3A_200 = arith.constant 63 : i32
      %and3A_201 = vector.broadcast %and3A_200 : i32 to vector<16xi32>
      %and3A_202 = arith.andi %get3A_199, %and3A_201 : vector<16xi32>
      %mul3A_203 = arith.constant 1024 : i32
      %mul3A_204 = vector.broadcast %mul3A_203 : i32 to vector<16xi32>
      %mul3A_205 = arith.muli %and3A_202, %mul3A_204 : vector<16xi32>
      %add3A_206 = arith.addi %get3A_113, %mul3A_205 : vector<16xi32>
      %gather3A_207 = tpu.vector_load_idx %arg8[%add3A_206] : memref<65536xf32, #tpu.memory_space<vmem>>[vector<16xi32>], vector<16xf32>,
      %gather3A_208 = tpu.vector_load_idx %arg9[%get3A_113] : memref<1000xf32, #tpu.memory_space<vmem>>[vector<16xi32>], vector<16xf32>,
      %shift_right_arithmetic3A_209 = arith.constant 6 : i32
      %shift_right_arithmetic3A_210 = vector.broadcast %shift_right_arithmetic3A_209 : i32 to vector<16xi32>
      %shift_right_arithmetic3A_211 = arith.shrsi %get3A_199, %shift_right_arithmetic3A_210 : vector<16xi32>
      %eq3A_212 = arith.cmpi eq, %shift_right_arithmetic3A_211, %broadcast_in_dim3A : vector<16xi32>
      %sub3A_213 = arith.subf %gather3A_208, %gather3A_207 : vector<16xf32>
      %broadcast_in_dim3A_214 = arith.constant 0.000000e+00 : f32
      %broadcast_in_dim3A_215 = vector.broadcast %broadcast_in_dim3A_214 : f32 to vector<16xf32>
      %select_n3A_216 = arith.select %eq3A_212, %sub3A_213, %broadcast_in_dim3A_215 : vector<16xi1>, vector<16xf32>
      %add3A_217 = arith.addf %add3A_197, %select_n3A_216 : vector<16xf32>
      %get3A_218 = arith.constant 64 : index
      %get3A_219 = tpu.vector_load %arg12[%get3A_218] {strides = array<i32>} : memref<256xi32, #tpu.memory_space<vmem>>, vector<16xi32>,
      %and3A_220 = arith.constant 63 : i32
      %and3A_221 = vector.broadcast %and3A_220 : i32 to vector<16xi32>
      %and3A_222 = arith.andi %get3A_219, %and3A_221 : vector<16xi32>
      %mul3A_223 = arith.constant 1024 : i32
      %mul3A_224 = vector.broadcast %mul3A_223 : i32 to vector<16xi32>
      %mul3A_225 = arith.muli %and3A_222, %mul3A_224 : vector<16xi32>
      %add3A_226 = arith.addi %get3A_115, %mul3A_225 : vector<16xi32>
      %gather3A_227 = tpu.vector_load_idx %arg8[%add3A_226] : memref<65536xf32, #tpu.memory_space<vmem>>[vector<16xi32>], vector<16xf32>,
      %gather3A_228 = tpu.vector_load_idx %arg9[%get3A_115] : memref<1000xf32, #tpu.memory_space<vmem>>[vector<16xi32>], vector<16xf32>,
      %shift_right_arithmetic3A_229 = arith.constant 6 : i32
      %shift_right_arithmetic3A_230 = vector.broadcast %shift_right_arithmetic3A_229 : i32 to vector<16xi32>
      %shift_right_arithmetic3A_231 = arith.shrsi %get3A_219, %shift_right_arithmetic3A_230 : vector<16xi32>
      %eq3A_232 = arith.cmpi eq, %shift_right_arithmetic3A_231, %broadcast_in_dim3A : vector<16xi32>
      %sub3A_233 = arith.subf %gather3A_228, %gather3A_227 : vector<16xf32>
      %broadcast_in_dim3A_234 = arith.constant 0.000000e+00 : f32
      %broadcast_in_dim3A_235 = vector.broadcast %broadcast_in_dim3A_234 : f32 to vector<16xf32>
      %select_n3A_236 = arith.select %eq3A_232, %sub3A_233, %broadcast_in_dim3A_235 : vector<16xi1>, vector<16xf32>
      %add3A_237 = arith.addf %add3A_217, %select_n3A_236 : vector<16xf32>
      %get3A_238 = arith.constant 80 : index
      %get3A_239 = tpu.vector_load %arg12[%get3A_238] {strides = array<i32>} : memref<256xi32, #tpu.memory_space<vmem>>, vector<16xi32>,
      %and3A_240 = arith.constant 63 : i32
      %and3A_241 = vector.broadcast %and3A_240 : i32 to vector<16xi32>
      %and3A_242 = arith.andi %get3A_239, %and3A_241 : vector<16xi32>
      %mul3A_243 = arith.constant 1024 : i32
      %mul3A_244 = vector.broadcast %mul3A_243 : i32 to vector<16xi32>
      %mul3A_245 = arith.muli %and3A_242, %mul3A_244 : vector<16xi32>
      %add3A_246 = arith.addi %get3A_117, %mul3A_245 : vector<16xi32>
      %gather3A_247 = tpu.vector_load_idx %arg8[%add3A_246] : memref<65536xf32, #tpu.memory_space<vmem>>[vector<16xi32>], vector<16xf32>,
      %gather3A_248 = tpu.vector_load_idx %arg9[%get3A_117] : memref<1000xf32, #tpu.memory_space<vmem>>[vector<16xi32>], vector<16xf32>,
      %shift_right_arithmetic3A_249 = arith.constant 6 : i32
      %shift_right_arithmetic3A_250 = vector.broadcast %shift_right_arithmetic3A_249 : i32 to vector<16xi32>
      %shift_right_arithmetic3A_251 = arith.shrsi %get3A_239, %shift_right_arithmetic3A_250 : vector<16xi32>
      %eq3A_252 = arith.cmpi eq, %shift_right_arithmetic3A_251, %broadcast_in_dim3A : vector<16xi32>
      %sub3A_253 = arith.subf %gather3A_248, %gather3A_247 : vector<16xf32>
      %broadcast_in_dim3A_254 = arith.constant 0.000000e+00 : f32
      %broadcast_in_dim3A_255 = vector.broadcast %broadcast_in_dim3A_254 : f32 to vector<16xf32>
      %select_n3A_256 = arith.select %eq3A_252, %sub3A_253, %broadcast_in_dim3A_255 : vector<16xi1>, vector<16xf32>
      %add3A_257 = arith.addf %add3A_237, %select_n3A_256 : vector<16xf32>
      %get3A_258 = arith.constant 96 : index
      %get3A_259 = tpu.vector_load %arg12[%get3A_258] {strides = array<i32>} : memref<256xi32, #tpu.memory_space<vmem>>, vector<16xi32>,
      %and3A_260 = arith.constant 63 : i32
      %and3A_261 = vector.broadcast %and3A_260 : i32 to vector<16xi32>
      %and3A_262 = arith.andi %get3A_259, %and3A_261 : vector<16xi32>
      %mul3A_263 = arith.constant 1024 : i32
      %mul3A_264 = vector.broadcast %mul3A_263 : i32 to vector<16xi32>
      %mul3A_265 = arith.muli %and3A_262, %mul3A_264 : vector<16xi32>
      %add3A_266 = arith.addi %get3A_119, %mul3A_265 : vector<16xi32>
      %gather3A_267 = tpu.vector_load_idx %arg8[%add3A_266] : memref<65536xf32, #tpu.memory_space<vmem>>[vector<16xi32>], vector<16xf32>,
      %gather3A_268 = tpu.vector_load_idx %arg9[%get3A_119] : memref<1000xf32, #tpu.memory_space<vmem>>[vector<16xi32>], vector<16xf32>,
      %shift_right_arithmetic3A_269 = arith.constant 6 : i32
      %shift_right_arithmetic3A_270 = vector.broadcast %shift_right_arithmetic3A_269 : i32 to vector<16xi32>
      %shift_right_arithmetic3A_271 = arith.shrsi %get3A_259, %shift_right_arithmetic3A_270 : vector<16xi32>
      %eq3A_272 = arith.cmpi eq, %shift_right_arithmetic3A_271, %broadcast_in_dim3A : vector<16xi32>
      %sub3A_273 = arith.subf %gather3A_268, %gather3A_267 : vector<16xf32>
      %broadcast_in_dim3A_274 = arith.constant 0.000000e+00 : f32
      %broadcast_in_dim3A_275 = vector.broadcast %broadcast_in_dim3A_274 : f32 to vector<16xf32>
      %select_n3A_276 = arith.select %eq3A_272, %sub3A_273, %broadcast_in_dim3A_275 : vector<16xi1>, vector<16xf32>
      %add3A_277 = arith.addf %add3A_257, %select_n3A_276 : vector<16xf32>
      %get3A_278 = arith.constant 112 : index
      %get3A_279 = tpu.vector_load %arg12[%get3A_278] {strides = array<i32>} : memref<256xi32, #tpu.memory_space<vmem>>, vector<16xi32>,
      %and3A_280 = arith.constant 63 : i32
      %and3A_281 = vector.broadcast %and3A_280 : i32 to vector<16xi32>
      %and3A_282 = arith.andi %get3A_279, %and3A_281 : vector<16xi32>
      %mul3A_283 = arith.constant 1024 : i32
      %mul3A_284 = vector.broadcast %mul3A_283 : i32 to vector<16xi32>
      %mul3A_285 = arith.muli %and3A_282, %mul3A_284 : vector<16xi32>
      %add3A_286 = arith.addi %get3A_121, %mul3A_285 : vector<16xi32>
      %gather3A_287 = tpu.vector_load_idx %arg8[%add3A_286] : memref<65536xf32, #tpu.memory_space<vmem>>[vector<16xi32>], vector<16xf32>,
      %gather3A_288 = tpu.vector_load_idx %arg9[%get3A_121] : memref<1000xf32, #tpu.memory_space<vmem>>[vector<16xi32>], vector<16xf32>,
      %shift_right_arithmetic3A_289 = arith.constant 6 : i32
      %shift_right_arithmetic3A_290 = vector.broadcast %shift_right_arithmetic3A_289 : i32 to vector<16xi32>
      %shift_right_arithmetic3A_291 = arith.shrsi %get3A_279, %shift_right_arithmetic3A_290 : vector<16xi32>
      %eq3A_292 = arith.cmpi eq, %shift_right_arithmetic3A_291, %broadcast_in_dim3A : vector<16xi32>
      %sub3A_293 = arith.subf %gather3A_288, %gather3A_287 : vector<16xf32>
      %broadcast_in_dim3A_294 = arith.constant 0.000000e+00 : f32
      %broadcast_in_dim3A_295 = vector.broadcast %broadcast_in_dim3A_294 : f32 to vector<16xf32>
      %select_n3A_296 = arith.select %eq3A_292, %sub3A_293, %broadcast_in_dim3A_295 : vector<16xi1>, vector<16xf32>
      %add3A_297 = arith.addf %add3A_277, %select_n3A_296 : vector<16xf32>
      %get3A_298 = arith.constant 128 : index
      %get3A_299 = tpu.vector_load %arg12[%get3A_298] {strides = array<i32>} : memref<256xi32, #tpu.memory_space<vmem>>, vector<16xi32>,
      %and3A_300 = arith.constant 63 : i32
      %and3A_301 = vector.broadcast %and3A_300 : i32 to vector<16xi32>
      %and3A_302 = arith.andi %get3A_299, %and3A_301 : vector<16xi32>
      %mul3A_303 = arith.constant 1024 : i32
      %mul3A_304 = vector.broadcast %mul3A_303 : i32 to vector<16xi32>
      %mul3A_305 = arith.muli %and3A_302, %mul3A_304 : vector<16xi32>
      %add3A_306 = arith.addi %get3A_123, %mul3A_305 : vector<16xi32>
      %gather3A_307 = tpu.vector_load_idx %arg8[%add3A_306] : memref<65536xf32, #tpu.memory_space<vmem>>[vector<16xi32>], vector<16xf32>,
      %gather3A_308 = tpu.vector_load_idx %arg9[%get3A_123] : memref<1000xf32, #tpu.memory_space<vmem>>[vector<16xi32>], vector<16xf32>,
      %shift_right_arithmetic3A_309 = arith.constant 6 : i32
      %shift_right_arithmetic3A_310 = vector.broadcast %shift_right_arithmetic3A_309 : i32 to vector<16xi32>
      %shift_right_arithmetic3A_311 = arith.shrsi %get3A_299, %shift_right_arithmetic3A_310 : vector<16xi32>
      %eq3A_312 = arith.cmpi eq, %shift_right_arithmetic3A_311, %broadcast_in_dim3A : vector<16xi32>
      %sub3A_313 = arith.subf %gather3A_308, %gather3A_307 : vector<16xf32>
      %broadcast_in_dim3A_314 = arith.constant 0.000000e+00 : f32
      %broadcast_in_dim3A_315 = vector.broadcast %broadcast_in_dim3A_314 : f32 to vector<16xf32>
      %select_n3A_316 = arith.select %eq3A_312, %sub3A_313, %broadcast_in_dim3A_315 : vector<16xi1>, vector<16xf32>
      %add3A_317 = arith.addf %add3A_297, %select_n3A_316 : vector<16xf32>
      %get3A_318 = arith.constant 144 : index
      %get3A_319 = tpu.vector_load %arg12[%get3A_318] {strides = array<i32>} : memref<256xi32, #tpu.memory_space<vmem>>, vector<16xi32>,
      %and3A_320 = arith.constant 63 : i32
      %and3A_321 = vector.broadcast %and3A_320 : i32 to vector<16xi32>
      %and3A_322 = arith.andi %get3A_319, %and3A_321 : vector<16xi32>
      %mul3A_323 = arith.constant 1024 : i32
      %mul3A_324 = vector.broadcast %mul3A_323 : i32 to vector<16xi32>
      %mul3A_325 = arith.muli %and3A_322, %mul3A_324 : vector<16xi32>
      %add3A_326 = arith.addi %get3A_125, %mul3A_325 : vector<16xi32>
      %gather3A_327 = tpu.vector_load_idx %arg8[%add3A_326] : memref<65536xf32, #tpu.memory_space<vmem>>[vector<16xi32>], vector<16xf32>,
      %gather3A_328 = tpu.vector_load_idx %arg9[%get3A_125] : memref<1000xf32, #tpu.memory_space<vmem>>[vector<16xi32>], vector<16xf32>,
      %shift_right_arithmetic3A_329 = arith.constant 6 : i32
      %shift_right_arithmetic3A_330 = vector.broadcast %shift_right_arithmetic3A_329 : i32 to vector<16xi32>
      %shift_right_arithmetic3A_331 = arith.shrsi %get3A_319, %shift_right_arithmetic3A_330 : vector<16xi32>
      %eq3A_332 = arith.cmpi eq, %shift_right_arithmetic3A_331, %broadcast_in_dim3A : vector<16xi32>
      %sub3A_333 = arith.subf %gather3A_328, %gather3A_327 : vector<16xf32>
      %broadcast_in_dim3A_334 = arith.constant 0.000000e+00 : f32
      %broadcast_in_dim3A_335 = vector.broadcast %broadcast_in_dim3A_334 : f32 to vector<16xf32>
      %select_n3A_336 = arith.select %eq3A_332, %sub3A_333, %broadcast_in_dim3A_335 : vector<16xi1>, vector<16xf32>
      %add3A_337 = arith.addf %add3A_317, %select_n3A_336 : vector<16xf32>
      %get3A_338 = arith.constant 160 : index
      %get3A_339 = tpu.vector_load %arg12[%get3A_338] {strides = array<i32>} : memref<256xi32, #tpu.memory_space<vmem>>, vector<16xi32>,
      %and3A_340 = arith.constant 63 : i32
      %and3A_341 = vector.broadcast %and3A_340 : i32 to vector<16xi32>
      %and3A_342 = arith.andi %get3A_339, %and3A_341 : vector<16xi32>
      %mul3A_343 = arith.constant 1024 : i32
      %mul3A_344 = vector.broadcast %mul3A_343 : i32 to vector<16xi32>
      %mul3A_345 = arith.muli %and3A_342, %mul3A_344 : vector<16xi32>
      %add3A_346 = arith.addi %get3A_127, %mul3A_345 : vector<16xi32>
      %gather3A_347 = tpu.vector_load_idx %arg8[%add3A_346] : memref<65536xf32, #tpu.memory_space<vmem>>[vector<16xi32>], vector<16xf32>,
      %gather3A_348 = tpu.vector_load_idx %arg9[%get3A_127] : memref<1000xf32, #tpu.memory_space<vmem>>[vector<16xi32>], vector<16xf32>,
      %shift_right_arithmetic3A_349 = arith.constant 6 : i32
      %shift_right_arithmetic3A_350 = vector.broadcast %shift_right_arithmetic3A_349 : i32 to vector<16xi32>
      %shift_right_arithmetic3A_351 = arith.shrsi %get3A_339, %shift_right_arithmetic3A_350 : vector<16xi32>
      %eq3A_352 = arith.cmpi eq, %shift_right_arithmetic3A_351, %broadcast_in_dim3A : vector<16xi32>
      %sub3A_353 = arith.subf %gather3A_348, %gather3A_347 : vector<16xf32>
      %broadcast_in_dim3A_354 = arith.constant 0.000000e+00 : f32
      %broadcast_in_dim3A_355 = vector.broadcast %broadcast_in_dim3A_354 : f32 to vector<16xf32>
      %select_n3A_356 = arith.select %eq3A_352, %sub3A_353, %broadcast_in_dim3A_355 : vector<16xi1>, vector<16xf32>
      %add3A_357 = arith.addf %add3A_337, %select_n3A_356 : vector<16xf32>
      %get3A_358 = arith.constant 176 : index
      %get3A_359 = tpu.vector_load %arg12[%get3A_358] {strides = array<i32>} : memref<256xi32, #tpu.memory_space<vmem>>, vector<16xi32>,
      %and3A_360 = arith.constant 63 : i32
      %and3A_361 = vector.broadcast %and3A_360 : i32 to vector<16xi32>
      %and3A_362 = arith.andi %get3A_359, %and3A_361 : vector<16xi32>
      %mul3A_363 = arith.constant 1024 : i32
      %mul3A_364 = vector.broadcast %mul3A_363 : i32 to vector<16xi32>
      %mul3A_365 = arith.muli %and3A_362, %mul3A_364 : vector<16xi32>
      %add3A_366 = arith.addi %get3A_129, %mul3A_365 : vector<16xi32>
      %gather3A_367 = tpu.vector_load_idx %arg8[%add3A_366] : memref<65536xf32, #tpu.memory_space<vmem>>[vector<16xi32>], vector<16xf32>,
      %gather3A_368 = tpu.vector_load_idx %arg9[%get3A_129] : memref<1000xf32, #tpu.memory_space<vmem>>[vector<16xi32>], vector<16xf32>,
      %shift_right_arithmetic3A_369 = arith.constant 6 : i32
      %shift_right_arithmetic3A_370 = vector.broadcast %shift_right_arithmetic3A_369 : i32 to vector<16xi32>
      %shift_right_arithmetic3A_371 = arith.shrsi %get3A_359, %shift_right_arithmetic3A_370 : vector<16xi32>
      %eq3A_372 = arith.cmpi eq, %shift_right_arithmetic3A_371, %broadcast_in_dim3A : vector<16xi32>
      %sub3A_373 = arith.subf %gather3A_368, %gather3A_367 : vector<16xf32>
      %broadcast_in_dim3A_374 = arith.constant 0.000000e+00 : f32
      %broadcast_in_dim3A_375 = vector.broadcast %broadcast_in_dim3A_374 : f32 to vector<16xf32>
      %select_n3A_376 = arith.select %eq3A_372, %sub3A_373, %broadcast_in_dim3A_375 : vector<16xi1>, vector<16xf32>
      %add3A_377 = arith.addf %add3A_357, %select_n3A_376 : vector<16xf32>
      %get3A_378 = arith.constant 192 : index
      %get3A_379 = tpu.vector_load %arg12[%get3A_378] {strides = array<i32>} : memref<256xi32, #tpu.memory_space<vmem>>, vector<16xi32>,
      %and3A_380 = arith.constant 63 : i32
      %and3A_381 = vector.broadcast %and3A_380 : i32 to vector<16xi32>
      %and3A_382 = arith.andi %get3A_379, %and3A_381 : vector<16xi32>
      %mul3A_383 = arith.constant 1024 : i32
      %mul3A_384 = vector.broadcast %mul3A_383 : i32 to vector<16xi32>
      %mul3A_385 = arith.muli %and3A_382, %mul3A_384 : vector<16xi32>
      %add3A_386 = arith.addi %get3A_131, %mul3A_385 : vector<16xi32>
      %gather3A_387 = tpu.vector_load_idx %arg8[%add3A_386] : memref<65536xf32, #tpu.memory_space<vmem>>[vector<16xi32>], vector<16xf32>,
      %gather3A_388 = tpu.vector_load_idx %arg9[%get3A_131] : memref<1000xf32, #tpu.memory_space<vmem>>[vector<16xi32>], vector<16xf32>,
      %shift_right_arithmetic3A_389 = arith.constant 6 : i32
      %shift_right_arithmetic3A_390 = vector.broadcast %shift_right_arithmetic3A_389 : i32 to vector<16xi32>
      %shift_right_arithmetic3A_391 = arith.shrsi %get3A_379, %shift_right_arithmetic3A_390 : vector<16xi32>
      %eq3A_392 = arith.cmpi eq, %shift_right_arithmetic3A_391, %broadcast_in_dim3A : vector<16xi32>
      %sub3A_393 = arith.subf %gather3A_388, %gather3A_387 : vector<16xf32>
      %broadcast_in_dim3A_394 = arith.constant 0.000000e+00 : f32
      %broadcast_in_dim3A_395 = vector.broadcast %broadcast_in_dim3A_394 : f32 to vector<16xf32>
      %select_n3A_396 = arith.select %eq3A_392, %sub3A_393, %broadcast_in_dim3A_395 : vector<16xi1>, vector<16xf32>
      %add3A_397 = arith.addf %add3A_377, %select_n3A_396 : vector<16xf32>
      %get3A_398 = arith.constant 208 : index
      %get3A_399 = tpu.vector_load %arg12[%get3A_398] {strides = array<i32>} : memref<256xi32, #tpu.memory_space<vmem>>, vector<16xi32>,
      %and3A_400 = arith.constant 63 : i32
      %and3A_401 = vector.broadcast %and3A_400 : i32 to vector<16xi32>
      %and3A_402 = arith.andi %get3A_399, %and3A_401 : vector<16xi32>
      %mul3A_403 = arith.constant 1024 : i32
      %mul3A_404 = vector.broadcast %mul3A_403 : i32 to vector<16xi32>
      %mul3A_405 = arith.muli %and3A_402, %mul3A_404 : vector<16xi32>
      %add3A_406 = arith.addi %get3A_133, %mul3A_405 : vector<16xi32>
      %gather3A_407 = tpu.vector_load_idx %arg8[%add3A_406] : memref<65536xf32, #tpu.memory_space<vmem>>[vector<16xi32>], vector<16xf32>,
      %gather3A_408 = tpu.vector_load_idx %arg9[%get3A_133] : memref<1000xf32, #tpu.memory_space<vmem>>[vector<16xi32>], vector<16xf32>,
      %shift_right_arithmetic3A_409 = arith.constant 6 : i32
      %shift_right_arithmetic3A_410 = vector.broadcast %shift_right_arithmetic3A_409 : i32 to vector<16xi32>
      %shift_right_arithmetic3A_411 = arith.shrsi %get3A_399, %shift_right_arithmetic3A_410 : vector<16xi32>
      %eq3A_412 = arith.cmpi eq, %shift_right_arithmetic3A_411, %broadcast_in_dim3A : vector<16xi32>
      %sub3A_413 = arith.subf %gather3A_408, %gather3A_407 : vector<16xf32>
      %broadcast_in_dim3A_414 = arith.constant 0.000000e+00 : f32
      %broadcast_in_dim3A_415 = vector.broadcast %broadcast_in_dim3A_414 : f32 to vector<16xf32>
      %select_n3A_416 = arith.select %eq3A_412, %sub3A_413, %broadcast_in_dim3A_415 : vector<16xi1>, vector<16xf32>
      %add3A_417 = arith.addf %add3A_397, %select_n3A_416 : vector<16xf32>
      %get3A_418 = arith.constant 224 : index
      %get3A_419 = tpu.vector_load %arg12[%get3A_418] {strides = array<i32>} : memref<256xi32, #tpu.memory_space<vmem>>, vector<16xi32>,
      %and3A_420 = arith.constant 63 : i32
      %and3A_421 = vector.broadcast %and3A_420 : i32 to vector<16xi32>
      %and3A_422 = arith.andi %get3A_419, %and3A_421 : vector<16xi32>
      %mul3A_423 = arith.constant 1024 : i32
      %mul3A_424 = vector.broadcast %mul3A_423 : i32 to vector<16xi32>
      %mul3A_425 = arith.muli %and3A_422, %mul3A_424 : vector<16xi32>
      %add3A_426 = arith.addi %get3A_135, %mul3A_425 : vector<16xi32>
      %gather3A_427 = tpu.vector_load_idx %arg8[%add3A_426] : memref<65536xf32, #tpu.memory_space<vmem>>[vector<16xi32>], vector<16xf32>,
      %gather3A_428 = tpu.vector_load_idx %arg9[%get3A_135] : memref<1000xf32, #tpu.memory_space<vmem>>[vector<16xi32>], vector<16xf32>,
      %shift_right_arithmetic3A_429 = arith.constant 6 : i32
      %shift_right_arithmetic3A_430 = vector.broadcast %shift_right_arithmetic3A_429 : i32 to vector<16xi32>
      %shift_right_arithmetic3A_431 = arith.shrsi %get3A_419, %shift_right_arithmetic3A_430 : vector<16xi32>
      %eq3A_432 = arith.cmpi eq, %shift_right_arithmetic3A_431, %broadcast_in_dim3A : vector<16xi32>
      %sub3A_433 = arith.subf %gather3A_428, %gather3A_427 : vector<16xf32>
      %broadcast_in_dim3A_434 = arith.constant 0.000000e+00 : f32
      %broadcast_in_dim3A_435 = vector.broadcast %broadcast_in_dim3A_434 : f32 to vector<16xf32>
      %select_n3A_436 = arith.select %eq3A_432, %sub3A_433, %broadcast_in_dim3A_435 : vector<16xi1>, vector<16xf32>
      %add3A_437 = arith.addf %add3A_417, %select_n3A_436 : vector<16xf32>
      %get3A_438 = arith.constant 240 : index
      %get3A_439 = tpu.vector_load %arg12[%get3A_438] {strides = array<i32>} : memref<256xi32, #tpu.memory_space<vmem>>, vector<16xi32>,
      %and3A_440 = arith.constant 63 : i32
      %and3A_441 = vector.broadcast %and3A_440 : i32 to vector<16xi32>
      %and3A_442 = arith.andi %get3A_439, %and3A_441 : vector<16xi32>
      %mul3A_443 = arith.constant 1024 : i32
      %mul3A_444 = vector.broadcast %mul3A_443 : i32 to vector<16xi32>
      %mul3A_445 = arith.muli %and3A_442, %mul3A_444 : vector<16xi32>
      %add3A_446 = arith.addi %get3A_137, %mul3A_445 : vector<16xi32>
      %gather3A_447 = tpu.vector_load_idx %arg8[%add3A_446] : memref<65536xf32, #tpu.memory_space<vmem>>[vector<16xi32>], vector<16xf32>,
      %gather3A_448 = tpu.vector_load_idx %arg9[%get3A_137] : memref<1000xf32, #tpu.memory_space<vmem>>[vector<16xi32>], vector<16xf32>,
      %shift_right_arithmetic3A_449 = arith.constant 6 : i32
      %shift_right_arithmetic3A_450 = vector.broadcast %shift_right_arithmetic3A_449 : i32 to vector<16xi32>
      %shift_right_arithmetic3A_451 = arith.shrsi %get3A_439, %shift_right_arithmetic3A_450 : vector<16xi32>
      %eq3A_452 = arith.cmpi eq, %shift_right_arithmetic3A_451, %broadcast_in_dim3A : vector<16xi32>
      %sub3A_453 = arith.subf %gather3A_448, %gather3A_447 : vector<16xf32>
      %broadcast_in_dim3A_454 = arith.constant 0.000000e+00 : f32
      %broadcast_in_dim3A_455 = vector.broadcast %broadcast_in_dim3A_454 : f32 to vector<16xf32>
      %select_n3A_456 = arith.select %eq3A_452, %sub3A_453, %broadcast_in_dim3A_455 : vector<16xi1>, vector<16xf32>
      %add3A_457 = arith.addf %add3A_437, %select_n3A_456 : vector<16xf32>
      %mul3A_458 = arith.constant 256 : i32
      %mul3A_459 = arith.muli %add3A_98, %mul3A_458 : i32
      %add3A_460 = arith.addi %mul3A_32, %mul3A_459 : i32
      %dma_start3A_461 = arith.constant 0 : i32
      %dma_start3A_462 = arith.constant 0 : i32
      %dma_start3A_463 = arith.constant 0 : i32
      %dma_start3A_464 = tpu.memref_slice %arg14[%dma_start3A_461, %dma_start3A_462, %dma_start3A_463] : memref<8x8x256xf32, #tpu.memory_space<vmem>> -> memref<5x8x256xf32, #tpu.memory_space<vmem>>
      %dma_start3A_465 = arith.constant 0 : i32
      %dma_start3A_466 = tpu.memref_slice %arg6[%mul3A_34, %dma_start3A_465, %add3A_460] : memref<125x8x51200xf32, #tpu.memory_space<hbm>> -> memref<5x8x256xf32, #tpu.memory_space<hbm>>
      %dma_start3A_467 = arith.constant 0 : i32
      %dma_start3A_468 = tpu.memref_slice %arg6[%mul3A_34, %dma_start3A_467, %add3A_460] : memref<125x8x51200xf32, #tpu.memory_space<hbm>> -> memref<5x8x256xf32, #tpu.memory_space<hbm>>
      %dma_start3A_469 = arith.constant 0 : i32
      %dma_start3A_470 = arith.constant 0 : i32
      %dma_start3A_471 = arith.constant 0 : i32
      %dma_start3A_472 = tpu.memref_slice %arg14[%dma_start3A_469, %dma_start3A_470, %dma_start3A_471] : memref<8x8x256xf32, #tpu.memory_space<vmem>> -> memref<5x8x256xf32, #tpu.memory_space<vmem>>
      tpu.enqueue_dma source(%dma_start3A_472 : memref<5x8x256xf32, #tpu.memory_space<vmem>>) target(%dma_start3A_468 : memref<5x8x256xf32, #tpu.memory_space<hbm>>) target_semaphore(%arg19 : memref<!tpu.dma_semaphore, #tpu.memory_space<semaphore_mem>>)
      %lt3A_473 = arith.constant 15 : i32
      %lt3A_474 = arith.cmpi slt, %select_n3A_9, %lt3A_473 : i32
      %convert_element_type3A_475 = arith.extui %lt3A_474 : i1 to i32
      %cond3A_476 = arith.constant 0 : i32
      %cond3A_477 = arith.cmpi ne, %convert_element_type3A_475, %cond3A_476 : i32
      scf.if %cond3A_477 {
        %add3A_880 = arith.constant 5 : i32
        %add3A_881 = arith.addi %mul3A_34, %add3A_880 : i32
        %dma_start3A_882 = arith.constant 5 : i32
        %dma_start3A_883 = arith.constant 0 : i32
        %dma_start3A_884 = arith.constant 0 : i32
        %dma_start3A_885 = tpu.memref_slice %arg14[%dma_start3A_882, %dma_start3A_883, %dma_start3A_884] : memref<8x8x256xf32, #tpu.memory_space<vmem>> -> memref<3x8x256xf32, #tpu.memory_space<vmem>>
        %dma_start3A_886 = arith.constant 0 : i32
        %dma_start3A_887 = tpu.memref_slice %arg6[%add3A_881, %dma_start3A_886, %add3A_460] : memref<125x8x51200xf32, #tpu.memory_space<hbm>> -> memref<3x8x256xf32, #tpu.memory_space<hbm>>
        %dma_start3A_888 = arith.constant 0 : i32
        %dma_start3A_889 = tpu.memref_slice %arg6[%add3A_881, %dma_start3A_888, %add3A_460] : memref<125x8x51200xf32, #tpu.memory_space<hbm>> -> memref<3x8x256xf32, #tpu.memory_space<hbm>>
        %dma_start3A_890 = arith.constant 5 : i32
        %dma_start3A_891 = arith.constant 0 : i32
        %dma_start3A_892 = arith.constant 0 : i32
        %dma_start3A_893 = tpu.memref_slice %arg14[%dma_start3A_890, %dma_start3A_891, %dma_start3A_892] : memref<8x8x256xf32, #tpu.memory_space<vmem>> -> memref<3x8x256xf32, #tpu.memory_space<vmem>>
        tpu.enqueue_dma source(%dma_start3A_893 : memref<3x8x256xf32, #tpu.memory_space<vmem>>) target(%dma_start3A_889 : memref<3x8x256xf32, #tpu.memory_space<hbm>>) target_semaphore(%arg19 : memref<!tpu.dma_semaphore, #tpu.memory_space<semaphore_mem>>)
      } else {
      }
      %add3A_478 = arith.constant 2 : i32
      %add3A_479 = arith.addi %add3A_98, %add3A_478 : i32
      %lt3A_480 = arith.constant 100 : i32
      %lt3A_481 = arith.cmpi slt, %add3A_479, %lt3A_480 : i32
      %convert_element_type3A_482 = arith.extui %lt3A_481 : i1 to i32
      %cond3A_483 = arith.constant 0 : i32
      %cond3A_484 = arith.cmpi ne, %convert_element_type3A_482, %cond3A_483 : i32
      scf.if %cond3A_484 {
        %add3A_880 = arith.constant 2 : i32
        %add3A_881 = arith.addi %add3A_98, %add3A_880 : i32
        %mul3A_882 = arith.constant 256 : i32
        %mul3A_883 = arith.muli %add3A_881, %mul3A_882 : i32
        %add3A_884 = arith.addi %mul3A_32, %mul3A_883 : i32
        %dma_start3A_885 = tpu.memref_slice %arg3[%add3A_884] : memref<51200xi32, #tpu.memory_space<hbm>> -> memref<256xi32, #tpu.memory_space<hbm>>
        %dma_start3A_886 = tpu.memref_slice %arg3[%add3A_884] : memref<51200xi32, #tpu.memory_space<hbm>> -> memref<256xi32, #tpu.memory_space<hbm>>
        tpu.enqueue_dma source(%dma_start3A_886 : memref<256xi32, #tpu.memory_space<hbm>>) target(%arg10 : memref<256xi32, #tpu.memory_space<vmem>>) target_semaphore(%arg17 : memref<!tpu.dma_semaphore, #tpu.memory_space<semaphore_mem>>)
        %dma_start3A_887 = tpu.memref_slice %arg4[%add3A_884] : memref<51200xi32, #tpu.memory_space<hbm>> -> memref<256xi32, #tpu.memory_space<hbm>>
        %dma_start3A_888 = tpu.memref_slice %arg4[%add3A_884] : memref<51200xi32, #tpu.memory_space<hbm>> -> memref<256xi32, #tpu.memory_space<hbm>>
        tpu.enqueue_dma source(%dma_start3A_888 : memref<256xi32, #tpu.memory_space<hbm>>) target(%arg12 : memref<256xi32, #tpu.memory_space<vmem>>) target_semaphore(%arg17 : memref<!tpu.dma_semaphore, #tpu.memory_space<semaphore_mem>>)
      } else {
      }
      %mul3A_485 = arith.constant 2 : i32
      %mul3A_486 = arith.muli %scan3A_93, %mul3A_485 : i32
      %add3A_487 = arith.constant 1 : i32
      %add3A_488 = arith.addi %mul3A_486, %add3A_487 : i32
      %dma_wait3A_489 = tpu.memref_slice %arg3[%mul3A_32] : memref<51200xi32, #tpu.memory_space<hbm>> -> memref<256xi32, #tpu.memory_space<hbm>>
      %dma_wait3A_490 = tpu.memref_slice %arg3[%mul3A_32] : memref<51200xi32, #tpu.memory_space<hbm>> -> memref<256xi32, #tpu.memory_space<hbm>>
      tpu.wait_dma2 semaphore(%arg18 : memref<!tpu.dma_semaphore, #tpu.memory_space<semaphore_mem>>) src(%dma_wait3A_490 : memref<256xi32, #tpu.memory_space<hbm>>) dst(%arg11 : memref<256xi32, #tpu.memory_space<vmem>>)
      %dma_wait3A_491 = tpu.memref_slice %arg4[%mul3A_32] : memref<51200xi32, #tpu.memory_space<hbm>> -> memref<256xi32, #tpu.memory_space<hbm>>
      %dma_wait3A_492 = tpu.memref_slice %arg4[%mul3A_32] : memref<51200xi32, #tpu.memory_space<hbm>> -> memref<256xi32, #tpu.memory_space<hbm>>
      tpu.wait_dma2 semaphore(%arg18 : memref<!tpu.dma_semaphore, #tpu.memory_space<semaphore_mem>>) src(%dma_wait3A_492 : memref<256xi32, #tpu.memory_space<hbm>>) dst(%arg13 : memref<256xi32, #tpu.memory_space<vmem>>)
      %ge3A_493 = arith.constant 2 : i32
      %ge3A_494 = arith.cmpi sge, %add3A_488, %ge3A_493 : i32
      %convert_element_type3A_495 = arith.extui %ge3A_494 : i1 to i32
      %cond3A_496 = arith.constant 0 : i32
      %cond3A_497 = arith.cmpi ne, %convert_element_type3A_495, %cond3A_496 : i32
      scf.if %cond3A_497 {
        %dma_wait3A_880 = arith.constant 0 : i32
        %dma_wait3A_881 = arith.constant 0 : i32
        %dma_wait3A_882 = arith.constant 0 : i32
        %dma_wait3A_883 = tpu.memref_slice %arg15[%dma_wait3A_880, %dma_wait3A_881, %dma_wait3A_882] : memref<8x8x256xf32, #tpu.memory_space<vmem>> -> memref<5x8x256xf32, #tpu.memory_space<vmem>>
        %dma_wait3A_884 = arith.constant 0 : i32
        %dma_wait3A_885 = arith.constant 0 : i32
        %dma_wait3A_886 = tpu.memref_slice %arg6[%mul3A_34, %dma_wait3A_884, %dma_wait3A_885] : memref<125x8x51200xf32, #tpu.memory_space<hbm>> -> memref<5x8x256xf32, #tpu.memory_space<hbm>>
        %dma_wait3A_887 = arith.constant 0 : i32
        %dma_wait3A_888 = arith.constant 0 : i32
        %dma_wait3A_889 = tpu.memref_slice %arg6[%mul3A_34, %dma_wait3A_887, %dma_wait3A_888] : memref<125x8x51200xf32, #tpu.memory_space<hbm>> -> memref<5x8x256xf32, #tpu.memory_space<hbm>>
        %dma_wait3A_890 = arith.constant 0 : i32
        %dma_wait3A_891 = arith.constant 0 : i32
        %dma_wait3A_892 = arith.constant 0 : i32
        %dma_wait3A_893 = tpu.memref_slice %arg15[%dma_wait3A_890, %dma_wait3A_891, %dma_wait3A_892] : memref<8x8x256xf32, #tpu.memory_space<vmem>> -> memref<5x8x256xf32, #tpu.memory_space<vmem>>
        tpu.wait_dma2 semaphore(%arg20 : memref<!tpu.dma_semaphore, #tpu.memory_space<semaphore_mem>>) src(%dma_wait3A_893 : memref<5x8x256xf32, #tpu.memory_space<vmem>>) dst(%dma_wait3A_889 : memref<5x8x256xf32, #tpu.memory_space<hbm>>)
        %lt3A_894 = arith.constant 15 : i32
        %lt3A_895 = arith.cmpi slt, %select_n3A_9, %lt3A_894 : i32
        %convert_element_type3A_896 = arith.extui %lt3A_895 : i1 to i32
        %cond3A_897 = arith.constant 0 : i32
        %cond3A_898 = arith.cmpi ne, %convert_element_type3A_896, %cond3A_897 : i32
        scf.if %cond3A_898 {
          %add3A_899 = arith.constant 5 : i32
          %add3A_900 = arith.addi %mul3A_34, %add3A_899 : i32
          %dma_wait3A_901 = arith.constant 5 : i32
          %dma_wait3A_902 = arith.constant 0 : i32
          %dma_wait3A_903 = arith.constant 0 : i32
          %dma_wait3A_904 = tpu.memref_slice %arg15[%dma_wait3A_901, %dma_wait3A_902, %dma_wait3A_903] : memref<8x8x256xf32, #tpu.memory_space<vmem>> -> memref<3x8x256xf32, #tpu.memory_space<vmem>>
          %dma_wait3A_905 = arith.constant 0 : i32
          %dma_wait3A_906 = arith.constant 0 : i32
          %dma_wait3A_907 = tpu.memref_slice %arg6[%add3A_900, %dma_wait3A_905, %dma_wait3A_906] : memref<125x8x51200xf32, #tpu.memory_space<hbm>> -> memref<3x8x256xf32, #tpu.memory_space<hbm>>
          %dma_wait3A_908 = arith.constant 0 : i32
          %dma_wait3A_909 = arith.constant 0 : i32
          %dma_wait3A_910 = tpu.memref_slice %arg6[%add3A_900, %dma_wait3A_908, %dma_wait3A_909] : memref<125x8x51200xf32, #tpu.memory_space<hbm>> -> memref<3x8x256xf32, #tpu.memory_space<hbm>>
          %dma_wait3A_911 = arith.constant 5 : i32
          %dma_wait3A_912 = arith.constant 0 : i32
          %dma_wait3A_913 = arith.constant 0 : i32
          %dma_wait3A_914 = tpu.memref_slice %arg15[%dma_wait3A_911, %dma_wait3A_912, %dma_wait3A_913] : memref<8x8x256xf32, #tpu.memory_space<vmem>> -> memref<3x8x256xf32, #tpu.memory_space<vmem>>
          tpu.wait_dma2 semaphore(%arg20 : memref<!tpu.dma_semaphore, #tpu.memory_space<semaphore_mem>>) src(%dma_wait3A_914 : memref<3x8x256xf32, #tpu.memory_space<vmem>>) dst(%dma_wait3A_910 : memref<3x8x256xf32, #tpu.memory_space<hbm>>)
        } else {
        }
      } else {
      }
      %get3A_498 = arith.constant 0 : index
      %get3A_499 = tpu.vector_load %arg11[%get3A_498] {strides = array<i32>} : memref<256xi32, #tpu.memory_space<vmem>>, vector<16xi32>,
      %get3A_500 = arith.constant 16 : index
      %get3A_501 = tpu.vector_load %arg11[%get3A_500] {strides = array<i32>} : memref<256xi32, #tpu.memory_space<vmem>>, vector<16xi32>,
      %get3A_502 = arith.constant 32 : index
      %get3A_503 = tpu.vector_load %arg11[%get3A_502] {strides = array<i32>} : memref<256xi32, #tpu.memory_space<vmem>>, vector<16xi32>,
      %get3A_504 = arith.constant 48 : index
      %get3A_505 = tpu.vector_load %arg11[%get3A_504] {strides = array<i32>} : memref<256xi32, #tpu.memory_space<vmem>>, vector<16xi32>,
      %get3A_506 = arith.constant 64 : index
      %get3A_507 = tpu.vector_load %arg11[%get3A_506] {strides = array<i32>} : memref<256xi32, #tpu.memory_space<vmem>>, vector<16xi32>,
      %get3A_508 = arith.constant 80 : index
      %get3A_509 = tpu.vector_load %arg11[%get3A_508] {strides = array<i32>} : memref<256xi32, #tpu.memory_space<vmem>>, vector<16xi32>,
      %get3A_510 = arith.constant 96 : index
      %get3A_511 = tpu.vector_load %arg11[%get3A_510] {strides = array<i32>} : memref<256xi32, #tpu.memory_space<vmem>>, vector<16xi32>,
      %get3A_512 = arith.constant 112 : index
      %get3A_513 = tpu.vector_load %arg11[%get3A_512] {strides = array<i32>} : memref<256xi32, #tpu.memory_space<vmem>>, vector<16xi32>,
      %get3A_514 = arith.constant 128 : index
      %get3A_515 = tpu.vector_load %arg11[%get3A_514] {strides = array<i32>} : memref<256xi32, #tpu.memory_space<vmem>>, vector<16xi32>,
      %get3A_516 = arith.constant 144 : index
      %get3A_517 = tpu.vector_load %arg11[%get3A_516] {strides = array<i32>} : memref<256xi32, #tpu.memory_space<vmem>>, vector<16xi32>,
      %get3A_518 = arith.constant 160 : index
      %get3A_519 = tpu.vector_load %arg11[%get3A_518] {strides = array<i32>} : memref<256xi32, #tpu.memory_space<vmem>>, vector<16xi32>,
      %get3A_520 = arith.constant 176 : index
      %get3A_521 = tpu.vector_load %arg11[%get3A_520] {strides = array<i32>} : memref<256xi32, #tpu.memory_space<vmem>>, vector<16xi32>,
      %get3A_522 = arith.constant 192 : index
      %get3A_523 = tpu.vector_load %arg11[%get3A_522] {strides = array<i32>} : memref<256xi32, #tpu.memory_space<vmem>>, vector<16xi32>,
      %get3A_524 = arith.constant 208 : index
      %get3A_525 = tpu.vector_load %arg11[%get3A_524] {strides = array<i32>} : memref<256xi32, #tpu.memory_space<vmem>>, vector<16xi32>,
      %get3A_526 = arith.constant 224 : index
      %get3A_527 = tpu.vector_load %arg11[%get3A_526] {strides = array<i32>} : memref<256xi32, #tpu.memory_space<vmem>>, vector<16xi32>,
      %get3A_528 = arith.constant 240 : index
      %get3A_529 = tpu.vector_load %arg11[%get3A_528] {strides = array<i32>} : memref<256xi32, #tpu.memory_space<vmem>>, vector<16xi32>,
      %parallel_loop3A_530 = arith.constant 0 : i32
      %parallel_loop3A_531 = arith.constant 64 : i32
      %parallel_loop3A_532 = arith.constant 1 : i32
      scf.for %parallel_loop3A_880 = %parallel_loop3A_530 to %parallel_loop3A_531 step %parallel_loop3A_532  : i32 {
        %parallel_loop3A_881 = arith.constant 1024 : i32
        %parallel_loop3A_882 = arith.muli %parallel_loop3A_880, %parallel_loop3A_881 : i32
        %parallel_loop3A_883 = arith.constant 3 : i32
        %parallel_loop3A_884 = arith.shrsi %parallel_loop3A_880, %parallel_loop3A_883 : i32
        %parallel_loop3A_885 = arith.constant 7 : i32
        %parallel_loop3A_886 = arith.andi %parallel_loop3A_880, %parallel_loop3A_885 : i32
        %parallel_loop3A_887 = vector.broadcast %parallel_loop3A_882 : i32 to vector<16xi32>
        %parallel_loop3A_888 = arith.addi %get3A_499, %parallel_loop3A_887 : vector<16xi32>
        %parallel_loop3A_889 = tpu.vector_load_idx %arg8[%parallel_loop3A_888] : memref<65536xf32, #tpu.memory_space<vmem>>[vector<16xi32>], vector<16xf32>,
        %parallel_loop3A_890 = arith.index_cast %parallel_loop3A_884 : i32 to index
        %parallel_loop3A_891 = arith.index_cast %parallel_loop3A_886 : i32 to index
        %parallel_loop3A_892 = arith.constant 0 : index
        %parallel_loop3A_893 = tpu.vector_load %arg15[%parallel_loop3A_890, %parallel_loop3A_891, %parallel_loop3A_892] {strides = array<i32>} : memref<8x8x256xf32, #tpu.memory_space<vmem>>, vector<16xf32>,
        tpu.vector_store %arg15[%parallel_loop3A_890, %parallel_loop3A_891, %parallel_loop3A_892], %parallel_loop3A_889 {strides = array<i32>} : memref<8x8x256xf32, #tpu.memory_space<vmem>>, vector<16xf32>,
        %parallel_loop3A_894 = vector.broadcast %parallel_loop3A_882 : i32 to vector<16xi32>
        %parallel_loop3A_895 = arith.addi %get3A_501, %parallel_loop3A_894 : vector<16xi32>
        %parallel_loop3A_896 = tpu.vector_load_idx %arg8[%parallel_loop3A_895] : memref<65536xf32, #tpu.memory_space<vmem>>[vector<16xi32>], vector<16xf32>,
        %parallel_loop3A_897 = arith.index_cast %parallel_loop3A_884 : i32 to index
        %parallel_loop3A_898 = arith.index_cast %parallel_loop3A_886 : i32 to index
        %parallel_loop3A_899 = arith.constant 16 : index
        %parallel_loop3A_900 = tpu.vector_load %arg15[%parallel_loop3A_897, %parallel_loop3A_898, %parallel_loop3A_899] {strides = array<i32>} : memref<8x8x256xf32, #tpu.memory_space<vmem>>, vector<16xf32>,
        tpu.vector_store %arg15[%parallel_loop3A_897, %parallel_loop3A_898, %parallel_loop3A_899], %parallel_loop3A_896 {strides = array<i32>} : memref<8x8x256xf32, #tpu.memory_space<vmem>>, vector<16xf32>,
        %parallel_loop3A_901 = vector.broadcast %parallel_loop3A_882 : i32 to vector<16xi32>
        %parallel_loop3A_902 = arith.addi %get3A_503, %parallel_loop3A_901 : vector<16xi32>
        %parallel_loop3A_903 = tpu.vector_load_idx %arg8[%parallel_loop3A_902] : memref<65536xf32, #tpu.memory_space<vmem>>[vector<16xi32>], vector<16xf32>,
        %parallel_loop3A_904 = arith.index_cast %parallel_loop3A_884 : i32 to index
        %parallel_loop3A_905 = arith.index_cast %parallel_loop3A_886 : i32 to index
        %parallel_loop3A_906 = arith.constant 32 : index
        %parallel_loop3A_907 = tpu.vector_load %arg15[%parallel_loop3A_904, %parallel_loop3A_905, %parallel_loop3A_906] {strides = array<i32>} : memref<8x8x256xf32, #tpu.memory_space<vmem>>, vector<16xf32>,
        tpu.vector_store %arg15[%parallel_loop3A_904, %parallel_loop3A_905, %parallel_loop3A_906], %parallel_loop3A_903 {strides = array<i32>} : memref<8x8x256xf32, #tpu.memory_space<vmem>>, vector<16xf32>,
        %parallel_loop3A_908 = vector.broadcast %parallel_loop3A_882 : i32 to vector<16xi32>
        %parallel_loop3A_909 = arith.addi %get3A_505, %parallel_loop3A_908 : vector<16xi32>
        %parallel_loop3A_910 = tpu.vector_load_idx %arg8[%parallel_loop3A_909] : memref<65536xf32, #tpu.memory_space<vmem>>[vector<16xi32>], vector<16xf32>,
        %parallel_loop3A_911 = arith.index_cast %parallel_loop3A_884 : i32 to index
        %parallel_loop3A_912 = arith.index_cast %parallel_loop3A_886 : i32 to index
        %parallel_loop3A_913 = arith.constant 48 : index
        %parallel_loop3A_914 = tpu.vector_load %arg15[%parallel_loop3A_911, %parallel_loop3A_912, %parallel_loop3A_913] {strides = array<i32>} : memref<8x8x256xf32, #tpu.memory_space<vmem>>, vector<16xf32>,
        tpu.vector_store %arg15[%parallel_loop3A_911, %parallel_loop3A_912, %parallel_loop3A_913], %parallel_loop3A_910 {strides = array<i32>} : memref<8x8x256xf32, #tpu.memory_space<vmem>>, vector<16xf32>,
        %parallel_loop3A_915 = vector.broadcast %parallel_loop3A_882 : i32 to vector<16xi32>
        %parallel_loop3A_916 = arith.addi %get3A_507, %parallel_loop3A_915 : vector<16xi32>
        %parallel_loop3A_917 = tpu.vector_load_idx %arg8[%parallel_loop3A_916] : memref<65536xf32, #tpu.memory_space<vmem>>[vector<16xi32>], vector<16xf32>,
        %parallel_loop3A_918 = arith.index_cast %parallel_loop3A_884 : i32 to index
        %parallel_loop3A_919 = arith.index_cast %parallel_loop3A_886 : i32 to index
        %parallel_loop3A_920 = arith.constant 64 : index
        %parallel_loop3A_921 = tpu.vector_load %arg15[%parallel_loop3A_918, %parallel_loop3A_919, %parallel_loop3A_920] {strides = array<i32>} : memref<8x8x256xf32, #tpu.memory_space<vmem>>, vector<16xf32>,
        tpu.vector_store %arg15[%parallel_loop3A_918, %parallel_loop3A_919, %parallel_loop3A_920], %parallel_loop3A_917 {strides = array<i32>} : memref<8x8x256xf32, #tpu.memory_space<vmem>>, vector<16xf32>,
        %parallel_loop3A_922 = vector.broadcast %parallel_loop3A_882 : i32 to vector<16xi32>
        %parallel_loop3A_923 = arith.addi %get3A_509, %parallel_loop3A_922 : vector<16xi32>
        %parallel_loop3A_924 = tpu.vector_load_idx %arg8[%parallel_loop3A_923] : memref<65536xf32, #tpu.memory_space<vmem>>[vector<16xi32>], vector<16xf32>,
        %parallel_loop3A_925 = arith.index_cast %parallel_loop3A_884 : i32 to index
        %parallel_loop3A_926 = arith.index_cast %parallel_loop3A_886 : i32 to index
        %parallel_loop3A_927 = arith.constant 80 : index
        %parallel_loop3A_928 = tpu.vector_load %arg15[%parallel_loop3A_925, %parallel_loop3A_926, %parallel_loop3A_927] {strides = array<i32>} : memref<8x8x256xf32, #tpu.memory_space<vmem>>, vector<16xf32>,
        tpu.vector_store %arg15[%parallel_loop3A_925, %parallel_loop3A_926, %parallel_loop3A_927], %parallel_loop3A_924 {strides = array<i32>} : memref<8x8x256xf32, #tpu.memory_space<vmem>>, vector<16xf32>,
        %parallel_loop3A_929 = vector.broadcast %parallel_loop3A_882 : i32 to vector<16xi32>
        %parallel_loop3A_930 = arith.addi %get3A_511, %parallel_loop3A_929 : vector<16xi32>
        %parallel_loop3A_931 = tpu.vector_load_idx %arg8[%parallel_loop3A_930] : memref<65536xf32, #tpu.memory_space<vmem>>[vector<16xi32>], vector<16xf32>,
        %parallel_loop3A_932 = arith.index_cast %parallel_loop3A_884 : i32 to index
        %parallel_loop3A_933 = arith.index_cast %parallel_loop3A_886 : i32 to index
        %parallel_loop3A_934 = arith.constant 96 : index
        %parallel_loop3A_935 = tpu.vector_load %arg15[%parallel_loop3A_932, %parallel_loop3A_933, %parallel_loop3A_934] {strides = array<i32>} : memref<8x8x256xf32, #tpu.memory_space<vmem>>, vector<16xf32>,
        tpu.vector_store %arg15[%parallel_loop3A_932, %parallel_loop3A_933, %parallel_loop3A_934], %parallel_loop3A_931 {strides = array<i32>} : memref<8x8x256xf32, #tpu.memory_space<vmem>>, vector<16xf32>,
        %parallel_loop3A_936 = vector.broadcast %parallel_loop3A_882 : i32 to vector<16xi32>
        %parallel_loop3A_937 = arith.addi %get3A_513, %parallel_loop3A_936 : vector<16xi32>
        %parallel_loop3A_938 = tpu.vector_load_idx %arg8[%parallel_loop3A_937] : memref<65536xf32, #tpu.memory_space<vmem>>[vector<16xi32>], vector<16xf32>,
        %parallel_loop3A_939 = arith.index_cast %parallel_loop3A_884 : i32 to index
        %parallel_loop3A_940 = arith.index_cast %parallel_loop3A_886 : i32 to index
        %parallel_loop3A_941 = arith.constant 112 : index
        %parallel_loop3A_942 = tpu.vector_load %arg15[%parallel_loop3A_939, %parallel_loop3A_940, %parallel_loop3A_941] {strides = array<i32>} : memref<8x8x256xf32, #tpu.memory_space<vmem>>, vector<16xf32>,
        tpu.vector_store %arg15[%parallel_loop3A_939, %parallel_loop3A_940, %parallel_loop3A_941], %parallel_loop3A_938 {strides = array<i32>} : memref<8x8x256xf32, #tpu.memory_space<vmem>>, vector<16xf32>,
        %parallel_loop3A_943 = vector.broadcast %parallel_loop3A_882 : i32 to vector<16xi32>
        %parallel_loop3A_944 = arith.addi %get3A_515, %parallel_loop3A_943 : vector<16xi32>
        %parallel_loop3A_945 = tpu.vector_load_idx %arg8[%parallel_loop3A_944] : memref<65536xf32, #tpu.memory_space<vmem>>[vector<16xi32>], vector<16xf32>,
        %parallel_loop3A_946 = arith.index_cast %parallel_loop3A_884 : i32 to index
        %parallel_loop3A_947 = arith.index_cast %parallel_loop3A_886 : i32 to index
        %parallel_loop3A_948 = arith.constant 128 : index
        %parallel_loop3A_949 = tpu.vector_load %arg15[%parallel_loop3A_946, %parallel_loop3A_947, %parallel_loop3A_948] {strides = array<i32>} : memref<8x8x256xf32, #tpu.memory_space<vmem>>, vector<16xf32>,
        tpu.vector_store %arg15[%parallel_loop3A_946, %parallel_loop3A_947, %parallel_loop3A_948], %parallel_loop3A_945 {strides = array<i32>} : memref<8x8x256xf32, #tpu.memory_space<vmem>>, vector<16xf32>,
        %parallel_loop3A_950 = vector.broadcast %parallel_loop3A_882 : i32 to vector<16xi32>
        %parallel_loop3A_951 = arith.addi %get3A_517, %parallel_loop3A_950 : vector<16xi32>
        %parallel_loop3A_952 = tpu.vector_load_idx %arg8[%parallel_loop3A_951] : memref<65536xf32, #tpu.memory_space<vmem>>[vector<16xi32>], vector<16xf32>,
        %parallel_loop3A_953 = arith.index_cast %parallel_loop3A_884 : i32 to index
        %parallel_loop3A_954 = arith.index_cast %parallel_loop3A_886 : i32 to index
        %parallel_loop3A_955 = arith.constant 144 : index
        %parallel_loop3A_956 = tpu.vector_load %arg15[%parallel_loop3A_953, %parallel_loop3A_954, %parallel_loop3A_955] {strides = array<i32>} : memref<8x8x256xf32, #tpu.memory_space<vmem>>, vector<16xf32>,
        tpu.vector_store %arg15[%parallel_loop3A_953, %parallel_loop3A_954, %parallel_loop3A_955], %parallel_loop3A_952 {strides = array<i32>} : memref<8x8x256xf32, #tpu.memory_space<vmem>>, vector<16xf32>,
        %parallel_loop3A_957 = vector.broadcast %parallel_loop3A_882 : i32 to vector<16xi32>
        %parallel_loop3A_958 = arith.addi %get3A_519, %parallel_loop3A_957 : vector<16xi32>
        %parallel_loop3A_959 = tpu.vector_load_idx %arg8[%parallel_loop3A_958] : memref<65536xf32, #tpu.memory_space<vmem>>[vector<16xi32>], vector<16xf32>,
        %parallel_loop3A_960 = arith.index_cast %parallel_loop3A_884 : i32 to index
        %parallel_loop3A_961 = arith.index_cast %parallel_loop3A_886 : i32 to index
        %parallel_loop3A_962 = arith.constant 160 : index
        %parallel_loop3A_963 = tpu.vector_load %arg15[%parallel_loop3A_960, %parallel_loop3A_961, %parallel_loop3A_962] {strides = array<i32>} : memref<8x8x256xf32, #tpu.memory_space<vmem>>, vector<16xf32>,
        tpu.vector_store %arg15[%parallel_loop3A_960, %parallel_loop3A_961, %parallel_loop3A_962], %parallel_loop3A_959 {strides = array<i32>} : memref<8x8x256xf32, #tpu.memory_space<vmem>>, vector<16xf32>,
        %parallel_loop3A_964 = vector.broadcast %parallel_loop3A_882 : i32 to vector<16xi32>
        %parallel_loop3A_965 = arith.addi %get3A_521, %parallel_loop3A_964 : vector<16xi32>
        %parallel_loop3A_966 = tpu.vector_load_idx %arg8[%parallel_loop3A_965] : memref<65536xf32, #tpu.memory_space<vmem>>[vector<16xi32>], vector<16xf32>,
        %parallel_loop3A_967 = arith.index_cast %parallel_loop3A_884 : i32 to index
        %parallel_loop3A_968 = arith.index_cast %parallel_loop3A_886 : i32 to index
        %parallel_loop3A_969 = arith.constant 176 : index
        %parallel_loop3A_970 = tpu.vector_load %arg15[%parallel_loop3A_967, %parallel_loop3A_968, %parallel_loop3A_969] {strides = array<i32>} : memref<8x8x256xf32, #tpu.memory_space<vmem>>, vector<16xf32>,
        tpu.vector_store %arg15[%parallel_loop3A_967, %parallel_loop3A_968, %parallel_loop3A_969], %parallel_loop3A_966 {strides = array<i32>} : memref<8x8x256xf32, #tpu.memory_space<vmem>>, vector<16xf32>,
        %parallel_loop3A_971 = vector.broadcast %parallel_loop3A_882 : i32 to vector<16xi32>
        %parallel_loop3A_972 = arith.addi %get3A_523, %parallel_loop3A_971 : vector<16xi32>
        %parallel_loop3A_973 = tpu.vector_load_idx %arg8[%parallel_loop3A_972] : memref<65536xf32, #tpu.memory_space<vmem>>[vector<16xi32>], vector<16xf32>,
        %parallel_loop3A_974 = arith.index_cast %parallel_loop3A_884 : i32 to index
        %parallel_loop3A_975 = arith.index_cast %parallel_loop3A_886 : i32 to index
        %parallel_loop3A_976 = arith.constant 192 : index
        %parallel_loop3A_977 = tpu.vector_load %arg15[%parallel_loop3A_974, %parallel_loop3A_975, %parallel_loop3A_976] {strides = array<i32>} : memref<8x8x256xf32, #tpu.memory_space<vmem>>, vector<16xf32>,
        tpu.vector_store %arg15[%parallel_loop3A_974, %parallel_loop3A_975, %parallel_loop3A_976], %parallel_loop3A_973 {strides = array<i32>} : memref<8x8x256xf32, #tpu.memory_space<vmem>>, vector<16xf32>,
        %parallel_loop3A_978 = vector.broadcast %parallel_loop3A_882 : i32 to vector<16xi32>
        %parallel_loop3A_979 = arith.addi %get3A_525, %parallel_loop3A_978 : vector<16xi32>
        %parallel_loop3A_980 = tpu.vector_load_idx %arg8[%parallel_loop3A_979] : memref<65536xf32, #tpu.memory_space<vmem>>[vector<16xi32>], vector<16xf32>,
        %parallel_loop3A_981 = arith.index_cast %parallel_loop3A_884 : i32 to index
        %parallel_loop3A_982 = arith.index_cast %parallel_loop3A_886 : i32 to index
        %parallel_loop3A_983 = arith.constant 208 : index
        %parallel_loop3A_984 = tpu.vector_load %arg15[%parallel_loop3A_981, %parallel_loop3A_982, %parallel_loop3A_983] {strides = array<i32>} : memref<8x8x256xf32, #tpu.memory_space<vmem>>, vector<16xf32>,
        tpu.vector_store %arg15[%parallel_loop3A_981, %parallel_loop3A_982, %parallel_loop3A_983], %parallel_loop3A_980 {strides = array<i32>} : memref<8x8x256xf32, #tpu.memory_space<vmem>>, vector<16xf32>,
        %parallel_loop3A_985 = vector.broadcast %parallel_loop3A_882 : i32 to vector<16xi32>
        %parallel_loop3A_986 = arith.addi %get3A_527, %parallel_loop3A_985 : vector<16xi32>
        %parallel_loop3A_987 = tpu.vector_load_idx %arg8[%parallel_loop3A_986] : memref<65536xf32, #tpu.memory_space<vmem>>[vector<16xi32>], vector<16xf32>,
        %parallel_loop3A_988 = arith.index_cast %parallel_loop3A_884 : i32 to index
        %parallel_loop3A_989 = arith.index_cast %parallel_loop3A_886 : i32 to index
        %parallel_loop3A_990 = arith.constant 224 : index
        %parallel_loop3A_991 = tpu.vector_load %arg15[%parallel_loop3A_988, %parallel_loop3A_989, %parallel_loop3A_990] {strides = array<i32>} : memref<8x8x256xf32, #tpu.memory_space<vmem>>, vector<16xf32>,
        tpu.vector_store %arg15[%parallel_loop3A_988, %parallel_loop3A_989, %parallel_loop3A_990], %parallel_loop3A_987 {strides = array<i32>} : memref<8x8x256xf32, #tpu.memory_space<vmem>>, vector<16xf32>,
        %parallel_loop3A_992 = vector.broadcast %parallel_loop3A_882 : i32 to vector<16xi32>
        %parallel_loop3A_993 = arith.addi %get3A_529, %parallel_loop3A_992 : vector<16xi32>
        %parallel_loop3A_994 = tpu.vector_load_idx %arg8[%parallel_loop3A_993] : memref<65536xf32, #tpu.memory_space<vmem>>[vector<16xi32>], vector<16xf32>,
        %parallel_loop3A_995 = arith.index_cast %parallel_loop3A_884 : i32 to index
        %parallel_loop3A_996 = arith.index_cast %parallel_loop3A_886 : i32 to index
        %parallel_loop3A_997 = arith.constant 240 : index
        %parallel_loop3A_998 = tpu.vector_load %arg15[%parallel_loop3A_995, %parallel_loop3A_996, %parallel_loop3A_997] {strides = array<i32>} : memref<8x8x256xf32, #tpu.memory_space<vmem>>, vector<16xf32>,
        tpu.vector_store %arg15[%parallel_loop3A_995, %parallel_loop3A_996, %parallel_loop3A_997], %parallel_loop3A_994 {strides = array<i32>} : memref<8x8x256xf32, #tpu.memory_space<vmem>>, vector<16xf32>,
      } {sc.loop_unroll_factor = 4 : i64, sc.parallel_access}
      %get3A_533 = arith.constant 0 : index
      %get3A_534 = tpu.vector_load %arg13[%get3A_533] {strides = array<i32>} : memref<256xi32, #tpu.memory_space<vmem>>, vector<16xi32>,
      %and3A_535 = arith.constant 63 : i32
      %and3A_536 = vector.broadcast %and3A_535 : i32 to vector<16xi32>
      %and3A_537 = arith.andi %get3A_534, %and3A_536 : vector<16xi32>
      %mul3A_538 = arith.constant 1024 : i32
      %mul3A_539 = vector.broadcast %mul3A_538 : i32 to vector<16xi32>
      %mul3A_540 = arith.muli %and3A_537, %mul3A_539 : vector<16xi32>
      %add3A_541 = arith.addi %get3A_499, %mul3A_540 : vector<16xi32>
      %gather3A_542 = tpu.vector_load_idx %arg8[%add3A_541] : memref<65536xf32, #tpu.memory_space<vmem>>[vector<16xi32>], vector<16xf32>,
      %gather3A_543 = tpu.vector_load_idx %arg9[%get3A_499] : memref<1000xf32, #tpu.memory_space<vmem>>[vector<16xi32>], vector<16xf32>,
      %shift_right_arithmetic3A_544 = arith.constant 6 : i32
      %shift_right_arithmetic3A_545 = vector.broadcast %shift_right_arithmetic3A_544 : i32 to vector<16xi32>
      %shift_right_arithmetic3A_546 = arith.shrsi %get3A_534, %shift_right_arithmetic3A_545 : vector<16xi32>
      %eq3A_547 = arith.cmpi eq, %shift_right_arithmetic3A_546, %broadcast_in_dim3A : vector<16xi32>
      %sub3A_548 = arith.subf %gather3A_543, %gather3A_542 : vector<16xf32>
      %broadcast_in_dim3A_549 = arith.constant 0.000000e+00 : f32
      %broadcast_in_dim3A_550 = vector.broadcast %broadcast_in_dim3A_549 : f32 to vector<16xf32>
      %select_n3A_551 = arith.select %eq3A_547, %sub3A_548, %broadcast_in_dim3A_550 : vector<16xi1>, vector<16xf32>
      %add3A_552 = arith.addf %add3A_457, %select_n3A_551 : vector<16xf32>
      %get3A_553 = arith.constant 16 : index
      %get3A_554 = tpu.vector_load %arg13[%get3A_553] {strides = array<i32>} : memref<256xi32, #tpu.memory_space<vmem>>, vector<16xi32>,
      %and3A_555 = arith.constant 63 : i32
      %and3A_556 = vector.broadcast %and3A_555 : i32 to vector<16xi32>
      %and3A_557 = arith.andi %get3A_554, %and3A_556 : vector<16xi32>
      %mul3A_558 = arith.constant 1024 : i32
      %mul3A_559 = vector.broadcast %mul3A_558 : i32 to vector<16xi32>
      %mul3A_560 = arith.muli %and3A_557, %mul3A_559 : vector<16xi32>
      %add3A_561 = arith.addi %get3A_501, %mul3A_560 : vector<16xi32>
      %gather3A_562 = tpu.vector_load_idx %arg8[%add3A_561] : memref<65536xf32, #tpu.memory_space<vmem>>[vector<16xi32>], vector<16xf32>,
      %gather3A_563 = tpu.vector_load_idx %arg9[%get3A_501] : memref<1000xf32, #tpu.memory_space<vmem>>[vector<16xi32>], vector<16xf32>,
      %shift_right_arithmetic3A_564 = arith.constant 6 : i32
      %shift_right_arithmetic3A_565 = vector.broadcast %shift_right_arithmetic3A_564 : i32 to vector<16xi32>
      %shift_right_arithmetic3A_566 = arith.shrsi %get3A_554, %shift_right_arithmetic3A_565 : vector<16xi32>
      %eq3A_567 = arith.cmpi eq, %shift_right_arithmetic3A_566, %broadcast_in_dim3A : vector<16xi32>
      %sub3A_568 = arith.subf %gather3A_563, %gather3A_562 : vector<16xf32>
      %broadcast_in_dim3A_569 = arith.constant 0.000000e+00 : f32
      %broadcast_in_dim3A_570 = vector.broadcast %broadcast_in_dim3A_569 : f32 to vector<16xf32>
      %select_n3A_571 = arith.select %eq3A_567, %sub3A_568, %broadcast_in_dim3A_570 : vector<16xi1>, vector<16xf32>
      %add3A_572 = arith.addf %add3A_552, %select_n3A_571 : vector<16xf32>
      %get3A_573 = arith.constant 32 : index
      %get3A_574 = tpu.vector_load %arg13[%get3A_573] {strides = array<i32>} : memref<256xi32, #tpu.memory_space<vmem>>, vector<16xi32>,
      %and3A_575 = arith.constant 63 : i32
      %and3A_576 = vector.broadcast %and3A_575 : i32 to vector<16xi32>
      %and3A_577 = arith.andi %get3A_574, %and3A_576 : vector<16xi32>
      %mul3A_578 = arith.constant 1024 : i32
      %mul3A_579 = vector.broadcast %mul3A_578 : i32 to vector<16xi32>
      %mul3A_580 = arith.muli %and3A_577, %mul3A_579 : vector<16xi32>
      %add3A_581 = arith.addi %get3A_503, %mul3A_580 : vector<16xi32>
      %gather3A_582 = tpu.vector_load_idx %arg8[%add3A_581] : memref<65536xf32, #tpu.memory_space<vmem>>[vector<16xi32>], vector<16xf32>,
      %gather3A_583 = tpu.vector_load_idx %arg9[%get3A_503] : memref<1000xf32, #tpu.memory_space<vmem>>[vector<16xi32>], vector<16xf32>,
      %shift_right_arithmetic3A_584 = arith.constant 6 : i32
      %shift_right_arithmetic3A_585 = vector.broadcast %shift_right_arithmetic3A_584 : i32 to vector<16xi32>
      %shift_right_arithmetic3A_586 = arith.shrsi %get3A_574, %shift_right_arithmetic3A_585 : vector<16xi32>
      %eq3A_587 = arith.cmpi eq, %shift_right_arithmetic3A_586, %broadcast_in_dim3A : vector<16xi32>
      %sub3A_588 = arith.subf %gather3A_583, %gather3A_582 : vector<16xf32>
      %broadcast_in_dim3A_589 = arith.constant 0.000000e+00 : f32
      %broadcast_in_dim3A_590 = vector.broadcast %broadcast_in_dim3A_589 : f32 to vector<16xf32>
      %select_n3A_591 = arith.select %eq3A_587, %sub3A_588, %broadcast_in_dim3A_590 : vector<16xi1>, vector<16xf32>
      %add3A_592 = arith.addf %add3A_572, %select_n3A_591 : vector<16xf32>
      %get3A_593 = arith.constant 48 : index
      %get3A_594 = tpu.vector_load %arg13[%get3A_593] {strides = array<i32>} : memref<256xi32, #tpu.memory_space<vmem>>, vector<16xi32>,
      %and3A_595 = arith.constant 63 : i32
      %and3A_596 = vector.broadcast %and3A_595 : i32 to vector<16xi32>
      %and3A_597 = arith.andi %get3A_594, %and3A_596 : vector<16xi32>
      %mul3A_598 = arith.constant 1024 : i32
      %mul3A_599 = vector.broadcast %mul3A_598 : i32 to vector<16xi32>
      %mul3A_600 = arith.muli %and3A_597, %mul3A_599 : vector<16xi32>
      %add3A_601 = arith.addi %get3A_505, %mul3A_600 : vector<16xi32>
      %gather3A_602 = tpu.vector_load_idx %arg8[%add3A_601] : memref<65536xf32, #tpu.memory_space<vmem>>[vector<16xi32>], vector<16xf32>,
      %gather3A_603 = tpu.vector_load_idx %arg9[%get3A_505] : memref<1000xf32, #tpu.memory_space<vmem>>[vector<16xi32>], vector<16xf32>,
      %shift_right_arithmetic3A_604 = arith.constant 6 : i32
      %shift_right_arithmetic3A_605 = vector.broadcast %shift_right_arithmetic3A_604 : i32 to vector<16xi32>
      %shift_right_arithmetic3A_606 = arith.shrsi %get3A_594, %shift_right_arithmetic3A_605 : vector<16xi32>
      %eq3A_607 = arith.cmpi eq, %shift_right_arithmetic3A_606, %broadcast_in_dim3A : vector<16xi32>
      %sub3A_608 = arith.subf %gather3A_603, %gather3A_602 : vector<16xf32>
      %broadcast_in_dim3A_609 = arith.constant 0.000000e+00 : f32
      %broadcast_in_dim3A_610 = vector.broadcast %broadcast_in_dim3A_609 : f32 to vector<16xf32>
      %select_n3A_611 = arith.select %eq3A_607, %sub3A_608, %broadcast_in_dim3A_610 : vector<16xi1>, vector<16xf32>
      %add3A_612 = arith.addf %add3A_592, %select_n3A_611 : vector<16xf32>
      %get3A_613 = arith.constant 64 : index
      %get3A_614 = tpu.vector_load %arg13[%get3A_613] {strides = array<i32>} : memref<256xi32, #tpu.memory_space<vmem>>, vector<16xi32>,
      %and3A_615 = arith.constant 63 : i32
      %and3A_616 = vector.broadcast %and3A_615 : i32 to vector<16xi32>
      %and3A_617 = arith.andi %get3A_614, %and3A_616 : vector<16xi32>
      %mul3A_618 = arith.constant 1024 : i32
      %mul3A_619 = vector.broadcast %mul3A_618 : i32 to vector<16xi32>
      %mul3A_620 = arith.muli %and3A_617, %mul3A_619 : vector<16xi32>
      %add3A_621 = arith.addi %get3A_507, %mul3A_620 : vector<16xi32>
      %gather3A_622 = tpu.vector_load_idx %arg8[%add3A_621] : memref<65536xf32, #tpu.memory_space<vmem>>[vector<16xi32>], vector<16xf32>,
      %gather3A_623 = tpu.vector_load_idx %arg9[%get3A_507] : memref<1000xf32, #tpu.memory_space<vmem>>[vector<16xi32>], vector<16xf32>,
      %shift_right_arithmetic3A_624 = arith.constant 6 : i32
      %shift_right_arithmetic3A_625 = vector.broadcast %shift_right_arithmetic3A_624 : i32 to vector<16xi32>
      %shift_right_arithmetic3A_626 = arith.shrsi %get3A_614, %shift_right_arithmetic3A_625 : vector<16xi32>
      %eq3A_627 = arith.cmpi eq, %shift_right_arithmetic3A_626, %broadcast_in_dim3A : vector<16xi32>
      %sub3A_628 = arith.subf %gather3A_623, %gather3A_622 : vector<16xf32>
      %broadcast_in_dim3A_629 = arith.constant 0.000000e+00 : f32
      %broadcast_in_dim3A_630 = vector.broadcast %broadcast_in_dim3A_629 : f32 to vector<16xf32>
      %select_n3A_631 = arith.select %eq3A_627, %sub3A_628, %broadcast_in_dim3A_630 : vector<16xi1>, vector<16xf32>
      %add3A_632 = arith.addf %add3A_612, %select_n3A_631 : vector<16xf32>
      %get3A_633 = arith.constant 80 : index
      %get3A_634 = tpu.vector_load %arg13[%get3A_633] {strides = array<i32>} : memref<256xi32, #tpu.memory_space<vmem>>, vector<16xi32>,
      %and3A_635 = arith.constant 63 : i32
      %and3A_636 = vector.broadcast %and3A_635 : i32 to vector<16xi32>
      %and3A_637 = arith.andi %get3A_634, %and3A_636 : vector<16xi32>
      %mul3A_638 = arith.constant 1024 : i32
      %mul3A_639 = vector.broadcast %mul3A_638 : i32 to vector<16xi32>
      %mul3A_640 = arith.muli %and3A_637, %mul3A_639 : vector<16xi32>
      %add3A_641 = arith.addi %get3A_509, %mul3A_640 : vector<16xi32>
      %gather3A_642 = tpu.vector_load_idx %arg8[%add3A_641] : memref<65536xf32, #tpu.memory_space<vmem>>[vector<16xi32>], vector<16xf32>,
      %gather3A_643 = tpu.vector_load_idx %arg9[%get3A_509] : memref<1000xf32, #tpu.memory_space<vmem>>[vector<16xi32>], vector<16xf32>,
      %shift_right_arithmetic3A_644 = arith.constant 6 : i32
      %shift_right_arithmetic3A_645 = vector.broadcast %shift_right_arithmetic3A_644 : i32 to vector<16xi32>
      %shift_right_arithmetic3A_646 = arith.shrsi %get3A_634, %shift_right_arithmetic3A_645 : vector<16xi32>
      %eq3A_647 = arith.cmpi eq, %shift_right_arithmetic3A_646, %broadcast_in_dim3A : vector<16xi32>
      %sub3A_648 = arith.subf %gather3A_643, %gather3A_642 : vector<16xf32>
      %broadcast_in_dim3A_649 = arith.constant 0.000000e+00 : f32
      %broadcast_in_dim3A_650 = vector.broadcast %broadcast_in_dim3A_649 : f32 to vector<16xf32>
      %select_n3A_651 = arith.select %eq3A_647, %sub3A_648, %broadcast_in_dim3A_650 : vector<16xi1>, vector<16xf32>
      %add3A_652 = arith.addf %add3A_632, %select_n3A_651 : vector<16xf32>
      %get3A_653 = arith.constant 96 : index
      %get3A_654 = tpu.vector_load %arg13[%get3A_653] {strides = array<i32>} : memref<256xi32, #tpu.memory_space<vmem>>, vector<16xi32>,
      %and3A_655 = arith.constant 63 : i32
      %and3A_656 = vector.broadcast %and3A_655 : i32 to vector<16xi32>
      %and3A_657 = arith.andi %get3A_654, %and3A_656 : vector<16xi32>
      %mul3A_658 = arith.constant 1024 : i32
      %mul3A_659 = vector.broadcast %mul3A_658 : i32 to vector<16xi32>
      %mul3A_660 = arith.muli %and3A_657, %mul3A_659 : vector<16xi32>
      %add3A_661 = arith.addi %get3A_511, %mul3A_660 : vector<16xi32>
      %gather3A_662 = tpu.vector_load_idx %arg8[%add3A_661] : memref<65536xf32, #tpu.memory_space<vmem>>[vector<16xi32>], vector<16xf32>,
      %gather3A_663 = tpu.vector_load_idx %arg9[%get3A_511] : memref<1000xf32, #tpu.memory_space<vmem>>[vector<16xi32>], vector<16xf32>,
      %shift_right_arithmetic3A_664 = arith.constant 6 : i32
      %shift_right_arithmetic3A_665 = vector.broadcast %shift_right_arithmetic3A_664 : i32 to vector<16xi32>
      %shift_right_arithmetic3A_666 = arith.shrsi %get3A_654, %shift_right_arithmetic3A_665 : vector<16xi32>
      %eq3A_667 = arith.cmpi eq, %shift_right_arithmetic3A_666, %broadcast_in_dim3A : vector<16xi32>
      %sub3A_668 = arith.subf %gather3A_663, %gather3A_662 : vector<16xf32>
      %broadcast_in_dim3A_669 = arith.constant 0.000000e+00 : f32
      %broadcast_in_dim3A_670 = vector.broadcast %broadcast_in_dim3A_669 : f32 to vector<16xf32>
      %select_n3A_671 = arith.select %eq3A_667, %sub3A_668, %broadcast_in_dim3A_670 : vector<16xi1>, vector<16xf32>
      %add3A_672 = arith.addf %add3A_652, %select_n3A_671 : vector<16xf32>
      %get3A_673 = arith.constant 112 : index
      %get3A_674 = tpu.vector_load %arg13[%get3A_673] {strides = array<i32>} : memref<256xi32, #tpu.memory_space<vmem>>, vector<16xi32>,
      %and3A_675 = arith.constant 63 : i32
      %and3A_676 = vector.broadcast %and3A_675 : i32 to vector<16xi32>
      %and3A_677 = arith.andi %get3A_674, %and3A_676 : vector<16xi32>
      %mul3A_678 = arith.constant 1024 : i32
      %mul3A_679 = vector.broadcast %mul3A_678 : i32 to vector<16xi32>
      %mul3A_680 = arith.muli %and3A_677, %mul3A_679 : vector<16xi32>
      %add3A_681 = arith.addi %get3A_513, %mul3A_680 : vector<16xi32>
      %gather3A_682 = tpu.vector_load_idx %arg8[%add3A_681] : memref<65536xf32, #tpu.memory_space<vmem>>[vector<16xi32>], vector<16xf32>,
      %gather3A_683 = tpu.vector_load_idx %arg9[%get3A_513] : memref<1000xf32, #tpu.memory_space<vmem>>[vector<16xi32>], vector<16xf32>,
      %shift_right_arithmetic3A_684 = arith.constant 6 : i32
      %shift_right_arithmetic3A_685 = vector.broadcast %shift_right_arithmetic3A_684 : i32 to vector<16xi32>
      %shift_right_arithmetic3A_686 = arith.shrsi %get3A_674, %shift_right_arithmetic3A_685 : vector<16xi32>
      %eq3A_687 = arith.cmpi eq, %shift_right_arithmetic3A_686, %broadcast_in_dim3A : vector<16xi32>
      %sub3A_688 = arith.subf %gather3A_683, %gather3A_682 : vector<16xf32>
      %broadcast_in_dim3A_689 = arith.constant 0.000000e+00 : f32
      %broadcast_in_dim3A_690 = vector.broadcast %broadcast_in_dim3A_689 : f32 to vector<16xf32>
      %select_n3A_691 = arith.select %eq3A_687, %sub3A_688, %broadcast_in_dim3A_690 : vector<16xi1>, vector<16xf32>
      %add3A_692 = arith.addf %add3A_672, %select_n3A_691 : vector<16xf32>
      %get3A_693 = arith.constant 128 : index
      %get3A_694 = tpu.vector_load %arg13[%get3A_693] {strides = array<i32>} : memref<256xi32, #tpu.memory_space<vmem>>, vector<16xi32>,
      %and3A_695 = arith.constant 63 : i32
      %and3A_696 = vector.broadcast %and3A_695 : i32 to vector<16xi32>
      %and3A_697 = arith.andi %get3A_694, %and3A_696 : vector<16xi32>
      %mul3A_698 = arith.constant 1024 : i32
      %mul3A_699 = vector.broadcast %mul3A_698 : i32 to vector<16xi32>
      %mul3A_700 = arith.muli %and3A_697, %mul3A_699 : vector<16xi32>
      %add3A_701 = arith.addi %get3A_515, %mul3A_700 : vector<16xi32>
      %gather3A_702 = tpu.vector_load_idx %arg8[%add3A_701] : memref<65536xf32, #tpu.memory_space<vmem>>[vector<16xi32>], vector<16xf32>,
      %gather3A_703 = tpu.vector_load_idx %arg9[%get3A_515] : memref<1000xf32, #tpu.memory_space<vmem>>[vector<16xi32>], vector<16xf32>,
      %shift_right_arithmetic3A_704 = arith.constant 6 : i32
      %shift_right_arithmetic3A_705 = vector.broadcast %shift_right_arithmetic3A_704 : i32 to vector<16xi32>
      %shift_right_arithmetic3A_706 = arith.shrsi %get3A_694, %shift_right_arithmetic3A_705 : vector<16xi32>
      %eq3A_707 = arith.cmpi eq, %shift_right_arithmetic3A_706, %broadcast_in_dim3A : vector<16xi32>
      %sub3A_708 = arith.subf %gather3A_703, %gather3A_702 : vector<16xf32>
      %broadcast_in_dim3A_709 = arith.constant 0.000000e+00 : f32
      %broadcast_in_dim3A_710 = vector.broadcast %broadcast_in_dim3A_709 : f32 to vector<16xf32>
      %select_n3A_711 = arith.select %eq3A_707, %sub3A_708, %broadcast_in_dim3A_710 : vector<16xi1>, vector<16xf32>
      %add3A_712 = arith.addf %add3A_692, %select_n3A_711 : vector<16xf32>
      %get3A_713 = arith.constant 144 : index
      %get3A_714 = tpu.vector_load %arg13[%get3A_713] {strides = array<i32>} : memref<256xi32, #tpu.memory_space<vmem>>, vector<16xi32>,
      %and3A_715 = arith.constant 63 : i32
      %and3A_716 = vector.broadcast %and3A_715 : i32 to vector<16xi32>
      %and3A_717 = arith.andi %get3A_714, %and3A_716 : vector<16xi32>
      %mul3A_718 = arith.constant 1024 : i32
      %mul3A_719 = vector.broadcast %mul3A_718 : i32 to vector<16xi32>
      %mul3A_720 = arith.muli %and3A_717, %mul3A_719 : vector<16xi32>
      %add3A_721 = arith.addi %get3A_517, %mul3A_720 : vector<16xi32>
      %gather3A_722 = tpu.vector_load_idx %arg8[%add3A_721] : memref<65536xf32, #tpu.memory_space<vmem>>[vector<16xi32>], vector<16xf32>,
      %gather3A_723 = tpu.vector_load_idx %arg9[%get3A_517] : memref<1000xf32, #tpu.memory_space<vmem>>[vector<16xi32>], vector<16xf32>,
      %shift_right_arithmetic3A_724 = arith.constant 6 : i32
      %shift_right_arithmetic3A_725 = vector.broadcast %shift_right_arithmetic3A_724 : i32 to vector<16xi32>
      %shift_right_arithmetic3A_726 = arith.shrsi %get3A_714, %shift_right_arithmetic3A_725 : vector<16xi32>
      %eq3A_727 = arith.cmpi eq, %shift_right_arithmetic3A_726, %broadcast_in_dim3A : vector<16xi32>
      %sub3A_728 = arith.subf %gather3A_723, %gather3A_722 : vector<16xf32>
      %broadcast_in_dim3A_729 = arith.constant 0.000000e+00 : f32
      %broadcast_in_dim3A_730 = vector.broadcast %broadcast_in_dim3A_729 : f32 to vector<16xf32>
      %select_n3A_731 = arith.select %eq3A_727, %sub3A_728, %broadcast_in_dim3A_730 : vector<16xi1>, vector<16xf32>
      %add3A_732 = arith.addf %add3A_712, %select_n3A_731 : vector<16xf32>
      %get3A_733 = arith.constant 160 : index
      %get3A_734 = tpu.vector_load %arg13[%get3A_733] {strides = array<i32>} : memref<256xi32, #tpu.memory_space<vmem>>, vector<16xi32>,
      %and3A_735 = arith.constant 63 : i32
      %and3A_736 = vector.broadcast %and3A_735 : i32 to vector<16xi32>
      %and3A_737 = arith.andi %get3A_734, %and3A_736 : vector<16xi32>
      %mul3A_738 = arith.constant 1024 : i32
      %mul3A_739 = vector.broadcast %mul3A_738 : i32 to vector<16xi32>
      %mul3A_740 = arith.muli %and3A_737, %mul3A_739 : vector<16xi32>
      %add3A_741 = arith.addi %get3A_519, %mul3A_740 : vector<16xi32>
      %gather3A_742 = tpu.vector_load_idx %arg8[%add3A_741] : memref<65536xf32, #tpu.memory_space<vmem>>[vector<16xi32>], vector<16xf32>,
      %gather3A_743 = tpu.vector_load_idx %arg9[%get3A_519] : memref<1000xf32, #tpu.memory_space<vmem>>[vector<16xi32>], vector<16xf32>,
      %shift_right_arithmetic3A_744 = arith.constant 6 : i32
      %shift_right_arithmetic3A_745 = vector.broadcast %shift_right_arithmetic3A_744 : i32 to vector<16xi32>
      %shift_right_arithmetic3A_746 = arith.shrsi %get3A_734, %shift_right_arithmetic3A_745 : vector<16xi32>
      %eq3A_747 = arith.cmpi eq, %shift_right_arithmetic3A_746, %broadcast_in_dim3A : vector<16xi32>
      %sub3A_748 = arith.subf %gather3A_743, %gather3A_742 : vector<16xf32>
      %broadcast_in_dim3A_749 = arith.constant 0.000000e+00 : f32
      %broadcast_in_dim3A_750 = vector.broadcast %broadcast_in_dim3A_749 : f32 to vector<16xf32>
      %select_n3A_751 = arith.select %eq3A_747, %sub3A_748, %broadcast_in_dim3A_750 : vector<16xi1>, vector<16xf32>
      %add3A_752 = arith.addf %add3A_732, %select_n3A_751 : vector<16xf32>
      %get3A_753 = arith.constant 176 : index
      %get3A_754 = tpu.vector_load %arg13[%get3A_753] {strides = array<i32>} : memref<256xi32, #tpu.memory_space<vmem>>, vector<16xi32>,
      %and3A_755 = arith.constant 63 : i32
      %and3A_756 = vector.broadcast %and3A_755 : i32 to vector<16xi32>
      %and3A_757 = arith.andi %get3A_754, %and3A_756 : vector<16xi32>
      %mul3A_758 = arith.constant 1024 : i32
      %mul3A_759 = vector.broadcast %mul3A_758 : i32 to vector<16xi32>
      %mul3A_760 = arith.muli %and3A_757, %mul3A_759 : vector<16xi32>
      %add3A_761 = arith.addi %get3A_521, %mul3A_760 : vector<16xi32>
      %gather3A_762 = tpu.vector_load_idx %arg8[%add3A_761] : memref<65536xf32, #tpu.memory_space<vmem>>[vector<16xi32>], vector<16xf32>,
      %gather3A_763 = tpu.vector_load_idx %arg9[%get3A_521] : memref<1000xf32, #tpu.memory_space<vmem>>[vector<16xi32>], vector<16xf32>,
      %shift_right_arithmetic3A_764 = arith.constant 6 : i32
      %shift_right_arithmetic3A_765 = vector.broadcast %shift_right_arithmetic3A_764 : i32 to vector<16xi32>
      %shift_right_arithmetic3A_766 = arith.shrsi %get3A_754, %shift_right_arithmetic3A_765 : vector<16xi32>
      %eq3A_767 = arith.cmpi eq, %shift_right_arithmetic3A_766, %broadcast_in_dim3A : vector<16xi32>
      %sub3A_768 = arith.subf %gather3A_763, %gather3A_762 : vector<16xf32>
      %broadcast_in_dim3A_769 = arith.constant 0.000000e+00 : f32
      %broadcast_in_dim3A_770 = vector.broadcast %broadcast_in_dim3A_769 : f32 to vector<16xf32>
      %select_n3A_771 = arith.select %eq3A_767, %sub3A_768, %broadcast_in_dim3A_770 : vector<16xi1>, vector<16xf32>
      %add3A_772 = arith.addf %add3A_752, %select_n3A_771 : vector<16xf32>
      %get3A_773 = arith.constant 192 : index
      %get3A_774 = tpu.vector_load %arg13[%get3A_773] {strides = array<i32>} : memref<256xi32, #tpu.memory_space<vmem>>, vector<16xi32>,
      %and3A_775 = arith.constant 63 : i32
      %and3A_776 = vector.broadcast %and3A_775 : i32 to vector<16xi32>
      %and3A_777 = arith.andi %get3A_774, %and3A_776 : vector<16xi32>
      %mul3A_778 = arith.constant 1024 : i32
      %mul3A_779 = vector.broadcast %mul3A_778 : i32 to vector<16xi32>
      %mul3A_780 = arith.muli %and3A_777, %mul3A_779 : vector<16xi32>
      %add3A_781 = arith.addi %get3A_523, %mul3A_780 : vector<16xi32>
      %gather3A_782 = tpu.vector_load_idx %arg8[%add3A_781] : memref<65536xf32, #tpu.memory_space<vmem>>[vector<16xi32>], vector<16xf32>,
      %gather3A_783 = tpu.vector_load_idx %arg9[%get3A_523] : memref<1000xf32, #tpu.memory_space<vmem>>[vector<16xi32>], vector<16xf32>,
      %shift_right_arithmetic3A_784 = arith.constant 6 : i32
      %shift_right_arithmetic3A_785 = vector.broadcast %shift_right_arithmetic3A_784 : i32 to vector<16xi32>
      %shift_right_arithmetic3A_786 = arith.shrsi %get3A_774, %shift_right_arithmetic3A_785 : vector<16xi32>
      %eq3A_787 = arith.cmpi eq, %shift_right_arithmetic3A_786, %broadcast_in_dim3A : vector<16xi32>
      %sub3A_788 = arith.subf %gather3A_783, %gather3A_782 : vector<16xf32>
      %broadcast_in_dim3A_789 = arith.constant 0.000000e+00 : f32
      %broadcast_in_dim3A_790 = vector.broadcast %broadcast_in_dim3A_789 : f32 to vector<16xf32>
      %select_n3A_791 = arith.select %eq3A_787, %sub3A_788, %broadcast_in_dim3A_790 : vector<16xi1>, vector<16xf32>
      %add3A_792 = arith.addf %add3A_772, %select_n3A_791 : vector<16xf32>
      %get3A_793 = arith.constant 208 : index
      %get3A_794 = tpu.vector_load %arg13[%get3A_793] {strides = array<i32>} : memref<256xi32, #tpu.memory_space<vmem>>, vector<16xi32>,
      %and3A_795 = arith.constant 63 : i32
      %and3A_796 = vector.broadcast %and3A_795 : i32 to vector<16xi32>
      %and3A_797 = arith.andi %get3A_794, %and3A_796 : vector<16xi32>
      %mul3A_798 = arith.constant 1024 : i32
      %mul3A_799 = vector.broadcast %mul3A_798 : i32 to vector<16xi32>
      %mul3A_800 = arith.muli %and3A_797, %mul3A_799 : vector<16xi32>
      %add3A_801 = arith.addi %get3A_525, %mul3A_800 : vector<16xi32>
      %gather3A_802 = tpu.vector_load_idx %arg8[%add3A_801] : memref<65536xf32, #tpu.memory_space<vmem>>[vector<16xi32>], vector<16xf32>,
      %gather3A_803 = tpu.vector_load_idx %arg9[%get3A_525] : memref<1000xf32, #tpu.memory_space<vmem>>[vector<16xi32>], vector<16xf32>,
      %shift_right_arithmetic3A_804 = arith.constant 6 : i32
      %shift_right_arithmetic3A_805 = vector.broadcast %shift_right_arithmetic3A_804 : i32 to vector<16xi32>
      %shift_right_arithmetic3A_806 = arith.shrsi %get3A_794, %shift_right_arithmetic3A_805 : vector<16xi32>
      %eq3A_807 = arith.cmpi eq, %shift_right_arithmetic3A_806, %broadcast_in_dim3A : vector<16xi32>
      %sub3A_808 = arith.subf %gather3A_803, %gather3A_802 : vector<16xf32>
      %broadcast_in_dim3A_809 = arith.constant 0.000000e+00 : f32
      %broadcast_in_dim3A_810 = vector.broadcast %broadcast_in_dim3A_809 : f32 to vector<16xf32>
      %select_n3A_811 = arith.select %eq3A_807, %sub3A_808, %broadcast_in_dim3A_810 : vector<16xi1>, vector<16xf32>
      %add3A_812 = arith.addf %add3A_792, %select_n3A_811 : vector<16xf32>
      %get3A_813 = arith.constant 224 : index
      %get3A_814 = tpu.vector_load %arg13[%get3A_813] {strides = array<i32>} : memref<256xi32, #tpu.memory_space<vmem>>, vector<16xi32>,
      %and3A_815 = arith.constant 63 : i32
      %and3A_816 = vector.broadcast %and3A_815 : i32 to vector<16xi32>
      %and3A_817 = arith.andi %get3A_814, %and3A_816 : vector<16xi32>
      %mul3A_818 = arith.constant 1024 : i32
      %mul3A_819 = vector.broadcast %mul3A_818 : i32 to vector<16xi32>
      %mul3A_820 = arith.muli %and3A_817, %mul3A_819 : vector<16xi32>
      %add3A_821 = arith.addi %get3A_527, %mul3A_820 : vector<16xi32>
      %gather3A_822 = tpu.vector_load_idx %arg8[%add3A_821] : memref<65536xf32, #tpu.memory_space<vmem>>[vector<16xi32>], vector<16xf32>,
      %gather3A_823 = tpu.vector_load_idx %arg9[%get3A_527] : memref<1000xf32, #tpu.memory_space<vmem>>[vector<16xi32>], vector<16xf32>,
      %shift_right_arithmetic3A_824 = arith.constant 6 : i32
      %shift_right_arithmetic3A_825 = vector.broadcast %shift_right_arithmetic3A_824 : i32 to vector<16xi32>
      %shift_right_arithmetic3A_826 = arith.shrsi %get3A_814, %shift_right_arithmetic3A_825 : vector<16xi32>
      %eq3A_827 = arith.cmpi eq, %shift_right_arithmetic3A_826, %broadcast_in_dim3A : vector<16xi32>
      %sub3A_828 = arith.subf %gather3A_823, %gather3A_822 : vector<16xf32>
      %broadcast_in_dim3A_829 = arith.constant 0.000000e+00 : f32
      %broadcast_in_dim3A_830 = vector.broadcast %broadcast_in_dim3A_829 : f32 to vector<16xf32>
      %select_n3A_831 = arith.select %eq3A_827, %sub3A_828, %broadcast_in_dim3A_830 : vector<16xi1>, vector<16xf32>
      %add3A_832 = arith.addf %add3A_812, %select_n3A_831 : vector<16xf32>
      %get3A_833 = arith.constant 240 : index
      %get3A_834 = tpu.vector_load %arg13[%get3A_833] {strides = array<i32>} : memref<256xi32, #tpu.memory_space<vmem>>, vector<16xi32>,
      %and3A_835 = arith.constant 63 : i32
      %and3A_836 = vector.broadcast %and3A_835 : i32 to vector<16xi32>
      %and3A_837 = arith.andi %get3A_834, %and3A_836 : vector<16xi32>
      %mul3A_838 = arith.constant 1024 : i32
      %mul3A_839 = vector.broadcast %mul3A_838 : i32 to vector<16xi32>
      %mul3A_840 = arith.muli %and3A_837, %mul3A_839 : vector<16xi32>
      %add3A_841 = arith.addi %get3A_529, %mul3A_840 : vector<16xi32>
      %gather3A_842 = tpu.vector_load_idx %arg8[%add3A_841] : memref<65536xf32, #tpu.memory_space<vmem>>[vector<16xi32>], vector<16xf32>,
      %gather3A_843 = tpu.vector_load_idx %arg9[%get3A_529] : memref<1000xf32, #tpu.memory_space<vmem>>[vector<16xi32>], vector<16xf32>,
      %shift_right_arithmetic3A_844 = arith.constant 6 : i32
      %shift_right_arithmetic3A_845 = vector.broadcast %shift_right_arithmetic3A_844 : i32 to vector<16xi32>
      %shift_right_arithmetic3A_846 = arith.shrsi %get3A_834, %shift_right_arithmetic3A_845 : vector<16xi32>
      %eq3A_847 = arith.cmpi eq, %shift_right_arithmetic3A_846, %broadcast_in_dim3A : vector<16xi32>
      %sub3A_848 = arith.subf %gather3A_843, %gather3A_842 : vector<16xf32>
      %broadcast_in_dim3A_849 = arith.constant 0.000000e+00 : f32
      %broadcast_in_dim3A_850 = vector.broadcast %broadcast_in_dim3A_849 : f32 to vector<16xf32>
      %select_n3A_851 = arith.select %eq3A_847, %sub3A_848, %broadcast_in_dim3A_850 : vector<16xi1>, vector<16xf32>
      %add3A_852 = arith.addf %add3A_832, %select_n3A_851 : vector<16xf32>
      %mul3A_853 = arith.constant 256 : i32
      %mul3A_854 = arith.muli %add3A_488, %mul3A_853 : i32
      %add3A_855 = arith.addi %mul3A_32, %mul3A_854 : i32
      %dma_start3A_856 = arith.constant 0 : i32
      %dma_start3A_857 = arith.constant 0 : i32
      %dma_start3A_858 = arith.constant 0 : i32
      %dma_start3A_859 = tpu.memref_slice %arg15[%dma_start3A_856, %dma_start3A_857, %dma_start3A_858] : memref<8x8x256xf32, #tpu.memory_space<vmem>> -> memref<5x8x256xf32, #tpu.memory_space<vmem>>
      %dma_start3A_860 = arith.constant 0 : i32
      %dma_start3A_861 = tpu.memref_slice %arg6[%mul3A_34, %dma_start3A_860, %add3A_855] : memref<125x8x51200xf32, #tpu.memory_space<hbm>> -> memref<5x8x256xf32, #tpu.memory_space<hbm>>
      %dma_start3A_862 = arith.constant 0 : i32
      %dma_start3A_863 = tpu.memref_slice %arg6[%mul3A_34, %dma_start3A_862, %add3A_855] : memref<125x8x51200xf32, #tpu.memory_space<hbm>> -> memref<5x8x256xf32, #tpu.memory_space<hbm>>
      %dma_start3A_864 = arith.constant 0 : i32
      %dma_start3A_865 = arith.constant 0 : i32
      %dma_start3A_866 = arith.constant 0 : i32
      %dma_start3A_867 = tpu.memref_slice %arg15[%dma_start3A_864, %dma_start3A_865, %dma_start3A_866] : memref<8x8x256xf32, #tpu.memory_space<vmem>> -> memref<5x8x256xf32, #tpu.memory_space<vmem>>
      tpu.enqueue_dma source(%dma_start3A_867 : memref<5x8x256xf32, #tpu.memory_space<vmem>>) target(%dma_start3A_863 : memref<5x8x256xf32, #tpu.memory_space<hbm>>) target_semaphore(%arg20 : memref<!tpu.dma_semaphore, #tpu.memory_space<semaphore_mem>>)
      %lt3A_868 = arith.constant 15 : i32
      %lt3A_869 = arith.cmpi slt, %select_n3A_9, %lt3A_868 : i32
      %convert_element_type3A_870 = arith.extui %lt3A_869 : i1 to i32
      %cond3A_871 = arith.constant 0 : i32
      %cond3A_872 = arith.cmpi ne, %convert_element_type3A_870, %cond3A_871 : i32
      scf.if %cond3A_872 {
        %add3A_880 = arith.constant 5 : i32
        %add3A_881 = arith.addi %mul3A_34, %add3A_880 : i32
        %dma_start3A_882 = arith.constant 5 : i32
        %dma_start3A_883 = arith.constant 0 : i32
        %dma_start3A_884 = arith.constant 0 : i32
        %dma_start3A_885 = tpu.memref_slice %arg15[%dma_start3A_882, %dma_start3A_883, %dma_start3A_884] : memref<8x8x256xf32, #tpu.memory_space<vmem>> -> memref<3x8x256xf32, #tpu.memory_space<vmem>>
        %dma_start3A_886 = arith.constant 0 : i32
        %dma_start3A_887 = tpu.memref_slice %arg6[%add3A_881, %dma_start3A_886, %add3A_855] : memref<125x8x51200xf32, #tpu.memory_space<hbm>> -> memref<3x8x256xf32, #tpu.memory_space<hbm>>
        %dma_start3A_888 = arith.constant 0 : i32
        %dma_start3A_889 = tpu.memref_slice %arg6[%add3A_881, %dma_start3A_888, %add3A_855] : memref<125x8x51200xf32, #tpu.memory_space<hbm>> -> memref<3x8x256xf32, #tpu.memory_space<hbm>>
        %dma_start3A_890 = arith.constant 5 : i32
        %dma_start3A_891 = arith.constant 0 : i32
        %dma_start3A_892 = arith.constant 0 : i32
        %dma_start3A_893 = tpu.memref_slice %arg15[%dma_start3A_890, %dma_start3A_891, %dma_start3A_892] : memref<8x8x256xf32, #tpu.memory_space<vmem>> -> memref<3x8x256xf32, #tpu.memory_space<vmem>>
        tpu.enqueue_dma source(%dma_start3A_893 : memref<3x8x256xf32, #tpu.memory_space<vmem>>) target(%dma_start3A_889 : memref<3x8x256xf32, #tpu.memory_space<hbm>>) target_semaphore(%arg20 : memref<!tpu.dma_semaphore, #tpu.memory_space<semaphore_mem>>)
      } else {
      }
      %add3A_873 = arith.constant 2 : i32
      %add3A_874 = arith.addi %add3A_488, %add3A_873 : i32
      %lt3A_875 = arith.constant 100 : i32
      %lt3A_876 = arith.cmpi slt, %add3A_874, %lt3A_875 : i32
      %convert_element_type3A_877 = arith.extui %lt3A_876 : i1 to i32
      %cond3A_878 = arith.constant 0 : i32
      %cond3A_879 = arith.cmpi ne, %convert_element_type3A_877, %cond3A_878 : i32
      scf.if %cond3A_879 {
        %add3A_880 = arith.constant 2 : i32
        %add3A_881 = arith.addi %add3A_488, %add3A_880 : i32
        %mul3A_882 = arith.constant 256 : i32
        %mul3A_883 = arith.muli %add3A_881, %mul3A_882 : i32
        %add3A_884 = arith.addi %mul3A_32, %mul3A_883 : i32
        %dma_start3A_885 = tpu.memref_slice %arg3[%add3A_884] : memref<51200xi32, #tpu.memory_space<hbm>> -> memref<256xi32, #tpu.memory_space<hbm>>
        %dma_start3A_886 = tpu.memref_slice %arg3[%add3A_884] : memref<51200xi32, #tpu.memory_space<hbm>> -> memref<256xi32, #tpu.memory_space<hbm>>
        tpu.enqueue_dma source(%dma_start3A_886 : memref<256xi32, #tpu.memory_space<hbm>>) target(%arg11 : memref<256xi32, #tpu.memory_space<vmem>>) target_semaphore(%arg18 : memref<!tpu.dma_semaphore, #tpu.memory_space<semaphore_mem>>)
        %dma_start3A_887 = tpu.memref_slice %arg4[%add3A_884] : memref<51200xi32, #tpu.memory_space<hbm>> -> memref<256xi32, #tpu.memory_space<hbm>>
        %dma_start3A_888 = tpu.memref_slice %arg4[%add3A_884] : memref<51200xi32, #tpu.memory_space<hbm>> -> memref<256xi32, #tpu.memory_space<hbm>>
        tpu.enqueue_dma source(%dma_start3A_888 : memref<256xi32, #tpu.memory_space<hbm>>) target(%arg13 : memref<256xi32, #tpu.memory_space<vmem>>) target_semaphore(%arg18 : memref<!tpu.dma_semaphore, #tpu.memory_space<semaphore_mem>>)
      } else {
      }
      scf.yield %add3A_852 : vector<16xf32>
    }
    %scan3A_56 = arith.constant 50 : i32
    %dma_wait3A = arith.constant 0 : i32
    %dma_wait3A_57 = arith.constant 0 : i32
    %dma_wait3A_58 = arith.constant 0 : i32
    %dma_wait3A_59 = tpu.memref_slice %arg14[%dma_wait3A, %dma_wait3A_57, %dma_wait3A_58] : memref<8x8x256xf32, #tpu.memory_space<vmem>> -> memref<5x8x256xf32, #tpu.memory_space<vmem>>
    %dma_wait3A_60 = arith.constant 0 : i32
    %dma_wait3A_61 = arith.constant 0 : i32
    %dma_wait3A_62 = tpu.memref_slice %arg6[%mul3A_34, %dma_wait3A_60, %dma_wait3A_61] : memref<125x8x51200xf32, #tpu.memory_space<hbm>> -> memref<5x8x256xf32, #tpu.memory_space<hbm>>
    %dma_wait3A_63 = arith.constant 0 : i32
    %dma_wait3A_64 = arith.constant 0 : i32
    %dma_wait3A_65 = tpu.memref_slice %arg6[%mul3A_34, %dma_wait3A_63, %dma_wait3A_64] : memref<125x8x51200xf32, #tpu.memory_space<hbm>> -> memref<5x8x256xf32, #tpu.memory_space<hbm>>
    %dma_wait3A_66 = arith.constant 0 : i32
    %dma_wait3A_67 = arith.constant 0 : i32
    %dma_wait3A_68 = arith.constant 0 : i32
    %dma_wait3A_69 = tpu.memref_slice %arg14[%dma_wait3A_66, %dma_wait3A_67, %dma_wait3A_68] : memref<8x8x256xf32, #tpu.memory_space<vmem>> -> memref<5x8x256xf32, #tpu.memory_space<vmem>>
    tpu.wait_dma2 semaphore(%arg19 : memref<!tpu.dma_semaphore, #tpu.memory_space<semaphore_mem>>) src(%dma_wait3A_69 : memref<5x8x256xf32, #tpu.memory_space<vmem>>) dst(%dma_wait3A_65 : memref<5x8x256xf32, #tpu.memory_space<hbm>>)
    %lt3A_70 = arith.constant 15 : i32
    %lt3A_71 = arith.cmpi slt, %select_n3A_9, %lt3A_70 : i32
    %convert_element_type3A = arith.extui %lt3A_71 : i1 to i32
    %cond3A = arith.constant 0 : i32
    %cond3A_72 = arith.cmpi ne, %convert_element_type3A, %cond3A : i32
    scf.if %cond3A_72 {
      %add3A_93 = arith.constant 5 : i32
      %add3A_94 = arith.addi %mul3A_34, %add3A_93 : i32
      %dma_wait3A_95 = arith.constant 5 : i32
      %dma_wait3A_96 = arith.constant 0 : i32
      %dma_wait3A_97 = arith.constant 0 : i32
      %dma_wait3A_98 = tpu.memref_slice %arg14[%dma_wait3A_95, %dma_wait3A_96, %dma_wait3A_97] : memref<8x8x256xf32, #tpu.memory_space<vmem>> -> memref<3x8x256xf32, #tpu.memory_space<vmem>>
      %dma_wait3A_99 = arith.constant 0 : i32
      %dma_wait3A_100 = arith.constant 0 : i32
      %dma_wait3A_101 = tpu.memref_slice %arg6[%add3A_94, %dma_wait3A_99, %dma_wait3A_100] : memref<125x8x51200xf32, #tpu.memory_space<hbm>> -> memref<3x8x256xf32, #tpu.memory_space<hbm>>
      %dma_wait3A_102 = arith.constant 0 : i32
      %dma_wait3A_103 = arith.constant 0 : i32
      %dma_wait3A_104 = tpu.memref_slice %arg6[%add3A_94, %dma_wait3A_102, %dma_wait3A_103] : memref<125x8x51200xf32, #tpu.memory_space<hbm>> -> memref<3x8x256xf32, #tpu.memory_space<hbm>>
      %dma_wait3A_105 = arith.constant 5 : i32
      %dma_wait3A_106 = arith.constant 0 : i32
      %dma_wait3A_107 = arith.constant 0 : i32
      %dma_wait3A_108 = tpu.memref_slice %arg14[%dma_wait3A_105, %dma_wait3A_106, %dma_wait3A_107] : memref<8x8x256xf32, #tpu.memory_space<vmem>> -> memref<3x8x256xf32, #tpu.memory_space<vmem>>
      tpu.wait_dma2 semaphore(%arg19 : memref<!tpu.dma_semaphore, #tpu.memory_space<semaphore_mem>>) src(%dma_wait3A_108 : memref<3x8x256xf32, #tpu.memory_space<vmem>>) dst(%dma_wait3A_104 : memref<3x8x256xf32, #tpu.memory_space<hbm>>)
    } else {
    }
    %dma_wait3A_73 = arith.constant 0 : i32
    %dma_wait3A_74 = arith.constant 0 : i32
    %dma_wait3A_75 = arith.constant 0 : i32
    %dma_wait3A_76 = tpu.memref_slice %arg15[%dma_wait3A_73, %dma_wait3A_74, %dma_wait3A_75] : memref<8x8x256xf32, #tpu.memory_space<vmem>> -> memref<5x8x256xf32, #tpu.memory_space<vmem>>
    %dma_wait3A_77 = arith.constant 0 : i32
    %dma_wait3A_78 = arith.constant 0 : i32
    %dma_wait3A_79 = tpu.memref_slice %arg6[%mul3A_34, %dma_wait3A_77, %dma_wait3A_78] : memref<125x8x51200xf32, #tpu.memory_space<hbm>> -> memref<5x8x256xf32, #tpu.memory_space<hbm>>
    %dma_wait3A_80 = arith.constant 0 : i32
    %dma_wait3A_81 = arith.constant 0 : i32
    %dma_wait3A_82 = tpu.memref_slice %arg6[%mul3A_34, %dma_wait3A_80, %dma_wait3A_81] : memref<125x8x51200xf32, #tpu.memory_space<hbm>> -> memref<5x8x256xf32, #tpu.memory_space<hbm>>
    %dma_wait3A_83 = arith.constant 0 : i32
    %dma_wait3A_84 = arith.constant 0 : i32
    %dma_wait3A_85 = arith.constant 0 : i32
    %dma_wait3A_86 = tpu.memref_slice %arg15[%dma_wait3A_83, %dma_wait3A_84, %dma_wait3A_85] : memref<8x8x256xf32, #tpu.memory_space<vmem>> -> memref<5x8x256xf32, #tpu.memory_space<vmem>>
    tpu.wait_dma2 semaphore(%arg20 : memref<!tpu.dma_semaphore, #tpu.memory_space<semaphore_mem>>) src(%dma_wait3A_86 : memref<5x8x256xf32, #tpu.memory_space<vmem>>) dst(%dma_wait3A_82 : memref<5x8x256xf32, #tpu.memory_space<hbm>>)
    %lt3A_87 = arith.constant 15 : i32
    %lt3A_88 = arith.cmpi slt, %select_n3A_9, %lt3A_87 : i32
    %convert_element_type3A_89 = arith.extui %lt3A_88 : i1 to i32
    %cond3A_90 = arith.constant 0 : i32
    %cond3A_91 = arith.cmpi ne, %convert_element_type3A_89, %cond3A_90 : i32
    scf.if %cond3A_91 {
      %add3A_93 = arith.constant 5 : i32
      %add3A_94 = arith.addi %mul3A_34, %add3A_93 : i32
      %dma_wait3A_95 = arith.constant 5 : i32
      %dma_wait3A_96 = arith.constant 0 : i32
      %dma_wait3A_97 = arith.constant 0 : i32
      %dma_wait3A_98 = tpu.memref_slice %arg15[%dma_wait3A_95, %dma_wait3A_96, %dma_wait3A_97] : memref<8x8x256xf32, #tpu.memory_space<vmem>> -> memref<3x8x256xf32, #tpu.memory_space<vmem>>
      %dma_wait3A_99 = arith.constant 0 : i32
      %dma_wait3A_100 = arith.constant 0 : i32
      %dma_wait3A_101 = tpu.memref_slice %arg6[%add3A_94, %dma_wait3A_99, %dma_wait3A_100] : memref<125x8x51200xf32, #tpu.memory_space<hbm>> -> memref<3x8x256xf32, #tpu.memory_space<hbm>>
      %dma_wait3A_102 = arith.constant 0 : i32
      %dma_wait3A_103 = arith.constant 0 : i32
      %dma_wait3A_104 = tpu.memref_slice %arg6[%add3A_94, %dma_wait3A_102, %dma_wait3A_103] : memref<125x8x51200xf32, #tpu.memory_space<hbm>> -> memref<3x8x256xf32, #tpu.memory_space<hbm>>
      %dma_wait3A_105 = arith.constant 5 : i32
      %dma_wait3A_106 = arith.constant 0 : i32
      %dma_wait3A_107 = arith.constant 0 : i32
      %dma_wait3A_108 = tpu.memref_slice %arg15[%dma_wait3A_105, %dma_wait3A_106, %dma_wait3A_107] : memref<8x8x256xf32, #tpu.memory_space<vmem>> -> memref<3x8x256xf32, #tpu.memory_space<vmem>>
      tpu.wait_dma2 semaphore(%arg20 : memref<!tpu.dma_semaphore, #tpu.memory_space<semaphore_mem>>) src(%dma_wait3A_108 : memref<3x8x256xf32, #tpu.memory_space<vmem>>) dst(%dma_wait3A_104 : memref<3x8x256xf32, #tpu.memory_space<hbm>>)
    } else {
    }
    %swap3A = arith.constant 0 : index
    %swap3A_92 = tpu.vector_load %arg16[%swap3A] {strides = array<i32>} : memref<16xf32, #tpu.memory_space<vmem>>, vector<16xf32>,
    tpu.vector_store %arg16[%swap3A], %scan3A_55 {strides = array<i32>} : memref<16xf32, #tpu.memory_space<vmem>>, vector<16xf32>,
    "tpu.region"() ({
      %run_scoped3A = tpu.sem_alloc : memref<!tpu.dma_semaphore, #tpu.memory_space<semaphore_mem>>
      %dma_start3A_93 = arith.constant 0 : i32
      %dma_start3A_94 = tpu.memref_slice %arg7[%add3A, %dma_start3A_93] : memref<32x16xf32, #tpu.memory_space<hbm>> -> memref<1x16xf32, #tpu.memory_space<hbm>>
      %dma_start3A_95 = tpu.memref_squeeze %dma_start3A_94 : memref<1x16xf32, #tpu.memory_space<hbm>> -> memref<16xf32, #tpu.memory_space<hbm>>
      %dma_start3A_96 = arith.constant 0 : i32
      %dma_start3A_97 = tpu.memref_slice %arg7[%add3A, %dma_start3A_96] : memref<32x16xf32, #tpu.memory_space<hbm>> -> memref<1x16xf32, #tpu.memory_space<hbm>>
      %dma_start3A_98 = tpu.memref_squeeze %dma_start3A_97 : memref<1x16xf32, #tpu.memory_space<hbm>> -> memref<16xf32, #tpu.memory_space<hbm>>
      tpu.enqueue_dma source(%arg16 : memref<16xf32, #tpu.memory_space<vmem>>) target(%dma_start3A_98 : memref<16xf32, #tpu.memory_space<hbm>>) target_semaphore(%run_scoped3A : memref<!tpu.dma_semaphore, #tpu.memory_space<semaphore_mem>>)
      %dma_wait3A_99 = arith.constant 0 : i32
      %dma_wait3A_100 = tpu.memref_slice %arg7[%add3A, %dma_wait3A_99] : memref<32x16xf32, #tpu.memory_space<hbm>> -> memref<1x16xf32, #tpu.memory_space<hbm>>
      %dma_wait3A_101 = tpu.memref_squeeze %dma_wait3A_100 : memref<1x16xf32, #tpu.memory_space<hbm>> -> memref<16xf32, #tpu.memory_space<hbm>>
      %dma_wait3A_102 = arith.constant 0 : i32
      %dma_wait3A_103 = tpu.memref_slice %arg7[%add3A, %dma_wait3A_102] : memref<32x16xf32, #tpu.memory_space<hbm>> -> memref<1x16xf32, #tpu.memory_space<hbm>>
      %dma_wait3A_104 = tpu.memref_squeeze %dma_wait3A_103 : memref<1x16xf32, #tpu.memory_space<hbm>> -> memref<16xf32, #tpu.memory_space<hbm>>
      tpu.wait_dma2 semaphore(%run_scoped3A : memref<!tpu.dma_semaphore, #tpu.memory_space<semaphore_mem>>) src(%arg16 : memref<16xf32, #tpu.memory_space<vmem>>) dst(%dma_wait3A_104 : memref<16xf32, #tpu.memory_space<hbm>>)
      tpu.yield
    }) : () -> ()
    return
  }
}

module attributes {stable_mosaic.version = 14 : i64} {
  func.func @_lse_body(%arg0: memref<1000x1000xf32, #tpu.memory_space<vmem>>, %arg1: memref<1000xf32, #tpu.memory_space<vmem>>) attributes {dimension_semantics = [], scalar_prefetch = 0 : i64, scratch_operands = 0 : i64, tpu.core_type = #tpu.core_type<tc>} {
    %get3A = arith.constant 0 : index
    %get3A_0 = arith.constant 0 : index
    %get3A_1 = vector.load %arg0[%get3A, %get3A_0] : memref<1000x1000xf32, #tpu.memory_space<vmem>>, vector<1000x1000xf32>
    %reduce_max3A = arith.constant dense<0xFF800000> : vector<1000xf32>
    %reduce_max3A_2 = vector.multi_reduction <maximumf>, %get3A_1, %reduce_max3A [1] : vector<1000x1000xf32> to vector<1000xf32>
    %broadcast_in_dim3A = vector.shape_cast %reduce_max3A_2 : vector<1000xf32> to vector<1000x1xf32>
    %sub3A = vector.broadcast %broadcast_in_dim3A : vector<1000x1xf32> to vector<1000x1000xf32>
    %sub3A_3 = arith.subf %get3A_1, %sub3A : vector<1000x1000xf32>
    %exp3A = math.exp %sub3A_3 : vector<1000x1000xf32>
    %reduce_sum3A = arith.constant dense<0.000000e+00> : vector<1000xf32>
    %reduce_sum3A_4 = vector.multi_reduction <add>, %exp3A, %reduce_sum3A [1] : vector<1000x1000xf32> to vector<1000xf32>
    %log3A = math.log %reduce_sum3A_4 : vector<1000xf32>
    %add3A = arith.addf %reduce_max3A_2, %log3A : vector<1000xf32>
    %swap3A = arith.constant 0 : index
    %swap3A_5 = vector.load %arg1[%swap3A] : memref<1000xf32, #tpu.memory_space<vmem>>, vector<1000xf32>
    tpu.vector_store %arg1[%swap3A], %add3A {strides = array<i32>} : memref<1000xf32, #tpu.memory_space<vmem>>, vector<1000xf32>,
    return
  }
}

module attributes {stable_mosaic.version = 14 : i64} {
  func.func @_loss_body(%arg0: memref<32x16xf32, #tpu.memory_space<vmem>>, %arg1: memref<1x1xf32, #tpu.memory_space<smem>>) attributes {dimension_semantics = [], scalar_prefetch = 0 : i64, scratch_operands = 0 : i64, tpu.core_type = #tpu.core_type<tc>} {
    %get3A = arith.constant 0 : index
    %get3A_0 = arith.constant 0 : index
    %get3A_1 = vector.load %arg0[%get3A, %get3A_0] : memref<32x16xf32, #tpu.memory_space<vmem>>, vector<32x16xf32>
    %reduce_sum3A = vector.shape_cast %get3A_1 : vector<32x16xf32> to vector<1x32x16xf32>
    %reduce_sum3A_2 = arith.constant dense<0.000000e+00> : vector<1xf32>
    %reduce_sum3A_3 = vector.multi_reduction <add>, %reduce_sum3A, %reduce_sum3A_2 [1, 2] : vector<1x32x16xf32> to vector<1xf32>
    %reduce_sum3A_4 = vector.shape_cast %reduce_sum3A_3 : vector<1xf32> to vector<1x1x1xf32>
    %reduce_sum3A_5 = vector.extract %reduce_sum3A_4[0, 0, 0] : f32 from vector<1x1x1xf32>
    %mul3A = arith.constant 1.95312496E-5 : f32
    %mul3A_6 = arith.mulf %reduce_sum3A_5, %mul3A : f32
    %swap3A = arith.constant 0 : index
    %swap3A_7 = arith.constant 0 : index
    %swap3A_8 = memref.load %arg1[%swap3A, %swap3A_7] : memref<1x1xf32, #tpu.memory_space<smem>>
    memref.store %mul3A_6, %arg1[%swap3A, %swap3A_7] : memref<1x1xf32, #tpu.memory_space<smem>>
    return
  }
}

</mosaic_0001>

<sc_bundles>
// kernel: kernel.5.cloned.1.call-start
scs
__scs_entry_jumppad:
0x0: {  	(pc) =	sbr.rel $0x88, $3  }
0x1: {  	(tag) =	ssettag $0x0;
	lr =	simm.s32 $0x1  }
0x2: {  	[smem:$0x3F9E] =	sst lr;
	_ =	strace $0xD0000000  }
0x3: {  	_ = 	snop  }
0x4: {  	_ = 	snop  }
0x5: {  	_ = 	snop  }
0x6: {  	_ = 	snop  }
0x7: {  	_ = 	snop  }
__scs_overlays_trampoline_lowered:
0x8: {  	[smem:$0x3FAD] =	sst s0  }
0x9: {  	[smem:$0x3FAE] =	sst s1  }
0xa: {  	[smem:$0x3FAF] =	sst s2  }
0xb: {  	[smem:$0x3FB0] =	sst s3  }
0xc: {  	[smem:$0x3FB1] =	sst s4  }
0xd: {  	[smem:$0x3FB2] =	sst s5  }
0xe: {  	[smem:$0x3FB3] =	sst s6  }
0xf: {  	[smem:$0x3FB4] =	sst s7  }
0x10: {  	[smem:$0x3FB5] =	sst s8  }
0x11: {  	[smem:$0x3FB6] =	sst s9;
	s0 =	simm.s32 @!p0 $0x0  }
0x12: {  	s1 =	sld [smem:$0x3F9C];
	s0 =	simm.s32 @p0 $0x1  }
0x13: {  	[smem:$0x3FB7] =	sst s0;
	s0 =	simm.s32 @!p1 $0x0  }
0x14: {  	s2 =	sld [smem:$0x3F9B];
	s0 =	simm.s32 @p1 $0x1  }
0x15: {  	[smem:$0x3FB8] =	sst s0;
	s0 =	simm.s32 @!p2 $0x0  }
0x16: {  	s3 =	sld [smem:$0x3FDB];
	s0 =	simm.s32 @p2 $0x1  }
0x17: {  	s4 =	simm.s32 $0x1BF5;
	[smem:$0x3FBA] =	sst s0  }
0x18: {  	s0 =	sld [smem:$0x3F9D];
	_ =	swait.ge [sflag:s4], $0x0  }
0x19: {  	s7 =	sld [smem:$0x3F9E]  }
0x1a: {  	s8 =	sadd.s32 $0xFFFFE003, lr  }
0x1b: {  	s9 =	sadd.s32 $0xFFFFFEF7, lr;
	s5 =	simm.s32 $0xFFFFFFFF;
	p2 =	slt.u32 s8, $0xFFFFF086  }
0x1c: {  	p1 =	slt.u32 s9, $0xF7A;
	s5 =	simm.s32 @!p2 $0x0  }
0x1d: {  	s5 =	simm.s32 @p1 $0x1;
	p0 =	seq.s32 s7, s2  }
0x1e: {  	s7 =	smul.u32 @!p0 $0xF7A, s2;
	p2 =	seq.s32 @!p0 s5, $0x0  }
0x1f: {  	s9 =	smul.u32 $0xF7A, s1;
	s8 =	simm.s32 @!p0 $0x1BF5;
	p2 =	por !p2, p0  }
0x20: {  	[sflag:s8] =	ssyncset.s32 @!p0 $0xFFFFF086;
	s6 =	sadd.s32 @!p0 s3, s7;
	s7 =	simm.s32 @!p0 $0x108  }
0x21: {  	s3 =	sadd.s32 s3, s9;
	s6 =	sadd.s32 @!p0 $0x88, s6;
	s7 =	simm.s32 @p2 $0x1082  }
0x22: {  	[simem:s7], [sflag:s8] =	dma.local @!p0 [hbm:s6], $0xF7A  }
0x23: {  	s9 =	sor.u32 $0xD0000000, s2;
	s6 =	simm.s32 $0x108;
	_ =	swait.ge @!p0 [sflag:s8], $0x0  }
0x24: {  	s3 =	sadd.s32 $0x88, s3;
	s6 =	simm.s32 @!p1 $0x1082;
	[sflag:s4] =	ssyncset.s32 $0xFFFFF086  }
0x25: {  	[simem:s6], [sflag:s4] =	dma.local [hbm:s3], $0xF7A  }
0x26: {  	[smem:$0x3F9E] =	sst s1;
	(tag) =	ssettag s2;
	_ =	strace s9  }
0x27: {  	s1 =	sld [smem:$0x3FAE]  }
0x28: {  	s2 =	sld [smem:$0x3FAF]  }
0x29: {  	s4 =	sld [smem:$0x3FB1]  }
0x2a: {  	p0 =	seq.s32 s5, $0x0;
	s5 =	sld [smem:$0x3FB2]  }
0x2b: {  	s6 =	sld [smem:$0x3FB3]  }
0x2c: {  	s7 =	sld [smem:$0x3FB4]  }
0x2d: {  	s3 =	simm.s32 $0x108;
	s8 =	sld [smem:$0x3FB5]  }
0x2e: {  	s3 =	simm.s32 @!p0 $0x1082;
	s9 =	sld [smem:$0x3FB6]  }
0x2f: {  	lr =	sadd.s32 s0, s3;
	s0 =	sld [smem:$0x3FAD]  }
0x30: {  	s3 =	sld [smem:$0x3FB0]  }
0x31: {  	[smem:$0x3FB9] =	sst s10  }
0x32: {  	s10 =	sld [smem:$0x3FB7];
	_ =	sdelay $0x3  }
0x33: {  	p0 =	seq.s32 s10, $0x1;
	s10 =	sld [smem:$0x3FB9];
	_ =	sdelay $0x3  }
0x34: {  	[smem:$0x3FB9] =	sst s10  }
0x35: {  	s10 =	sld [smem:$0x3FB8];
	_ =	sdelay $0x3  }
0x36: {  	p1 =	seq.s32 s10, $0x1;
	s10 =	sld [smem:$0x3FB9];
	_ =	sdelay $0x3  }
0x37: {  	[smem:$0x3FB9] =	sst s10  }
0x38: {  	s10 =	sld [smem:$0x3FBA]  }
0x39: {  	_ = 	snop;
	(pc) =	sbr.ind lr, $3  }
0x3a: {  	_ = 	snop  }
0x3b: {  	_ = 	snop  }
0x3c: {  	p2 =	seq.s32 s10, $0x1;
	s10 =	sld [smem:$0x3FB9]  }
0x3d: {  	_ =	shalt  }
0x3e: {  	_ =	shalt  }
0x3f: {  	_ =	shalt  }
0x40: {  	_ =	shalt  }
0x41: {  	_ =	shalt  }
0x42: {  	_ =	shalt  }
0x43: {  	_ =	shalt  }
0x44: {  	_ =	shalt  }
0x45: {  	_ =	shalt  }
0x46: {  	_ =	shalt  }
0x47: {  	_ =	shalt  }
0x48: {  	_ =	shalt  }
0x49: {  	_ =	shalt  }
0x4a: {  	_ =	shalt  }
0x4b: {  	_ =	shalt  }
0x4c: {  	_ =	shalt  }
0x4d: {  	_ =	shalt  }
0x4e: {  	_ =	shalt  }
0x4f: {  	_ =	shalt  }
0x50: {  	_ =	shalt  }
0x51: {  	_ =	shalt  }
0x52: {  	_ =	shalt  }
0x53: {  	_ =	shalt  }
0x54: {  	_ =	shalt  }
0x55: {  	_ =	shalt  }
0x56: {  	_ =	shalt  }
0x57: {  	_ =	shalt  }
0x58: {  	_ =	shalt  }
0x59: {  	_ =	shalt  }
0x5a: {  	_ =	shalt  }
0x5b: {  	_ =	shalt  }
0x5c: {  	_ =	shalt  }
0x5d: {  	_ =	shalt  }
0x5e: {  	_ =	shalt  }
0x5f: {  	_ =	shalt  }
0x60: {  	_ =	shalt  }
0x61: {  	_ =	shalt  }
0x62: {  	_ =	shalt  }
0x63: {  	_ =	shalt  }
0x64: {  	_ =	shalt  }
0x65: {  	_ =	shalt  }
0x66: {  	_ =	shalt  }
0x67: {  	_ =	shalt  }
0x68: {  	_ =	shalt  }
0x69: {  	_ =	shalt  }
0x6a: {  	_ =	shalt  }
0x6b: {  	_ =	shalt  }
0x6c: {  	_ =	shalt  }
0x6d: {  	_ =	shalt  }
0x6e: {  	_ =	shalt  }
0x6f: {  	_ =	shalt  }
0x70: {  	_ =	shalt  }
0x71: {  	_ =	shalt  }
0x72: {  	_ =	shalt  }
0x73: {  	_ =	shalt  }
0x74: {  	_ =	shalt  }
0x75: {  	_ =	shalt  }
0x76: {  	_ =	shalt  }
0x77: {  	_ =	shalt  }
0x78: {  	_ =	shalt  }
0x79: {  	_ =	shalt  }
0x7a: {  	_ =	shalt  }
0x7b: {  	_ =	shalt  }
0x7c: {  	_ =	shalt  }
0x7d: {  	_ =	shalt  }
0x7e: {  	_ =	shalt  }
0x7f: {  	_ =	shalt  }
0x80: {  	_ =	shalt  }
0x81: {  	_ =	shalt  }
0x82: {  	_ =	shalt  }
0x83: {  	_ =	shalt  }
0x84: {  	_ =	shalt  }
0x85: {  	_ =	shalt  }
0x86: {  	_ =	shalt  }
0x87: {  	_ =	shalt  }
.Lfunc_end0:
.L_simem_size_0:
called_computation_lowered:
.L_overlay_start_0:
0x88: {  	s2 =	sld [smem:$0x3FD9]  }
0x89: {  	s3 =	sld [smem:$0x3FFE];
	_ =	sdelay $0x1  }
0x8a: {  	s1 =	srdreg.scid  }
0x8b: {  	s0 =	sand.u32 $0x1, s1  }
0x8c: {  	s14 =	sshll.u32 s0, $0xA;
	s2 =	sadd.s32 s3, s2  }
0x8d: {  	s2 =	sadd.s32 s2, s14  }
0x8e: {  	[smem:$0x3FC5] =	sst s2  }
0x8f: {  	_ = 	snop  }
0x90: {  	s2 =	sld [smem:$0x3FD0];
	_ =	sdelay $0x2  }
0x91: {  	s15 =	simm.s32 $0xA;
	s4 =	simm.s32 $0x10  }
0x92: {  	[smem:s4], [sflag:s15] =	dma.local [hbm:s2], $0x1  }
0x93: {  	_ =	swait.eq [sflag:s15], $0x1  }
0x94: {  	[sflag:s15] =	ssyncset.done $0x0  }
0x95: {  	[sflag:s15] =	ssyncadd.s32 $0xFFFFFFFF  }
0x96: {  	s16 =	sld [smem:$0x10];
	(tm) =	ssettm $0x1  }
0x97: {  	s17 =	sld [smem:$0x3FFB];
	_ =	sdelay $0x3  }
0x98: {  	_ =	strace s17  }
0x99: {  	s3 =	sld [smem:$0x3FFC];
	_ =	sdelay $0x3  }
0x9a: {  	_ =	strace s3  }
0x9b: {  	s3 =	sld [smem:$0x3FFD];
	_ =	sdelay $0x3  }
0x9c: {  	_ =	strace s3  }
0x9d: {  	_ =	strace $0x8FFFFFFF  }
0x9e: {  	s18 =	sld [smem:$0x3FDB];
	_ =	sdelay $0x1  }
0x9f: {  	s19 =	simm.s32 $_scs_section_size  }
0xa0: {  	s5 =	simm.s32 $_size__tile_overlayer_lowered;
	s6 =	simm.s32 $_tile_overlayer_lowered  }
0xa1: {  	s22 =	simm.s32 $0x1BFF;
	s21 =	sshll.u32 s6, $0x1;
	s3 =	sadd.s32 s19, s18  }
0xa2: {  	s7 =	simm.s32 $0x0;
	s20 =	sshll.u32 s5, $0x1;
	s5 =	sadd.s32 s21, s3  }
0xa3: {  	[timem:s7], [sflag:s22] =	dma.local [hbm:s5], s20  }
0xa4: {  	_ =	swait.ge [sflag:s22], s20  }
0xa5: {  	s4 =	ssub.s32 $0x0, s20;
	[sflag:s22] =	ssyncset.done $0x0  }
0xa6: {  	[sflag:s22] =	ssyncadd.s32 s4;
	_ =	sdelay $0x1  }
0xa7: {  	s23 =	simm.s32 $0x1B8B  }
0xa8: {  	_ =	swait.ge [sflag:s23], $0x1  }
0xa9: {  	[sflag:s23] =	ssyncset.done $0x0  }
0xaa: {  	s25 =	simm.s32 $0x1B8E;
	s24 =	sld [smem:$0x3FFE];
	[sflag:s23] =	ssyncadd.s32 $0xFFFFFFFF  }
0xab: {  	s26 =	simm.s32 $execute0_lowered;
	[smem:$0x3FD2] =	sst s25  }
0xac: {  	s5 =	sshll.u32 s26, $0x1;
	_ =	strace $0x80000046;
	[dreg:$0x1] =	wrdreg $0xFFFFFFFF  }
0xad: {  	s28 =	simm.s32 $_size_execute0_lowered;
	s3 =	sadd.s32 s3, s5;
	[dreg:$0x0] =	wrdreg $0x0  }
0xae: {  	s5 =	sshll.u32 s28, $0x1;
	[dreg:$0x2] =	wrdreg s3  }
0xaf: {  	[dreg:$0x3] =	wrdreg s5  }
0xb0: {  	[dreg:$0x4] =	wrdreg $0xC0  }
0xb1: {  	_ =	task [dreg:s7], $0x5FFFF  }
0xb2: {  	[dreg:$0x1] =	wrdreg $0xFFFFFFFF  }
0xb3: {  	[dreg:$0x0] =	wrdreg $0x60  }
0xb4: {  	[dreg:$0x2] =	wrdreg s24  }
0xb5: {  	[dreg:$0x3] =	wrdreg s16  }
0xb6: {  	[dreg:$0x4] =	wrdreg $0x9  }
0xb7: {  	_ =	task.clear_ibuf [dreg:s7], $0x5FFFF;
	_ =	strace $0x90000046  }
0xb8: {  	s29 =	simm.s32 $0x9;
	_ =	strace $0x80000048  }
0xb9: {  	_ =	swait.ge [sflag:s29], $0x1  }
0xba: {  	[sflag:s29] =	ssyncadd.s32 $0xFFFFFFFF  }
0xbb: {  	_ =	strace $0x90000048  }
0xbc: {  	_ =	sfence  }
0xbd: {  	s30 =	sld [smem:$0x0];
	_ =	sdelay $0x2  }
0xbe: {  	s31 =	sshll.u32 s1, $0xD;
	s1 =	sshrl.u32 s1, $0x2  }
0xbf: {  	s3 =	sand.u32 $0x4000, s31;
	s1 =	sadd.s32 s1, s30  }
0xc0: {  	s0 =	sor.u32 s3, s0;
	s1 =	sshll.u32 s1, $0x11  }
0xc1: {  	s0 =	sor.u32 s1, s0  }
0xc2: {  	s0 =	sadd.s32 $0x8F2B, s0  }
0xc3: {  	[sflag:s0] =	ssyncadd.remote.s32 $0x1  }
0xc4: {  	_ =	sfence.sel $0xFFFF  }
0xc5: {  	[dreg:$0x0] =	wrdreg $0xFFFFFFFF;
	(pc) =	sbr.abs _section_cstart, $3  }
0xc6: {  	[dreg:$0x1] =	wrdreg $0xFFFFFFFF  }
0xc7: {  	_ =	task.clear_ibuf [dreg:s7], $0x2FFFF;
	_ =	strace $0x9FFFFFFF  }
0xc8: {  	(tm) =	ssettm $0x7FFFFFFF  }
0xc9: {  	_ =	shalt  }
tec
execute0_lowered:
.L_overlay_start_1:
0x0: {  	(tag) =	ssettag $0x1  }
0x1: {  	s0 =	rddreg [dreg:$0x0];
	s1 =	srdreg.scid  }
0x2: {  	s5 =	stileid.u32;
	s7 =	rddreg [dreg:$0x1];
	s3 =	simm.s32 $0x0  }
0x3: {  	s1 =	sand.u32 $0x1, s1;
	s2 =	sshll.u32 s5, $0x1;
	[smem:$0x7FF] =	sst s3  }
0x4: {  	s9 =	sadd.s32 $0x1400, s0;
	s5 =	sshrl.u32 s5, $0x3;
	s6 =	sadd.s32 $0x1200, s0  }
0x5: {  	s10 =	sadd.s32 $0x2E00, s0;
	_ =	strace $0x80000047;
	[dreg:$0x1e] =	wrdreg s6  }
0x6: {  	s2 =	sor.u32 s1, s2;
	[dreg:$0x1b] =	wrdreg s9;
	s24 =	smul.u32 $0x32000, s5  }
0x7: {  	s1 =	ssub.s32 $0x2, s1;
	s11 =	smul.u32 $0x6400, s5;
	[dreg:$0x1c] =	wrdreg s10  }
0x8: {  	s8 =	sand.u32 $0xF, s2;
	s2 =	sshll.u32 s2, $0x4;
	[smem:$0x7F5] =	sst s24  }
0x9: {  	s18 =	sshrl.u32 s1, $0x1;
	s4 =	sshll.u32 s8, $0xD;
	[dreg:$0x1d] =	wrdreg s11  }
0xa: {  	s19 =	sshrl.u32 s11, $0x3;
	s26 =	sor.u32 $0x200, s11;
	[dreg:$0x1a] =	wrdreg s8  }
0xb: {  	s21 =	smul.u32 $0x320000, s8;
	s30 =	sor.u32 $0x300, s11;
	[smem:$0x7F6] =	sst s26  }
0xc: {  	s4 =	sadd.s32 s4, s0;
	s12 =	sadd.s32 s9, s19;
	[smem:$0x7FB] =	sst s30  }
0xd: {  	s0 =	sadd.s32 s2, s0;
	s2 =	sadd.s32 s10, s19;
	[smem:$0x7F1] =	sst s12  }
0xe: {  	s1 =	ssub.s32 s1, s18;
	[smem:$0x7F2] =	sst s2  }
0xf: {  	s31 =	smax.u32 s1, $0x1;
	[smem:$0x7F7] =	sst s21  }
0x10: {  	s20 =	sor.u32 $0x20, s19;
	s4 =	sadd.s32 $0x4800, s4;
	[smem:$0x7FD] =	sst s31  }
0x11: {  	p0 =	seq.s32 s8, $0xF;
	s22 =	sadd.s32 s9, s20;
	[dreg:$0x1f] =	wrdreg s4  }
0x12: {  	p1 =	sne.s32 s8, $0xF;
	s23 =	sadd.s32 s10, s20;
	[smem:$0x7F3] =	sst s22  }
.Ltmp0:
0x13: {  	s25 =	sadd.s32 $0x1F4000, s21;
	[smem:$0x7F4] =	sst s23;
	(pc) =	sbr.rel .LBB2_1-.Ltmp0, $4  }
0x14: {  	s28 =	sshrl.u32 s21, $0x3;
	s0 =	sadd.s32 $0x23C00, s0;
	[smem:$0x7F8] =	sst s25  }
0x15: {  	s4 =	sshrl.u32 s25, $0x3;
	s2 =	sadd.s32 s28, s7;
	[smem:$0x7FC] =	sst s0  }
0x16: {  	s1 =	simm.s32 $0x5;
	[smem:$0x7F9] =	sst s2;
	s29 =	sadd.s32 s7, s4  }
0x17: {  	v43 =	vmov s8;
	s2 =	simm.s32 $0x10000;
	s4 =	simm.s32 $0x0;
	[smem:$0x7FA] =	sst s29  }
.LBB2_11:
0x18: {  	s0 =	simm.s32 $0x3  }
0x19: {  	_ =	swait.ge [sflag:s0], $0x2800  }
0x1a: {  	[sflag:s0] =	ssyncset.done $0x0  }
0x1b: {  	[sflag:s0] =	ssyncadd.s32 $0xFFFFD800  }
0x1c: {  	_ =	swait.ge [sflag:s0], $0x1800  }
0x1d: {  	[sflag:s0] =	ssyncset.done $0x0  }
0x1e: {  	s31 =	simm.s32 $0x4;
	[sflag:s0] =	ssyncadd.s32 $0xFFFFE800  }
0x1f: {  	_ =	swait.ge [sflag:s31], $0x2800  }
0x20: {  	[sflag:s31] =	ssyncset.done $0x0  }
0x21: {  	[sflag:s31] =	ssyncadd.s32 $0xFFFFD800  }
0x22: {  	_ =	swait.ge [sflag:s31], $0x1800  }
0x23: {  	[sflag:s31] =	ssyncset.done $0x0  }
0x24: {  	s4 =	sld [smem:$0x7F0];
	[sflag:s31] =	ssyncadd.s32 $0xFFFFE800  }
.LBB2_12:
0x25: {  	s0 =	sld [smem:$0x7FC];
	_ =	sdelay $0x1  }
0x26: {  	[tilespmem:$0x18800] =	vst v0;
	s1 =	simm.s32 $0x18800  }
0x27: {  	[hbm4b:s0+s3] =	stream.linear.scatter [tilespmem:s1], [sflag:$0x5], $0x80, $0x38;
	[tilespmem:$0x18880] =	vst v63  }
0x28: {  	s1 =	simm.s32 $0x5  }
0x29: {  	_ =	swait.ge [sflag:s1], $0x80  }
0x2a: {  	s31 =	sld [smem:$0x7FD];
	_ =	sdelay $0x1  }
0x2b: {  	s4 =	sadd.s32 $0x1, s4  }
0x2c: {  	p2 =	sne.s32 s4, s31  }
.Ltmp1:
0x2d: {  	_ = 	snop;
	(pc) =	sbr.rel @!p2 .LBB2_13-.Ltmp1, $3  }
0x2e: {  	_ =	sdelay $0x1  }
0x2f: {  	[sflag:s1] =	ssyncset.done $0x0  }
0x30: {  	[sflag:s1] =	ssyncadd.s32 $0xFFFFFF80  }
.LBB2_1:
0x31: {  	[smem:$0x7F0] =	sst s4  }
0x32: {  	s0 =	rddreg [dreg:$0x1f]  }
0x33: {  	[tilespmem:s3], [sflag:$0x5] =	stream.linear.gather [hbm4b:s0+s3], $0x10000, $0x38;
	[tilespmem:$0x18880] =	vst v63  }
0x34: {  	_ =	swait.ge [sflag:s1], $0x10000  }
0x35: {  	[sflag:s1] =	ssyncset.done $0x0  }
0x36: {  	s22 =	rddreg [dreg:$0x1e];
	[sflag:s1] =	ssyncadd.s32 $0xFFFF0000  }
0x37: {  	[tilespmem:s2], [sflag:$0x5] =	stream.linear.gather [hbm4b:s22+s3], $0x400, $0x38;
	[tilespmem:$0x18880] =	vst v63  }
0x38: {  	_ =	swait.ge [sflag:s1], $0x400  }
0x39: {  	s23 =	sld [smem:$0x7F1]  }
0x3a: {  	[sflag:s1] =	ssyncset.done $0x0  }
0x3b: {  	s24 =	simm.s32 $0x10400;
	s25 =	sld [smem:$0x7F2];
	[sflag:s1] =	ssyncadd.s32 $0xFFFFFC00  }
0x3c: {  	[tilespmem:s24], [sflag:$0x1] =	stream.linear.gather [hbm4b:s23+s3], $0x100, $0x38;
	[tilespmem:$0x18880] =	vst v63  }
0x3d: {  	s26 =	simm.s32 $0x10600;
	s28 =	sld [smem:$0x7F3]  }
0x3e: {  	[tilespmem:s26], [sflag:$0x1] =	stream.linear.gather [hbm4b:s25+s3], $0x100, $0x38;
	[tilespmem:$0x18880] =	vst v63  }
.Ltmp2:
0x3f: {  	_ = 	snop;
	(pc) =	sbr.rel .LBB2_2-.Ltmp2, $4  }
0x40: {  	s29 =	simm.s32 $0x10500;
	s30 =	sld [smem:$0x7F4]  }
0x41: {  	[tilespmem:s29], [sflag:$0x2] =	stream.linear.gather [hbm4b:s28+s3], $0x100, $0x38;
	[tilespmem:$0x18880] =	vst v63  }
0x42: {  	s31 =	simm.s32 $0x10700;
	s19 =	simm.s32 $0x0  }
0x43: {  	v0 =	vimm.f32 $0.0e+00;
	[tilespmem:s31], [sflag:$0x2] =	stream.linear.gather [hbm4b:s30+s3], $0x100, $0x38;
	[tilespmem:$0x18880] =	vst v63  }
.LBB2_9:
.Ltmp3:
0x44: {  	s1 =	sld [smem:$0x7FA];
	(pc) =	sbr.rel @p2 .LBB2_11-.Ltmp3, $3  }
0x45: {  	_ =	sdelay $0x1  }
0x46: {  	s31 =	simm.s32 $0x17000;
	s19 =	sld [smem:$0x7EE];
	s0 =	sadd.s32 s0, s1  }
0x47: {  	[hbm4b:s0+s4] =	stream.strided.scatter [tilespmem:s31], [sflag:$0x4], $0x1800, s5, s4, $0x38;
	[tilespmem:$0x18880] =	vst v63  }
.LBB2_10:
0x48: {  	s0 =	sld [smem:$0x7FB]  }
0x49: {  	s1 =	sld [smem:$0x7EF];
	_ =	sdelay $0x2  }
0x4a: {  	s0 =	sadd.s32 s1, s0  }
0x4b: {  	s29 =	rddreg [dreg:$0x1b];
	s0 =	sshrl.u32 s0, $0x3  }
0x4c: {  	s2 =	simm.s32 $0x10500;
	s30 =	rddreg [dreg:$0x1c];
	s1 =	sadd.s32 s29, s0  }
0x4d: {  	[tilespmem:s2], [sflag:$0x2] =	stream.linear.gather [hbm4b:s1+s3], $0x100, $0x38;
	[tilespmem:$0x18880] =	vst v63  }
0x4e: {  	s31 =	simm.s32 $0x10700;
	s19 =	sadd.s32 $0x1, s19;
	s0 =	sadd.s32 s30, s0  }
0x4f: {  	[tilespmem:s31], [sflag:$0x2] =	stream.linear.gather [hbm4b:s0+s3], $0x100, $0x38;
	[tilespmem:$0x18880] =	vst v63  }
.LBB2_2:
0x50: {  	[tilespmem:$0x1FFF0] =	vst v0;
	s0 =	simm.s32 $0x1  }
0x51: {  	_ =	swait.ge [sflag:s0], $0x100  }
0x52: {  	[sflag:s0] =	ssyncset.done $0x0  }
0x53: {  	[sflag:s0] =	ssyncadd.s32 $0xFFFFFF00  }
0x54: {  	_ =	swait.ge [sflag:s0], $0x100  }
0x55: {  	p3 =	seq.s32 s19, $0x0;
	[sflag:s0] =	ssyncset.done $0x0  }
0x56: {  	s1 =	rddreg [dreg:$0x1a];
	[sflag:s0] =	ssyncadd.s32 $0xFFFFFF00;
	s0 =	simm.s32 @!p3 $0x3  }
0x57: {  	p2 =	seq.s32 @!p3 s1, $0xF;
	_ =	swait.ge @!p3 [sflag:s0], $0x2800  }
0x58: {  	p4 =	por p2, p3;
	[sflag:s0] =	ssyncset.done @!p3 $0x0  }
0x59: {  	[sflag:s0] =	ssyncadd.s32 @!p3 $0xFFFFD800;
	s0 =	simm.s32 @!p4 $0x3  }
0x5a: {  	_ =	swait.ge @!p4 [sflag:s0], $0x1800  }
0x5b: {  	[sflag:s0] =	ssyncset.done @!p4 $0x0  }
0x5c: {  	[sflag:s0] =	ssyncadd.s32 @!p4 $0xFFFFE800  }
0x5d: {  	v17 =	vld [tilespmem:$0x10400]  }
0x5e: {  	v16 =	vld [tilespmem:$0x10410]  }
0x5f: {  	v15 =	vld [tilespmem:$0x10420]  }
0x60: {  	v14 =	vld [tilespmem:$0x10430]  }
0x61: {  	v13 =	vld [tilespmem:$0x10440]  }
0x62: {  	s0 =	simm.s32 $0x0;
	v12 =	vld [tilespmem:$0x10450]  }
0x63: {  	v11 =	vld [tilespmem:$0x10460];
	v1 =	vadd.s32 s0, v17  }
0x64: {  	v10 =	vld [tilespmem:$0x10470]  }
0x65: {  	v9 =	vld [tilespmem:$0x10480]  }
0x66: {  	v8 =	vld [tilespmem:$0x10490]  }
0x67: {  	v7 =	vld [tilespmem:$0x104A0]  }
0x68: {  	v1 =	vld.idx.msk [tilespmem:v1+s3+$0x0], $0xffff  }
0x69: {  	s2 =	simm.s32 $0x0;
	v6 =	vld [tilespmem:$0x104B0];
	v18 =	vadd.s32 s0, v16  }
0x6a: {  	s4 =	simm.s32 $0x0;
	s16 =	sand.u32 $0x3800, s2;
	v4 =	vld [tilespmem:$0x104C0]  }
0x6b: {  	s4 =	sand.u32 $0x200, s4;
	s8 =	sadd.s32 $0x10800, s16;
	v5 =	vld [tilespmem:$0x104D0]  }
0x6c: {  	s4 =	sor.u32 s4, s8;
	v3 =	vld [tilespmem:$0x104E0]  }
0x6d: {  	v2 =	vld [tilespmem:$0x104F0];
	[tilespmem:s4+$0x0] =	vst v1  }
0x6e: {  	v1 =	vld.idx.msk [tilespmem:v18+s3+$0x0], $0xffff  }
0x6f: {  	v18 =	vadd.s32 s0, v15;
	_ =	sdelay $0x3  }
0x70: {  	[tilespmem:s4+$0x10] =	vst v1  }
0x71: {  	v1 =	vld.idx.msk [tilespmem:v18+s3+$0x0], $0xffff  }
0x72: {  	s5 =	simm.s32 $0x400;
	v18 =	vadd.s32 s0, v14  }
0x73: {  	v19 =	vadd.s32 s5, v17;
	_ =	sdelay $0x2  }
0x74: {  	[tilespmem:s4+$0x20] =	vst v1  }
0x75: {  	v1 =	vld.idx.msk [tilespmem:v18+s3+$0x0], $0xffff  }
0x76: {  	v18 =	vld.idx.msk [tilespmem:v19+s3+$0x0], $0xffff;
	v19 =	vadd.s32 s0, v13  }
0x77: {  	v20 =	vadd.s32 s5, v16  }
0x78: {  	s6 =	simm.s32 $0x80;
	s1 =	simm.s32 $0xC00  }
0x79: {  	s7 =	sand.u32 $0x280, s6;
	v21 =	vadd.s32 s1, v17  }
0x7a: {  	s6 =	simm.s32 $0x800;
	s7 =	sor.u32 s7, s8;
	[tilespmem:s4+$0x30] =	vst v1  }
0x7b: {  	v1 =	vadd.s32 s6, v17;
	[tilespmem:s7+$0x0] =	vst v18;
	v18 =	vld.idx.msk [tilespmem:v19+s3+$0x0], $0xffff  }
0x7c: {  	v19 =	vadd.s32 s0, v12;
	v20 =	vld.idx.msk [tilespmem:v20+s3+$0x0], $0xffff  }
0x7d: {  	v22 =	vadd.s32 s5, v15  }
0x7e: {  	v21 =	vld.idx.msk [tilespmem:v21+s3+$0x0], $0xffff  }
0x7f: {  	v23 =	vadd.s32 s1, v16  }
0x80: {  	s9 =	simm.s32 $0x180;
	v1 =	vld.idx.msk [tilespmem:v1+s3+$0x0], $0xffff;
	[tilespmem:s4+$0x40] =	vst v18  }
0x81: {  	s9 =	sand.u32 $0x380, s9;
	v18 =	vadd.s32 s6, v16;
	[tilespmem:s7+$0x10] =	vst v20;
	v19 =	vld.idx.msk [tilespmem:v19+s3+$0x0], $0xffff  }
0x82: {  	s10 =	simm.s32 $0x100;
	s14 =	sor.u32 s9, s8;
	v20 =	vld.idx.msk [tilespmem:v22+s3+$0x0], $0xffff;
	v22 =	vadd.s32 s0, v11  }
0x83: {  	s17 =	sand.u32 $0x300, s10;
	[tilespmem:s14+$0x0] =	vst v21;
	v21 =	vadd.s32 s5, v14  }
0x84: {  	s13 =	sor.u32 s17, s8;
	v23 =	vld.idx.msk [tilespmem:v23+s3+$0x0], $0xffff  }
0x85: {  	v24 =	vadd.s32 s1, v15;
	[tilespmem:s13+$0x0] =	vst v1  }
0x86: {  	v1 =	vld.idx.msk [tilespmem:v18+s3+$0x0], $0xffff;
	[tilespmem:s4+$0x50] =	vst v19  }
0x87: {  	v18 =	vadd.s32 s6, v15;
	[tilespmem:s7+$0x20] =	vst v20;
	v19 =	vld.idx.msk [tilespmem:v22+s3+$0x0], $0xffff  }
0x88: {  	v20 =	vld.idx.msk [tilespmem:v21+s3+$0x0], $0xffff;
	v21 =	vadd.s32 s0, v10  }
0x89: {  	s26 =	simm.s32 $0x1000;
	[tilespmem:s14+$0x10] =	vst v23;
	v22 =	vadd.s32 s5, v13  }
0x8a: {  	v23 =	vadd.s32 s26, v17;
	v24 =	vld.idx.msk [tilespmem:v24+s3+$0x0], $0xffff  }
0x8b: {  	[tilespmem:s13+$0x10] =	vst v1;
	v1 =	vadd.s32 s1, v14  }
0x8c: {  	v18 =	vld.idx.msk [tilespmem:v18+s3+$0x0], $0xffff;
	[tilespmem:s4+$0x60] =	vst v19  }
0x8d: {  	[tilespmem:s7+$0x30] =	vst v20;
	v20 =	vadd.s32 s6, v14;
	v19 =	vld.idx.msk [tilespmem:v21+s3+$0x0], $0xffff  }
0x8e: {  	v21 =	vld.idx.msk [tilespmem:v22+s3+$0x0], $0xffff;
	v22 =	vadd.s32 s0, v9  }
0x8f: {  	v23 =	vld.idx.msk [tilespmem:v23+s3+$0x0], $0xffff;
	[tilespmem:s14+$0x20] =	vst v24;
	v24 =	vadd.s32 s5, v12  }
0x90: {  	s18 =	simm.s32 $0x400;
	v25 =	vadd.s32 s26, v16;
	v1 =	vld.idx.msk [tilespmem:v1+s3+$0x0], $0xffff  }
0x91: {  	s20 =	simm.s32 $0x200;
	s8 =	sand.u32 $0x3800, s18;
	v26 =	vadd.s32 s1, v13;
	[tilespmem:s13+$0x20] =	vst v18  }
0x92: {  	s9 =	sand.u32 $0x200, s20;
	s15 =	sadd.s32 $0x10800, s8;
	v18 =	vld.idx.msk [tilespmem:v20+s3+$0x0], $0xffff;
	[tilespmem:s4+$0x70] =	vst v19  }
0x93: {  	s8 =	simm.s32 $0x1;
	p2 =	por $0x0, $0x0;
	v20 =	vadd.s32 s6, v13;
	s4 =	sor.u32 s9, s15;
	[tilespmem:s7+$0x40] =	vst v21;
	v19 =	vld.idx.msk [tilespmem:v22+s3+$0x0], $0xffff  }
0x94: {  	s8 =	simm.s32 @!p2 $0x0;
	[tilespmem:s4+$0x0] =	vst v23;
	v21 =	vld.idx.msk [tilespmem:v24+s3+$0x0], $0xffff;
	v22 =	vadd.s32 s0, v8  }
0x95: {  	s8 =	sshll.u32 s8, $0x9;
	v23 =	vld.idx.msk [tilespmem:v25+s3+$0x0], $0xffff;
	[tilespmem:s14+$0x30] =	vst v1;
	v1 =	vadd.s32 s5, v11  }
0x96: {  	s11 =	sadd.s32 $0x0, s8;
	v24 =	vadd.s32 s26, v15;
	v25 =	vld.idx.msk [tilespmem:v26+s3+$0x0], $0xffff  }
0x97: {  	s8 =	sor.u32 $0x400, s11;
	v26 =	vadd.s32 s1, v12;
	[tilespmem:s13+$0x30] =	vst v18  }
0x98: {  	v18 =	vld.idx.msk [tilespmem:v20+s3+$0x0], $0xffff;
	[tilespmem:s8+$0x10800] =	vst v19  }
0x99: {  	v19 =	vadd.s32 s6, v12;
	[tilespmem:s7+$0x50] =	vst v21;
	v20 =	vld.idx.msk [tilespmem:v22+s3+$0x0], $0xffff  }
0x9a: {  	v21 =	vadd.s32 s0, v7;
	[tilespmem:s4+$0x10] =	vst v23;
	v1 =	vld.idx.msk [tilespmem:v1+s3+$0x0], $0xffff  }
0x9b: {  	v23 =	vadd.s32 s5, v10;
	v22 =	vld.idx.msk [tilespmem:v24+s3+$0x0], $0xffff;
	[tilespmem:s14+$0x40] =	vst v25  }
0x9c: {  	v25 =	vadd.s32 s26, v14;
	v24 =	vld.idx.msk [tilespmem:v26+s3+$0x0], $0xffff  }
0x9d: {  	s21 =	sor.u32 $0x410, s11;
	s9 =	simm.s32 $0x1400;
	[tilespmem:s13+$0x40] =	vst v18;
	v18 =	vadd.s32 s1, v11  }
0x9e: {  	v26 =	vadd.s32 s9, v17;
	v19 =	vld.idx.msk [tilespmem:v19+s3+$0x0], $0xffff;
	[tilespmem:s21+$0x10800] =	vst v20  }
0x9f: {  	[tilespmem:s7+$0x60] =	vst v1;
	v20 =	vld.idx.msk [tilespmem:v21+s3+$0x0], $0xffff;
	v21 =	vadd.s32 s6, v11  }
0xa0: {  	[tilespmem:s4+$0x20] =	vst v22;
	v1 =	vld.idx.msk [tilespmem:v23+s3+$0x0], $0xffff;
	v22 =	vadd.s32 s0, v6  }
0xa1: {  	[tilespmem:s14+$0x50] =	vst v24;
	v23 =	vld.idx.msk [tilespmem:v25+s3+$0x0], $0xffff;
	v24 =	vadd.s32 s5, v9  }
0xa2: {  	v25 =	vadd.s32 s26, v13;
	v18 =	vld.idx.msk [tilespmem:v18+s3+$0x0], $0xffff  }
0xa3: {  	s22 =	sor.u32 $0x420, s11;
	s8 =	simm.s32 $0x1C00;
	v26 =	vld.idx.msk [tilespmem:v26+s3+$0x0], $0xffff;
	[tilespmem:s13+$0x50] =	vst v19;
	v19 =	vadd.s32 s1, v10  }
0xa4: {  	v27 =	vadd.s32 s8, v17;
	[tilespmem:s22+$0x10800] =	vst v20;
	v20 =	vld.idx.msk [tilespmem:v21+s3+$0x0], $0xffff  }
0xa5: {  	s24 =	simm.s32 $0x280;
	[tilespmem:s7+$0x70] =	vst v1;
	v1 =	vadd.s32 s6, v10;
	v21 =	vld.idx.msk [tilespmem:v22+s3+$0x0], $0xffff  }
0xa6: {  	s12 =	simm.s32 $0x1800;
	s10 =	sand.u32 $0x280, s24;
	v22 =	vadd.s32 s9, v16;
	[tilespmem:s4+$0x30] =	vst v23;
	v23 =	vld.idx.msk [tilespmem:v24+s3+$0x0], $0xffff  }
0xa7: {  	s23 =	sand.u32 $0x7, s2;
	s16 =	sor.u32 s10, s15;
	v24 =	vadd.s32 s12, v17;
	[tilespmem:s14+$0x60] =	vst v18;
	v18 =	vld.idx.msk [tilespmem:v25+s3+$0x0], $0xffff  }
0xa8: {  	s7 =	sshll.u32 s23, $0x7;
	[tilespmem:s16+$0x0] =	vst v26;
	v25 =	vadd.s32 s5, v8;
	v19 =	vld.idx.msk [tilespmem:v19+s3+$0x0], $0xffff  }
0xa9: {  	s7 =	sadd.s32 $0x0, s7;
	v26 =	vadd.s32 s26, v12;
	[tilespmem:s13+$0x60] =	vst v20;
	v20 =	vld.idx.msk [tilespmem:v27+s3+$0x0], $0xffff  }
0xaa: {  	s17 =	sor.u32 $0x430, s11;
	s10 =	sadd.s32 $0x80, s7;
	v27 =	vadd.s32 s0, v4;
	v1 =	vld.idx.msk [tilespmem:v1+s3+$0x0], $0xffff  }
0xab: {  	v28 =	vadd.s32 s8, v16;
	s25 =	sor.u32 $0x400, s10;
	[tilespmem:s17+$0x10800] =	vst v21;
	v21 =	vld.idx.msk [tilespmem:v22+s3+$0x0], $0xffff  }
0xac: {  	s18 =	simm.s32 $0x380;
	[tilespmem:s25+$0x10800] =	vst v23;
	v22 =	vld.idx.msk [tilespmem:v24+s3+$0x0], $0xffff;
	v23 =	vadd.s32 s6, v9  }
0xad: {  	s29 =	sand.u32 $0x380, s18;
	v24 =	vadd.s32 s9, v15;
	[tilespmem:s4+$0x40] =	vst v18;
	v18 =	vld.idx.msk [tilespmem:v25+s3+$0x0], $0xffff  }
0xae: {  	s24 =	sor.u32 s29, s15;
	[tilespmem:s14+$0x70] =	vst v19;
	v26 =	vld.idx.msk [tilespmem:v26+s3+$0x0], $0xffff  }
0xaf: {  	s30 =	simm.s32 $0x300;
	v25 =	vadd.s32 s1, v9;
	v19 =	vld.idx.msk [tilespmem:v27+s3+$0x0], $0xffff;
	[tilespmem:s24+$0x0] =	vst v20  }
0xb0: {  	s14 =	sand.u32 $0x300, s30;
	v27 =	vadd.s32 s12, v16;
	v28 =	vld.idx.msk [tilespmem:v28+s3+$0x0], $0xffff;
	[tilespmem:s13+$0x70] =	vst v1  }
0xb1: {  	s14 =	sor.u32 s14, s15;
	v20 =	vadd.s32 s0, v5;
	[tilespmem:s16+$0x10] =	vst v21;
	v1 =	vld.idx.msk [tilespmem:v23+s3+$0x0], $0xffff  }
0xb2: {  	s18 =	sor.u32 $0x410, s10;
	v21 =	vadd.s32 s8, v15;
	[tilespmem:s14+$0x0] =	vst v22;
	v23 =	vld.idx.msk [tilespmem:v24+s3+$0x0], $0xffff  }
0xb3: {  	s2 =	sand.u32 $0x3, s2;
	v24 =	vadd.s32 s26, v11;
	[tilespmem:s18+$0x10800] =	vst v18  }
0xb4: {  	s2 =	sshll.u32 s2, $0x8;
	s17 =	sor.u32 $0x440, s11;
	v22 =	vld.idx.msk [tilespmem:v25+s3+$0x0], $0xffff;
	v25 =	vadd.s32 s9, v14;
	[tilespmem:s4+$0x50] =	vst v26  }
0xb5: {  	s2 =	sadd.s32 $0x0, s2;
	s22 =	simm.s32 $0x2000;
	v18 =	vadd.s32 s5, v7;
	[tilespmem:s17+$0x10800] =	vst v19;
	v19 =	vld.idx.msk [tilespmem:v27+s3+$0x0], $0xffff  }
0xb6: {  	v26 =	vadd.s32 s22, v17;
	s17 =	sadd.s32 $0x100, s2;
	[tilespmem:s24+$0x10] =	vst v28;
	v20 =	vld.idx.msk [tilespmem:v20+s3+$0x0], $0xffff  }
0xb7: {  	s30 =	simm.s32 $0x2400;
	s13 =	sadd.s32 $0x180, s7;
	v27 =	vadd.s32 s6, v8;
	s2 =	sor.u32 $0x400, s17;
	v21 =	vld.idx.msk [tilespmem:v21+s3+$0x0], $0xffff;
	[tilespmem:s16+$0x20] =	vst v23  }
0xb8: {  	s7 =	sor.u32 $0x400, s13;
	v28 =	vadd.s32 s30, v17;
	v24 =	vld.idx.msk [tilespmem:v24+s3+$0x0], $0xffff;
	[tilespmem:s2+$0x10800] =	vst v1  }
0xb9: {  	[tilespmem:s7+$0x10800] =	vst v22;
	v23 =	vld.idx.msk [tilespmem:v25+s3+$0x0], $0xffff;
	v25 =	vadd.s32 s1, v8  }
0xba: {  	s20 =	sor.u32 $0x450, s11;
	v29 =	vadd.s32 s26, v10;
	v18 =	vld.idx.msk [tilespmem:v18+s3+$0x0], $0xffff;
	[tilespmem:s14+$0x10] =	vst v19  }
0xbb: {  	v22 =	vadd.s32 s12, v15;
	v26 =	vld.idx.msk [tilespmem:v26+s3+$0x0], $0xffff;
	[tilespmem:s20+$0x10800] =	vst v20  }
0xbc: {  	v19 =	vld.idx.msk [tilespmem:v27+s3+$0x0], $0xffff;
	v27 =	vadd.s32 s9, v13;
	[tilespmem:s24+$0x20] =	vst v21  }
0xbd: {  	s25 =	simm.s32 $0x800;
	v1 =	vld.idx.msk [tilespmem:v28+s3+$0x0], $0xffff;
	v20 =	vadd.s32 s8, v14;
	[tilespmem:s4+$0x60] =	vst v24  }
0xbe: {  	s21 =	simm.s32 $0x800;
	v21 =	vadd.s32 s6, v7;
	v24 =	vld.idx.msk [tilespmem:v25+s3+$0x0], $0xffff;
	[dreg:$0x4] =	wrdreg s25  }
0xbf: {  	s29 =	sand.u32 $0x3800, s21;
	s23 =	sor.u32 $0x420, s10;
	s15 =	simm.s32 $0x400;
	v25 =	vld.idx.msk [tilespmem:v29+s3+$0x0], $0xffff;
	[tilespmem:s16+$0x30] =	vst v23;
	v23 =	vadd.s32 s5, v6  }
0xc0: {  	s21 =	sadd.s32 $0x10800, s29;
	s18 =	sand.u32 $0x200, s15;
	s20 =	sor.u32 $0x410, s17;
	v22 =	vld.idx.msk [tilespmem:v22+s3+$0x0], $0xffff;
	[tilespmem:s23+$0x10800] =	vst v18;
	v18 =	vadd.s32 s1, v7  }
0xc1: {  	s2 =	sor.u32 s18, s21;
	[tilespmem:s20+$0x10800] =	vst v19;
	v19 =	vadd.s32 s12, v14;
	v27 =	vld.idx.msk [tilespmem:v27+s3+$0x0], $0xffff  }
0xc2: {  	v28 =	vadd.s32 s22, v16;
	[tilespmem:s2+$0x0] =	vst v26;
	s23 =	sor.u32 $0x410, s13;
	v20 =	vld.idx.msk [tilespmem:v20+s3+$0x0], $0xffff  }
0xc3: {  	v26 =	vadd.s32 s8, v13;
	v21 =	vld.idx.msk [tilespmem:v21+s3+$0x0], $0xffff;
	[tilespmem:s23+$0x10800] =	vst v24  }
0xc4: {  	v24 =	vadd.s32 s26, v9;
	v23 =	vld.idx.msk [tilespmem:v23+s3+$0x0], $0xffff;
	[tilespmem:s4+$0x70] =	vst v25  }
0xc5: {  	[tilespmem:s14+$0x20] =	vst v22;
	v22 =	vadd.s32 s6, v6;
	v18 =	vld.idx.msk [tilespmem:v18+s3+$0x0], $0xffff  }
0xc6: {  	v25 =	vadd.s32 s5, v4;
	v19 =	vld.idx.msk [tilespmem:v19+s3+$0x0], $0xffff;
	[tilespmem:s16+$0x40] =	vst v27  }
0xc7: {  	s25 =	sor.u32 $0x420, s17;
	[tilespmem:s24+$0x30] =	vst v20;
	v20 =	vld.idx.msk [tilespmem:v28+s3+$0x0], $0xffff;
	v28 =	vadd.s32 s1, v6  }
0xc8: {  	s29 =	sor.u32 $0x430, s10;
	v27 =	vadd.s32 s12, v13;
	v26 =	vld.idx.msk [tilespmem:v26+s3+$0x0], $0xffff;
	[tilespmem:s25+$0x10800] =	vst v21  }
0xc9: {  	p2 =	por !p2, !p2;
	s15 =	sor.u32 $0x420, s13;
	s4 =	simm.s32 $0x1;
	v21 =	vadd.s32 s9, v12;
	v24 =	vld.idx.msk [tilespmem:v24+s3+$0x0], $0xffff;
	[tilespmem:s29+$0x10800] =	vst v23  }
0xca: {  	s4 =	simm.s32 @!p2 $0x0;
	v23 =	vadd.s32 s8, v12;
	v22 =	vld.idx.msk [tilespmem:v22+s3+$0x0], $0xffff;
	[tilespmem:s15+$0x10800] =	vst v18  }
0xcb: {  	s4 =	sshll.u32 s4, $0x9;
	v18 =	vadd.s32 s26, v8;
	v25 =	vld.idx.msk [tilespmem:v25+s3+$0x0], $0xffff;
	[tilespmem:s14+$0x30] =	vst v19  }
0xcc: {  	s7 =	sadd.s32 $0x400, s4;
	v19 =	vadd.s32 s6, v4;
	v28 =	vld.idx.msk [tilespmem:v28+s3+$0x0], $0xffff;
	[tilespmem:s2+$0x10] =	vst v20  }
0xcd: {  	s4 =	sor.u32 $0x400, s7;
	v20 =	vld.idx.msk [tilespmem:v27+s3+$0x0], $0xffff;
	v27 =	vadd.s32 s5, v5;
	[tilespmem:s24+$0x40] =	vst v26  }
0xce: {  	s18 =	sor.u32 $0x430, s17;
	v21 =	vld.idx.msk [tilespmem:v21+s3+$0x0], $0xffff;
	v26 =	vadd.s32 s1, v4;
	[tilespmem:s4+$0x10800] =	vst v24  }
0xcf: {  	s20 =	sor.u32 $0x440, s10;
	v24 =	vadd.s32 s22, v15;
	v23 =	vld.idx.msk [tilespmem:v23+s3+$0x0], $0xffff;
	[tilespmem:s18+$0x10800] =	vst v22  }
0xd0: {  	s23 =	sor.u32 $0x430, s13;
	v18 =	vld.idx.msk [tilespmem:v18+s3+$0x0], $0xffff;
	v22 =	vadd.s32 s0, v3;
	[tilespmem:s20+$0x10800] =	vst v25  }
0xd1: {  	v25 =	vadd.s32 s9, v11;
	v19 =	vld.idx.msk [tilespmem:v19+s3+$0x0], $0xffff;
	[tilespmem:s23+$0x10800] =	vst v28  }
0xd2: {  	v28 =	vadd.s32 s26, v7;
	v27 =	vld.idx.msk [tilespmem:v27+s3+$0x0], $0xffff;
	[tilespmem:s14+$0x40] =	vst v20  }
0xd3: {  	v20 =	vadd.s32 s6, v5;
	v26 =	vld.idx.msk [tilespmem:v26+s3+$0x0], $0xffff;
	[tilespmem:s16+$0x50] =	vst v21  }
0xd4: {  	s25 =	sor.u32 $0x410, s7;
	v21 =	vld.idx.msk [tilespmem:v24+s3+$0x0], $0xffff;
	v24 =	vadd.s32 s12, v12;
	[tilespmem:s24+$0x50] =	vst v23  }
0xd5: {  	s29 =	sor.u32 $0x440, s17;
	v22 =	vld.idx.msk [tilespmem:v22+s3+$0x0], $0xffff;
	v23 =	vadd.s32 s1, v5;
	[tilespmem:s25+$0x10800] =	vst v18  }
0xd6: {  	s15 =	sor.u32 $0x450, s10;
	v18 =	vadd.s32 s5, v3;
	v25 =	vld.idx.msk [tilespmem:v25+s3+$0x0], $0xffff;
	[tilespmem:s29+$0x10800] =	vst v19  }
0xd7: {  	s20 =	sor.u32 $0x440, s13;
	v19 =	vadd.s32 s22, v14;
	v28 =	vld.idx.msk [tilespmem:v28+s3+$0x0], $0xffff;
	[tilespmem:s15+$0x10800] =	vst v27  }
0xd8: {  	v27 =	vadd.s32 s9, v10;
	v20 =	vld.idx.msk [tilespmem:v20+s3+$0x0], $0xffff;
	[tilespmem:s20+$0x10800] =	vst v26  }
0xd9: {  	s23 =	sor.u32 $0x460, s11;
	v26 =	vadd.s32 s8, v11;
	v24 =	vld.idx.msk [tilespmem:v24+s3+$0x0], $0xffff;
	[tilespmem:s2+$0x20] =	vst v21  }
0xda: {  	v23 =	vld.idx.msk [tilespmem:v23+s3+$0x0], $0xffff;
	[tilespmem:s23+$0x10800] =	vst v22  }
0xdb: {  	s25 =	sor.u32 $0x420, s7;
	v21 =	vadd.s32 s6, v3;
	v18 =	vld.idx.msk [tilespmem:v18+s3+$0x0], $0xffff;
	[tilespmem:s16+$0x60] =	vst v25  }
0xdc: {  	s29 =	sor.u32 $0x450, s17;
	v22 =	vadd.s32 s12, v11;
	v19 =	vld.idx.msk [tilespmem:v19+s3+$0x0], $0xffff;
	[tilespmem:s25+$0x10800] =	vst v28  }
0xdd: {  	v25 =	vadd.s32 s1, v3;
	v27 =	vld.idx.msk [tilespmem:v27+s3+$0x0], $0xffff;
	[tilespmem:s29+$0x10800] =	vst v20  }
0xde: {  	s15 =	sor.u32 $0x450, s13;
	v28 =	vadd.s32 s5, v2;
	v26 =	vld.idx.msk [tilespmem:v26+s3+$0x0], $0xffff;
	[tilespmem:s14+$0x50] =	vst v24  }
0xdf: {  	s18 =	sor.u32 $0x460, s10;
	v20 =	vadd.s32 s26, v6;
	[tilespmem:s15+$0x10800] =	vst v23  }
0xe0: {  	v21 =	vld.idx.msk [tilespmem:v21+s3+$0x0], $0xffff;
	[tilespmem:s18+$0x10800] =	vst v18  }
0xe1: {  	v24 =	vadd.s32 s9, v9;
	v22 =	vld.idx.msk [tilespmem:v22+s3+$0x0], $0xffff;
	[tilespmem:s2+$0x30] =	vst v19  }
0xe2: {  	s20 =	simm.s32 $0x4;
	v23 =	vadd.s32 s0, v2;
	v25 =	vld.idx.msk [tilespmem:v25+s3+$0x0], $0xffff;
	[tilespmem:s16+$0x70] =	vst v27  }
0xe3: {  	s4 =	sand.u32 $0x7, s20;
	v18 =	vadd.s32 s6, v2;
	v28 =	vld.idx.msk [tilespmem:v28+s3+$0x0], $0xffff;
	[tilespmem:s24+$0x60] =	vst v26  }
0xe4: {  	s4 =	sshll.u32 s4, $0x7;
	s29 =	sshll.u32 s19, $0x9;
	v19 =	vadd.s32 s8, v10;
	v20 =	vld.idx.msk [tilespmem:v20+s3+$0x0], $0xffff;
	[smem:$0x7EE] =	sst s19  }
0xe5: {  	s4 =	sadd.s32 $0x400, s4;
	s25 =	sor.u32 $0x460, s17;
	v27 =	vadd.s32 s1, v2;
	[smem:$0x7EF] =	sst s29  }
0xe6: {  	v29 =	vadd.s32 s12, v10;
	s23 =	simm.s32 $0x2;
	s5 =	sor.u32 $0x460, s13;
	s28 =	sadd.s32 $0x80, s4;
	v24 =	vld.idx.msk [tilespmem:v24+s3+$0x0], $0xffff;
	[tilespmem:s25+$0x10800] =	vst v21  }
0xe7: {  	s0 =	sand.u32 $0x3, s23;
	s6 =	sor.u32 $0x470, s10;
	s10 =	sor.u32 $0x430, s7;
	[tilespmem:s14+$0x60] =	vst v22;
	v26 =	vld.idx.msk [tilespmem:v23+s3+$0x0], $0xffff  }
0xe8: {  	s15 =	simm.s32 $0x480;
	s0 =	sshll.u32 s0, $0x8;
	s19 =	simm.s32 $0x2C00;
	v21 =	vadd.s32 s22, v13;
	v18 =	vld.idx.msk [tilespmem:v18+s3+$0x0], $0xffff;
	[tilespmem:s5+$0x10800] =	vst v25  }
0xe9: {  	s18 =	sor.u32 $0x400, s28;
	s0 =	sadd.s32 $0x400, s0;
	s16 =	simm.s32 $0x2800;
	v22 =	vadd.s32 s19, v17;
	v19 =	vld.idx.msk [tilespmem:v19+s3+$0x0], $0xffff;
	[tilespmem:s6+$0x10800] =	vst v28  }
0xea: {  	s20 =	sadd.s32 $0x100, s0;
	s0 =	sadd.s32 $0x180, s4;
	s4 =	sand.u32 $0x280, s15;
	v23 =	vadd.s32 s30, v16;
	v27 =	vld.idx.msk [tilespmem:v27+s3+$0x0], $0xffff;
	[tilespmem:s10+$0x10800] =	vst v20  }
0xeb: {  	s31 =	simm.s32 $0x3C00;
	p2 =	por !p2, !p2;
	v25 =	vadd.s32 s16, v17;
	s10 =	sor.u32 s4, s21;
	[tilespmem:s18+$0x10800] =	vst v24;
	v24 =	vld.idx.msk [tilespmem:v29+s3+$0x0], $0xffff  }
0xec: {  	s13 =	sor.u32 $0x470, s13;
	s29 =	sor.u32 $0x470, s17;
	s25 =	simm.s32 $0x500;
	v20 =	vadd.s32 s9, v8;
	[tilespmem:s10+$0x0] =	vst v1  }
0xed: {  	s23 =	simm.s32 $0x8;
	s5 =	simm.s32 $0x580;
	s15 =	sand.u32 $0x300, s25;
	v28 =	vadd.s32 s26, v4;
	v21 =	vld.idx.msk [tilespmem:v21+s3+$0x0], $0xffff;
	[tilespmem:s29+$0x10800] =	vst v18  }
0xee: {  	s25 =	simm.s32 $0x4;
	s1 =	sor.u32 s15, s21;
	s17 =	sand.u32 $0x380, s5;
	v1 =	vld.idx.msk [tilespmem:v22+s3+$0x0], $0xffff;
	v22 =	vadd.s32 s22, v12;
	[tilespmem:s24+$0x70] =	vst v19  }
0xef: {  	v32 =	vadd.s32 s19, v16;
	s6 =	simm.s32 $0x2400;
	s17 =	sor.u32 s17, s21;
	s21 =	simm.s32 $0x8;
	v30 =	vld.idx.msk [tilespmem:v23+s3+$0x0], $0xffff;
	[tilespmem:s13+$0x10800] =	vst v27  }
0xf0: {  	s18 =	sand.u32 $0x3, s25;
	v29 =	vld.idx.msk [tilespmem:v25+s3+$0x0], $0xffff;
	s24 =	sand.u32 $0x7, s21;
	s29 =	simm.s32 $0x1000;
	[tilespmem:s14+$0x70] =	vst v24  }
0xf1: {  	s4 =	sshll.u32 s18, $0x8;
	s13 =	simm.s32 $0x1;
	v24 =	vld.idx.msk [tilespmem:v20+s3+$0x0], $0xffff;
	[dreg:$0xb] =	wrdreg s29  }
0xf2: {  	v31 =	vadd.s32 s12, v9;
	v23 =	vadd.s32 s30, v15;
	s4 =	sadd.s32 $0x800, s4;
	s13 =	simm.s32 @!p2 $0x0;
	s14 =	sshll.u32 s24, $0x7;
	[tilespmem:s2+$0x40] =	vst v21;
	v28 =	vld.idx.msk [tilespmem:v28+s3+$0x0], $0xffff  }
0xf3: {  	v19 =	vadd.s32 s26, v5;
	v18 =	vadd.s32 s22, v5;
	s18 =	sadd.s32 $0x100, s4;
	s13 =	sshll.u32 s13, $0x9;
	s15 =	sadd.s32 $0x800, s14;
	[tilespmem:s17+$0x0] =	vst v1;
	v27 =	vld.idx.msk [tilespmem:v22+s3+$0x0], $0xffff  }
0xf4: {  	s4 =	sor.u32 $0x470, s11;
	s13 =	sadd.s32 $0x800, s13;
	v20 =	vadd.s32 s16, v16;
	v1 =	vadd.s32 s16, v15;
	s11 =	sadd.s32 $0x180, s15;
	v22 =	vadd.s32 s8, v9;
	v25 =	vld.idx.msk [tilespmem:v32+s3+$0x0], $0xffff  }
.LBB2_3:
0xf5: {  	[dreg:$0x16] =	wrdreg s7  }
0xf6: {  	[dreg:$0x14] =	wrdreg s15  }
0xf7: {  	[dreg:$0xe] =	wrdreg s18  }
0xf8: {  	[dreg:$0xc] =	wrdreg s11;
	s14 =	smov.u32 s13;
	[tilespmem:s4+$0x10800] =	vst v26  }
0xf9: {  	s18 =	smov.u32 s16;
	[dreg:$0x18] =	wrdreg s14;
	s14 =	smov.u32 s1;
	[tilespmem:s10+$0x10] =	vst v30  }
0xfa: {  	s16 =	sadd.s32 $0xFFFFF400, s31;
	s23 =	sadd.s32 $0x4, s23;
	v33 =	vadd.s32 s19, v15;
	s15 =	sor.u32 $0x440, s7;
	v30 =	vld.idx.msk [tilespmem:v31+s3+$0x0], $0xffff;
	[tilespmem:s14+$0x0] =	vst v29  }
0xfb: {  	s24 =	sadd.s32 $0xFFFFF800, s31;
	v34 =	vadd.s32 s22, v11;
	s30 =	sadd.s32 $0x2, s25;
	s21 =	sadd.s32 $0x4, s21;
	[tilespmem:s15+$0x10800] =	vst v28;
	v23 =	vld.idx.msk [tilespmem:v23+s3+$0x0], $0xffff  }
0xfc: {  	v35 =	vadd.s32 s6, v14;
	[dreg:$0x7] =	wrdreg s23;
	p5 =	slt.u32 s23, $0x3C;
	s23 =	sor.u32 $0x410, s28;
	v29 =	vld.idx.msk [tilespmem:v22+s3+$0x0], $0xffff;
	[tilespmem:s17+$0x10] =	vst v25  }
0xfd: {  	s11 =	sor.u32 $0x450, s7;
	p2 =	por !p2, !p2;
	s7 =	sor.u32 $0x400, s0;
	v28 =	vld.idx.msk [tilespmem:v20+s3+$0x0], $0xffff;
	[tilespmem:s23+$0x10800] =	vst v24;
	v20 =	vadd.s32 s9, v7  }
0xfe: {  	v36 =	vadd.s32 s12, v8;
	s29 =	simm.s32 $0x1;
	s26 =	sor.u32 $0x400, s20;
	[dreg:$0x9] =	wrdreg s21;
	v25 =	vld.idx.msk [tilespmem:v19+s3+$0x0], $0xffff;
	[tilespmem:s2+$0x50] =	vst v27  }
0xff: {  	s5 =	sadd.s32 $0x200, s5;
	s1 =	sand.u32 $0x3, s30;
	s21 =	rddreg [dreg:$0x9];
	v31 =	vadd.s32 s16, v17;
	v27 =	vld.idx.msk [tilespmem:v33+s3+$0x0], $0xffff;
	[tilespmem:s26+$0x10800] =	vst v30  }
0x100: {  	v26 =	vadd.s32 s24, v17;
	s29 =	simm.s32 @!p2 $0x0;
	s21 =	sand.u32 $0x7, s21;
	s15 =	rddreg [dreg:$0x4];
	v51 =	vld.idx.msk [tilespmem:v34+s3+$0x0], $0xffff;
	[tilespmem:s10+$0x20] =	vst v23  }
0x101: {  	s29 =	sshll.u32 s29, $0x9;
	s21 =	sshll.u32 s21, $0x7;
	s25 =	sadd.s32 $0x400, s15;
	[tilespmem:s7+$0x10800] =	vst v29;
	v23 =	vld.idx.msk [tilespmem:v35+s3+$0x0], $0xffff  }
0x102: {  	v53 =	vadd.s32 s22, v10;
	s1 =	sshll.u32 s1, $0x8;
	s23 =	sadd.s32 s25, s21;
	s21 =	sadd.s32 s29, s25;
	[tilespmem:s14+$0x10] =	vst v28;
	v54 =	vld.idx.msk [tilespmem:v20+s3+$0x0], $0xffff  }
0x103: {  	s29 =	sadd.s32 $0xFFFFFE80, s5;
	[dreg:$0x4] =	wrdreg s25;
	s1 =	sadd.s32 s25, s1;
	v30 =	vadd.s32 s8, v8;
	[tilespmem:s11+$0x10800] =	vst v25;
	v28 =	vld.idx.msk [tilespmem:v36+s3+$0x0], $0xffff  }
0x104: {  	[dreg:$0x15] =	wrdreg s21;
	s21 =	sadd.s32 $0xFFFFFF80, s5;
	s7 =	sand.u32 $0x3800, s25;
	[tilespmem:s17+$0x20] =	vst v27;
	v27 =	vadd.s32 s19, v14;
	v31 =	vld.idx.msk [tilespmem:v31+s3+$0x0], $0xffff  }
0x105: {  	v55 =	vadd.s32 s12, v7;
	s25 =	smov.u32 s30;
	s30 =	sand.u32 $0x300, s21;
	s7 =	sadd.s32 $0x10800, s7;
	v26 =	vld.idx.msk [tilespmem:v26+s3+$0x0], $0xffff  }
0x106: {  	v29 =	vadd.s32 s6, v13;
	s21 =	sadd.s32 $0x100, s1;
	[tilespmem:s2+$0x60] =	vst v51;
	s1 =	sor.u32 s30, s7;
	s30 =	sadd.s32 $0x180, s23;
	v37 =	vld.idx.msk [tilespmem:v1+s3+$0x0], $0xffff  }
0x107: {  	v56 =	vadd.s32 s9, v6;
	s29 =	sand.u32 $0x200, s29;
	[dreg:$0x12] =	wrdreg s30;
	v34 =	vld.idx.msk [tilespmem:v53+s3+$0x0], $0xffff;
	s30 =	sor.u32 $0x410, s20;
	[tilespmem:s10+$0x30] =	vst v23  }
0x108: {  	v38 =	vadd.s32 s18, v14;
	s26 =	sadd.s32 $0xFFFFFF00, s5;
	s29 =	sor.u32 s29, s7;
	v30 =	vld.idx.msk [tilespmem:v30+s3+$0x0], $0xffff;
	[tilespmem:s30+$0x10800] =	vst v28  }
0x109: {  	s4 =	sor.u32 $0x420, s28;
	v32 =	vadd.s32 s16, v5;
	v52 =	vadd.s32 s16, v16;
	s26 =	sand.u32 $0x280, s26;
	v27 =	vld.idx.msk [tilespmem:v27+s3+$0x0], $0xffff;
	[tilespmem:s29+$0x0] =	vst v31  }
0x10a: {  	v19 =	vmov v18;
	v18 =	vmov v32;
	s11 =	sor.u32 s26, s7;
	s26 =	sand.u32 $0x380, s5;
	v28 =	vadd.s32 s8, v7;
	[tilespmem:s4+$0x10800] =	vst v54;
	v32 =	vld.idx.msk [tilespmem:v55+s3+$0x0], $0xffff  }
0x10b: {  	s7 =	sor.u32 s26, s7;
	v31 =	vadd.s32 s22, v9;
	[tilespmem:s14+$0x20] =	vst v37;
	v29 =	vld.idx.msk [tilespmem:v29+s3+$0x0], $0xffff  }
0x10c: {  	v39 =	vadd.s32 s19, v13;
	[dreg:$0x11] =	wrdreg s7;
	s7 =	sor.u32 $0x410, s0;
	v36 =	vld.idx.msk [tilespmem:v56+s3+$0x0], $0xffff;
	[tilespmem:s11+$0x0] =	vst v26  }
0x10d: {  	v59 =	vadd.s32 s12, v6;
	v26 =	vld.idx.msk [tilespmem:v38+s3+$0x0], $0xffff;
	[tilespmem:s7+$0x10800] =	vst v30  }
0x10e: {  	v58 =	vadd.s32 s6, v12;
	v30 =	vld.idx.msk [tilespmem:v52+s3+$0x0], $0xffff;
	[tilespmem:s2+$0x70] =	vst v34  }
0x10f: {  	v60 =	vadd.s32 s9, v4;
	s26 =	sor.u32 $0x420, s20;
	v28 =	vld.idx.msk [tilespmem:v28+s3+$0x0], $0xffff;
	[tilespmem:s17+$0x30] =	vst v27  }
0x110: {  	v31 =	vld.idx.msk [tilespmem:v31+s3+$0x0], $0xffff;
	v27 =	vadd.s32 s8, v6;
	[tilespmem:s26+$0x10800] =	vst v32  }
0x111: {  	v61 =	vld.idx.msk [tilespmem:v39+s3+$0x0], $0xffff;
	[tilespmem:s10+$0x40] =	vst v29;
	v29 =	vadd.s32 s18, v13  }
0x112: {  	v57 =	vadd.s32 s16, v15;
	s2 =	smov.u32 s29;
	s29 =	sor.u32 $0x430, s28;
	v34 =	vld.idx.msk [tilespmem:v59+s3+$0x0], $0xffff;
	[tilespmem:s14+$0x30] =	vst v26  }
0x113: {  	v62 =	vadd.s32 s19, v12;
	s30 =	sor.u32 $0x420, s0;
	v33 =	vld.idx.msk [tilespmem:v58+s3+$0x0], $0xffff;
	[tilespmem:s29+$0x10800] =	vst v36  }
0x114: {  	v63 =	vadd.s32 s22, v8;
	s15 =	rddreg [dreg:$0xb];
	v37 =	vld.idx.msk [tilespmem:v60+s3+$0x0], $0xffff;
	[tilespmem:s30+$0x10800] =	vst v28  }
0x115: {  	v26 =	vadd.s32 s12, v4;
	[tilespmem:s2+$0x10] =	vst v30;
	s30 =	rddreg [dreg:$0x18];
	v27 =	vld.idx.msk [tilespmem:v27+s3+$0x0], $0xffff  }
0x116: {  	v41 =	vadd.s32 s15, v3;
	s7 =	sor.u32 $0x400, s30;
	[tilespmem:s17+$0x40] =	vst v61;
	v28 =	vld.idx.msk [tilespmem:v29+s3+$0x0], $0xffff  }
0x117: {  	s26 =	sor.u32 $0x430, s20;
	v30 =	vld.idx.msk [tilespmem:v57+s3+$0x0], $0xffff;
	v29 =	vadd.s32 s9, v5;
	[tilespmem:s7+$0x10800] =	vst v31  }
0x118: {  	v40 =	vadd.s32 s8, v4;
	s29 =	sor.u32 $0x440, s28;
	v32 =	vld.idx.msk [tilespmem:v62+s3+$0x0], $0xffff;
	[tilespmem:s26+$0x10800] =	vst v34  }
0x119: {  	v42 =	vadd.s32 s6, v11;
	s26 =	sor.u32 $0x430, s0;
	v36 =	vld.idx.msk [tilespmem:v63+s3+$0x0], $0xffff;
	[tilespmem:s29+$0x10800] =	vst v37  }
0x11a: {  	v31 =	vadd.s32 s18, v12;
	v26 =	vld.idx.msk [tilespmem:v26+s3+$0x0], $0xffff;
	[tilespmem:s26+$0x10800] =	vst v27  }
0x11b: {  	v44 =	vadd.s32 s22, v7;
	v46 =	vld.idx.msk [tilespmem:v41+s3+$0x0], $0xffff;
	[tilespmem:s14+$0x40] =	vst v28  }
0x11c: {  	v27 =	vadd.s32 s12, v5;
	v29 =	vld.idx.msk [tilespmem:v29+s3+$0x0], $0xffff;
	[tilespmem:s10+$0x50] =	vst v33  }
0x11d: {  	v48 =	vadd.s32 s16, v14;
	s29 =	sor.u32 $0x410, s30;
	v28 =	vld.idx.msk [tilespmem:v40+s3+$0x0], $0xffff;
	[tilespmem:s17+$0x50] =	vst v32  }
0x11e: {  	v45 =	vadd.s32 s9, v3;
	s7 =	sor.u32 $0x440, s20;
	[tilespmem:s29+$0x10800] =	vst v36;
	v34 =	vld.idx.msk [tilespmem:v42+s3+$0x0], $0xffff  }
0x11f: {  	v47 =	vadd.s32 s8, v5;
	v31 =	vld.idx.msk [tilespmem:v31+s3+$0x0], $0xffff;
	[tilespmem:s7+$0x10800] =	vst v26  }
0x120: {  	v49 =	vadd.s32 s15, v2;
	s26 =	sor.u32 $0x450, s28;
	v36 =	vld.idx.msk [tilespmem:v44+s3+$0x0], $0xffff;
	[tilespmem:s2+$0x20] =	vst v30  }
0x121: {  	v50 =	vadd.s32 s6, v10;
	s15 =	sor.u32 $0x440, s0;
	v27 =	vld.idx.msk [tilespmem:v27+s3+$0x0], $0xffff;
	[tilespmem:s26+$0x10800] =	vst v29  }
0x122: {  	s29 =	smov.u32 s22;
	v51 =	vld.idx.msk [tilespmem:v48+s3+$0x0], $0xffff;
	v29 =	vadd.s32 s19, v11;
	[tilespmem:s15+$0x10800] =	vst v28;
	s26 =	rddreg [dreg:$0x16]  }
0x123: {  	s22 =	smov.u32 s16;
	v55 =	vadd.s32 s29, v6;
	v33 =	vld.idx.msk [tilespmem:v45+s3+$0x0], $0xffff;
	s16 =	sor.u32 $0x460, s26;
	[tilespmem:s10+$0x60] =	vst v34  }
0x124: {  	s7 =	sor.u32 $0x420, s30;
	v28 =	vadd.s32 s12, v3;
	v30 =	vld.idx.msk [tilespmem:v47+s3+$0x0], $0xffff;
	[tilespmem:s16+$0x10800] =	vst v46  }
0x125: {  	v52 =	vadd.s32 s18, v11;
	s15 =	sor.u32 $0x450, s20;
	v26 =	vld.idx.msk [tilespmem:v49+s3+$0x0], $0xffff;
	[tilespmem:s7+$0x10800] =	vst v36  }
0x126: {  	v53 =	vadd.s32 s8, v3;
	v34 =	vld.idx.msk [tilespmem:v50+s3+$0x0], $0xffff;
	[tilespmem:s15+$0x10800] =	vst v27  }
0x127: {  	v54 =	vadd.s32 s9, v2;
	s9 =	smov.u32 s6;
	[tilespmem:s2+$0x30] =	vst v51;
	v29 =	vld.idx.msk [tilespmem:v29+s3+$0x0], $0xffff  }
0x128: {  	v27 =	vadd.s32 s9, v9;
	[tilespmem:s14+$0x50] =	vst v31;
	v58 =	vld.idx.msk [tilespmem:v55+s3+$0x0], $0xffff  }
0x129: {  	s16 =	sor.u32 $0x450, s0;
	v31 =	vadd.s32 s22, v13;
	v28 =	vld.idx.msk [tilespmem:v28+s3+$0x0], $0xffff  }
0x12a: {  	v24 =	vadd.s32 s24, v16;
	v23 =	vadd.s32 s24, v15;
	v56 =	vadd.s32 s19, v10;
	s6 =	smov.u32 s24;
	s24 =	sor.u32 $0x460, s28;
	v38 =	vld.idx.msk [tilespmem:v52+s3+$0x0], $0xffff;
	[tilespmem:s16+$0x10800] =	vst v30  }
0x12b: {  	[tilespmem:s24+$0x10800] =	vst v33;
	v30 =	vadd.s32 s12, v2;
	v32 =	vld.idx.msk [tilespmem:v53+s3+$0x0], $0xffff  }
0x12c: {  	v59 =	vadd.s32 s8, v2;
	v57 =	vld.idx.msk [tilespmem:v54+s3+$0x0], $0xffff;
	[tilespmem:s10+$0x70] =	vst v34  }
0x12d: {  	v21 =	vadd.s32 s31, v17;
	s7 =	sor.u32 $0x460, s20;
	s12 =	smov.u32 s18;
	v27 =	vld.idx.msk [tilespmem:v27+s3+$0x0], $0xffff;
	[tilespmem:s17+$0x60] =	vst v29  }
0x12e: {  	v29 =	vld.idx.msk [tilespmem:v31+s3+$0x0], $0xffff;
	v31 =	vadd.s32 s12, v10;
	[tilespmem:s7+$0x10800] =	vst v28  }
0x12f: {  	s13 =	sadd.s32 $0xFFFFFC00, s31;
	s10 =	smov.u32 s11;
	s11 =	sor.u32 $0x460, s0;
	v33 =	vld.idx.msk [tilespmem:v56+s3+$0x0], $0xffff;
	[tilespmem:s14+$0x60] =	vst v38  }
0x130: {  	v22 =	vadd.s32 s13, v17;
	s18 =	sor.u32 $0x430, s30;
	s24 =	rddreg [dreg:$0x14];
	[tilespmem:s11+$0x10800] =	vst v32;
	v28 =	vld.idx.msk [tilespmem:v30+s3+$0x0], $0xffff  }
0x131: {  	v60 =	vadd.s32 s9, v8;
	s15 =	sor.u32 $0x470, s28;
	s28 =	sadd.s32 $0x80, s24;
	[tilespmem:s18+$0x10800] =	vst v58;
	v34 =	vld.idx.msk [tilespmem:v59+s3+$0x0], $0xffff  }
0x132: {  	s8 =	smov.u32 s19;
	[dreg:$0xb] =	wrdreg s29;
	v62 =	vadd.s32 s22, v12;
	s7 =	sor.u32 $0x400, s28;
	[tilespmem:s15+$0x10800] =	vst v57;
	v21 =	vld.idx.msk [tilespmem:v21+s3+$0x0], $0xffff  }
0x133: {  	v20 =	vadd.s32 s13, v16;
	v1 =	vadd.s32 s13, v15;
	v61 =	vadd.s32 s29, v4;
	s29 =	sor.u32 $0x470, s0;
	s16 =	smov.u32 s13;
	s13 =	rddreg [dreg:$0x15];
	[tilespmem:s7+$0x10800] =	vst v27;
	v63 =	vld.idx.msk [tilespmem:v31+s3+$0x0], $0xffff  }
0x134: {  	v25 =	vadd.s32 s31, v16;
	s19 =	smov.u32 s31;
	s31 =	sadd.s32 $0x1000, s31;
	s24 =	rddreg [dreg:$0xe];
	[tilespmem:s2+$0x40] =	vst v29;
	v30 =	vld.idx.msk [tilespmem:v24+s3+$0x0], $0xffff  }
.Ltmp4:
0x135: {  	s4 =	sor.u32 $0x470, s26;
	v29 =	vld.idx.msk [tilespmem:v22+s3+$0x0], $0xffff;
	[tilespmem:s17+$0x70] =	vst v33;
	s17 =	rddreg [dreg:$0xc];
	(pc) =	sbr.rel @p5 .LBB2_3-.Ltmp4, $4  }
0x136: {  	s18 =	smov.u32 s21;
	s11 =	sor.u32 $0x470, s20;
	v24 =	vld.idx.msk [tilespmem:v60+s3+$0x0], $0xffff;
	[tilespmem:s29+$0x10800] =	vst v34;
	s29 =	rddreg [dreg:$0x11]  }
0x137: {  	s21 =	rddreg [dreg:$0x9];
	v27 =	vld.idx.msk [tilespmem:v62+s3+$0x0], $0xffff;
	s0 =	smov.u32 s17;
	[tilespmem:s11+$0x10800] =	vst v28;
	s17 =	smov.u32 s29  }
0x138: {  	s15 =	smov.u32 s23;
	s20 =	smov.u32 s24;
	s24 =	rddreg [dreg:$0x12];
	v28 =	vld.idx.msk [tilespmem:v61+s3+$0x0], $0xffff;
	[tilespmem:s17+$0x0] =	vst v21  }
0x139: {  	s23 =	rddreg [dreg:$0x7];
	s7 =	smov.u32 s30;
	v31 =	vadd.s32 s12, v9;
	v22 =	vadd.s32 s8, v9;
	s11 =	smov.u32 s24;
	[tilespmem:s14+$0x70] =	vst v63;
	v25 =	vld.idx.msk [tilespmem:v25+s3+$0x0], $0xffff  }
0x13a: {  	_ =	sdelay $0x2  }
0x13b: {  	[tilespmem:s1+$0x0] =	vst v29  }
0x13c: {  	v20 =	vld.idx.msk [tilespmem:v20+s3+$0x0], $0xffff;
	_ =	sdelay $0x1  }
0x13d: {  	v21 =	vadd.s32 s19, v15;
	_ =	sdelay $0x1  }
0x13e: {  	[tilespmem:s10+$0x10] =	vst v30  }
0x13f: {  	v23 =	vld.idx.msk [tilespmem:v23+s3+$0x0], $0xffff;
	[tilespmem:s1+$0x10] =	vst v20  }
0x140: {  	[tilespmem:s17+$0x10] =	vst v25;
	v20 =	vadd.s32 s6, v14;
	v1 =	vld.idx.msk [tilespmem:v1+s3+$0x0], $0xffff  }
0x141: {  	v25 =	vadd.s32 s16, v14;
	v21 =	vld.idx.msk [tilespmem:v21+s3+$0x0], $0xffff  }
0x142: {  	v29 =	vadd.s32 s19, v14;
	_ =	sdelay $0x1  }
0x143: {  	[tilespmem:s10+$0x20] =	vst v23  }
0x144: {  	v20 =	vld.idx.msk [tilespmem:v20+s3+$0x0], $0xffff;
	[tilespmem:s1+$0x20] =	vst v1  }
0x145: {  	[tilespmem:s17+$0x20] =	vst v21;
	v1 =	vadd.s32 s6, v13;
	v21 =	vld.idx.msk [tilespmem:v25+s3+$0x0], $0xffff  }
0x146: {  	v23 =	vld.idx.msk [tilespmem:v29+s3+$0x0], $0xffff;
	v25 =	vadd.s32 s16, v13  }
0x147: {  	[tilespmem:s4+$0x10800] =	vst v26;
	s5 =	sor.u32 $0x440, s7;
	v26 =	vadd.s32 s19, v13  }
0x148: {  	[tilespmem:s5+$0x10800] =	vst v28  }
0x149: {  	v28 =	vld.idx.msk [tilespmem:v31+s3+$0x0], $0xffff;
	[tilespmem:s10+$0x30] =	vst v20  }
0x14a: {  	v20 =	vadd.s32 s22, v11;
	v1 =	vld.idx.msk [tilespmem:v1+s3+$0x0], $0xffff;
	[tilespmem:s1+$0x30] =	vst v21  }
0x14b: {  	s14 =	sor.u32 $0x410, s28;
	[tilespmem:s17+$0x30] =	vst v23;
	v21 =	vadd.s32 s6, v12;
	v23 =	vld.idx.msk [tilespmem:v25+s3+$0x0], $0xffff  }
0x14c: {  	[tilespmem:s14+$0x10800] =	vst v24;
	v24 =	vld.idx.msk [tilespmem:v26+s3+$0x0], $0xffff;
	v25 =	vadd.s32 s16, v12  }
0x14d: {  	v22 =	vld.idx.msk [tilespmem:v22+s3+$0x0], $0xffff;
	s21 =	sor.u32 $0x400, s20;
	[tilespmem:s2+$0x50] =	vst v27;
	v26 =	vadd.s32 s19, v12  }
0x14e: {  	v19 =	vld.idx.msk [tilespmem:v19+s3+$0x0], $0xffff;
	[tilespmem:s21+$0x10800] =	vst v28;
	v28 =	vadd.s32 s12, v8  }
0x14f: {  	v27 =	vadd.s32 s9, v7;
	v20 =	vld.idx.msk [tilespmem:v20+s3+$0x0], $0xffff;
	[tilespmem:s10+$0x40] =	vst v1  }
0x150: {  	v1 =	vadd.s32 s8, v8;
	v21 =	vld.idx.msk [tilespmem:v21+s3+$0x0], $0xffff;
	[tilespmem:s1+$0x40] =	vst v23  }
0x151: {  	s23 =	sor.u32 $0x400, s0;
	[tilespmem:s17+$0x40] =	vst v24;
	v23 =	vadd.s32 s6, v11;
	v24 =	vld.idx.msk [tilespmem:v25+s3+$0x0], $0xffff  }
0x152: {  	s5 =	sor.u32 $0x450, s7;
	[tilespmem:s23+$0x10800] =	vst v22;
	v22 =	vld.idx.msk [tilespmem:v26+s3+$0x0], $0xffff;
	v25 =	vadd.s32 s16, v11  }
0x153: {  	[tilespmem:s5+$0x10800] =	vst v19;
	v19 =	vadd.s32 s19, v11;
	v28 =	vld.idx.msk [tilespmem:v28+s3+$0x0], $0xffff  }
0x154: {  	v26 =	vld.idx.msk [tilespmem:v27+s3+$0x0], $0xffff;
	v27 =	vadd.s32 s22, v10;
	[tilespmem:s2+$0x60] =	vst v20  }
0x155: {  	v20 =	vadd.s32 s12, v7;
	v1 =	vld.idx.msk [tilespmem:v1+s3+$0x0], $0xffff;
	[tilespmem:s10+$0x50] =	vst v21  }
0x156: {  	v21 =	vadd.s32 s9, v6;
	v23 =	vld.idx.msk [tilespmem:v23+s3+$0x0], $0xffff;
	[tilespmem:s1+$0x50] =	vst v24  }
0x157: {  	s25 =	sor.u32 $0x410, s20;
	[tilespmem:s17+$0x50] =	vst v22;
	v22 =	vadd.s32 s6, v10;
	v24 =	vld.idx.msk [tilespmem:v25+s3+$0x0], $0xffff  }
0x158: {  	s24 =	sor.u32 $0x420, s28;
	[tilespmem:s25+$0x10800] =	vst v28;
	v19 =	vld.idx.msk [tilespmem:v19+s3+$0x0], $0xffff;
	v25 =	vadd.s32 s16, v10  }
0x159: {  	s26 =	sor.u32 $0x410, s0;
	[tilespmem:s24+$0x10800] =	vst v26;
	v26 =	vld.idx.msk [tilespmem:v27+s3+$0x0], $0xffff;
	v27 =	vadd.s32 s19, v10  }
0x15a: {  	v28 =	vadd.s32 s8, v7;
	v20 =	vld.idx.msk [tilespmem:v20+s3+$0x0], $0xffff;
	[tilespmem:s26+$0x10800] =	vst v1  }
0x15b: {  	v21 =	vld.idx.msk [tilespmem:v21+s3+$0x0], $0xffff;
	[tilespmem:s10+$0x60] =	vst v23  }
0x15c: {  	v1 =	vadd.s32 s22, v9;
	v22 =	vld.idx.msk [tilespmem:v22+s3+$0x0], $0xffff;
	[tilespmem:s1+$0x60] =	vst v24  }
0x15d: {  	v23 =	vadd.s32 s12, v6;
	[tilespmem:s17+$0x60] =	vst v19;
	v19 =	vld.idx.msk [tilespmem:v25+s3+$0x0], $0xffff  }
0x15e: {  	v24 =	vadd.s32 s6, v9;
	v25 =	vld.idx.msk [tilespmem:v27+s3+$0x0], $0xffff  }
0x15f: {  	s4 =	sor.u32 $0x420, s20;
	[tilespmem:s2+$0x70] =	vst v26;
	v27 =	vld.idx.msk [tilespmem:v28+s3+$0x0], $0xffff;
	v28 =	vadd.s32 s9, v4  }
0x160: {  	s5 =	sor.u32 $0x430, s28;
	v26 =	vadd.s32 s16, v9;
	[tilespmem:s4+$0x10800] =	vst v20  }
0x161: {  	v20 =	vadd.s32 s19, v9;
	v1 =	vld.idx.msk [tilespmem:v1+s3+$0x0], $0xffff;
	[tilespmem:s5+$0x10800] =	vst v21  }
0x162: {  	v21 =	vadd.s32 s8, v6;
	v23 =	vld.idx.msk [tilespmem:v23+s3+$0x0], $0xffff;
	[tilespmem:s10+$0x70] =	vst v22  }
0x163: {  	s14 =	sor.u32 $0x420, s0;
	v22 =	vadd.s32 s22, v8;
	v24 =	vld.idx.msk [tilespmem:v24+s3+$0x0], $0xffff;
	[tilespmem:s1+$0x70] =	vst v19  }
0x164: {  	[tilespmem:s14+$0x10800] =	vst v27;
	v27 =	vld.idx.msk [tilespmem:v28+s3+$0x0], $0xffff  }
0x165: {  	v19 =	vadd.s32 s6, v8;
	[tilespmem:s17+$0x70] =	vst v25;
	s17 =	sor.u32 $0x400, s13;
	v25 =	vld.idx.msk [tilespmem:v26+s3+$0x0], $0xffff  }
0x166: {  	s21 =	sor.u32 $0x430, s20;
	s1 =	sadd.s32 $0x80, s15;
	v20 =	vld.idx.msk [tilespmem:v20+s3+$0x0], $0xffff;
	v26 =	vadd.s32 s16, v8;
	[tilespmem:s17+$0x10800] =	vst v1  }
0x167: {  	v1 =	vadd.s32 s19, v8;
	v21 =	vld.idx.msk [tilespmem:v21+s3+$0x0], $0xffff;
	s23 =	sor.u32 $0x400, s1;
	[tilespmem:s21+$0x10800] =	vst v23  }
0x168: {  	s26 =	sor.u32 $0x440, s28;
	v28 =	vadd.s32 s12, v4;
	v22 =	vld.idx.msk [tilespmem:v22+s3+$0x0], $0xffff;
	[tilespmem:s23+$0x10800] =	vst v24  }
0x169: {  	s24 =	sor.u32 $0x400, s18;
	v23 =	vadd.s32 s9, v5;
	[tilespmem:s26+$0x10800] =	vst v27  }
0x16a: {  	s25 =	sor.u32 $0x400, s11;
	v24 =	vadd.s32 s8, v4;
	v19 =	vld.idx.msk [tilespmem:v19+s3+$0x0], $0xffff;
	[tilespmem:s24+$0x10800] =	vst v25  }
0x16b: {  	s5 =	sor.u32 $0x430, s0;
	v25 =	vadd.s32 s6, v7;
	[tilespmem:s25+$0x10800] =	vst v20;
	v20 =	vld.idx.msk [tilespmem:v26+s3+$0x0], $0xffff  }
0x16c: {  	s10 =	sor.u32 $0x410, s13;
	[tilespmem:s5+$0x10800] =	vst v21;
	v26 =	vadd.s32 s16, v7;
	v1 =	vld.idx.msk [tilespmem:v1+s3+$0x0], $0xffff  }
0x16d: {  	v27 =	vld.idx.msk [tilespmem:v28+s3+$0x0], $0xffff;
	v21 =	vadd.s32 s19, v7;
	[tilespmem:s10+$0x10800] =	vst v22  }
0x16e: {  	s14 =	sor.u32 $0x410, s1;
	v28 =	vadd.s32 s22, v7;
	v23 =	vld.idx.msk [tilespmem:v23+s3+$0x0], $0xffff;
	s5 =	rddreg [dreg:$0xb]  }
0x16f: {  	s15 =	sor.u32 $0x410, s18;
	v24 =	vld.idx.msk [tilespmem:v24+s3+$0x0], $0xffff;
	v22 =	vadd.s32 s5, v3;
	[tilespmem:s14+$0x10800] =	vst v19  }
0x170: {  	s17 =	sor.u32 $0x410, s11;
	v19 =	vadd.s32 s12, v5;
	v25 =	vld.idx.msk [tilespmem:v25+s3+$0x0], $0xffff;
	[tilespmem:s15+$0x10800] =	vst v20  }
0x171: {  	s21 =	sor.u32 $0x440, s20;
	v20 =	vadd.s32 s6, v6;
	[tilespmem:s17+$0x10800] =	vst v1;
	v26 =	vld.idx.msk [tilespmem:v26+s3+$0x0], $0xffff  }
0x172: {  	s23 =	sor.u32 $0x450, s28;
	[tilespmem:s21+$0x10800] =	vst v27;
	v1 =	vadd.s32 s16, v6;
	v21 =	vld.idx.msk [tilespmem:v21+s3+$0x0], $0xffff  }
0x173: {  	s24 =	sor.u32 $0x440, s0;
	v27 =	vld.idx.msk [tilespmem:v28+s3+$0x0], $0xffff;
	[tilespmem:s23+$0x10800] =	vst v23;
	v23 =	vadd.s32 s19, v6  }
0x174: {  	s25 =	sor.u32 $0x420, s1;
	[tilespmem:s24+$0x10800] =	vst v24;
	v24 =	vadd.s32 s22, v6;
	v22 =	vld.idx.msk [tilespmem:v22+s3+$0x0], $0xffff  }
0x175: {  	s26 =	sor.u32 $0x420, s18;
	v28 =	vadd.s32 s8, v5;
	v19 =	vld.idx.msk [tilespmem:v19+s3+$0x0], $0xffff;
	[tilespmem:s25+$0x10800] =	vst v25  }
0x176: {  	s4 =	sor.u32 $0x420, s11;
	v25 =	vadd.s32 s9, v3;
	v20 =	vld.idx.msk [tilespmem:v20+s3+$0x0], $0xffff;
	[tilespmem:s26+$0x10800] =	vst v26  }
0x177: {  	s10 =	sor.u32 $0x420, s13;
	v26 =	vadd.s32 s6, v4;
	[tilespmem:s4+$0x10800] =	vst v21;
	v1 =	vld.idx.msk [tilespmem:v1+s3+$0x0], $0xffff  }
0x178: {  	s14 =	sor.u32 $0x460, s7;
	[tilespmem:s10+$0x10800] =	vst v27;
	v21 =	vadd.s32 s16, v4;
	v23 =	vld.idx.msk [tilespmem:v23+s3+$0x0], $0xffff  }
0x179: {  	s15 =	sor.u32 $0x450, s20;
	[tilespmem:s14+$0x10800] =	vst v22;
	v22 =	vld.idx.msk [tilespmem:v24+s3+$0x0], $0xffff;
	v24 =	vadd.s32 s19, v4  }
0x17a: {  	s17 =	sor.u32 $0x430, s1;
	v27 =	vld.idx.msk [tilespmem:v28+s3+$0x0], $0xffff;
	[tilespmem:s15+$0x10800] =	vst v19;
	v19 =	vadd.s32 s22, v4  }
0x17b: {  	s21 =	sor.u32 $0x430, s18;
	v28 =	vadd.s32 s12, v3;
	v25 =	vld.idx.msk [tilespmem:v25+s3+$0x0], $0xffff;
	[tilespmem:s17+$0x10800] =	vst v20  }
0x17c: {  	s23 =	sor.u32 $0x430, s11;
	v20 =	vadd.s32 s8, v3;
	v26 =	vld.idx.msk [tilespmem:v26+s3+$0x0], $0xffff;
	[tilespmem:s21+$0x10800] =	vst v1  }
0x17d: {  	s24 =	sor.u32 $0x430, s13;
	v1 =	vadd.s32 s6, v5;
	[tilespmem:s23+$0x10800] =	vst v23;
	v21 =	vld.idx.msk [tilespmem:v21+s3+$0x0], $0xffff  }
0x17e: {  	s25 =	sor.u32 $0x450, s0;
	[tilespmem:s24+$0x10800] =	vst v22;
	v22 =	vadd.s32 s16, v5;
	v23 =	vld.idx.msk [tilespmem:v24+s3+$0x0], $0xffff  }
0x17f: {  	s26 =	sor.u32 $0x460, s28;
	[tilespmem:s25+$0x10800] =	vst v27;
	v24 =	vadd.s32 s19, v5;
	v19 =	vld.idx.msk [tilespmem:v19+s3+$0x0], $0xffff  }
0x180: {  	s4 =	sor.u32 $0x440, s1;
	v27 =	vld.idx.msk [tilespmem:v28+s3+$0x0], $0xffff;
	[tilespmem:s26+$0x10800] =	vst v25  }
0x181: {  	s10 =	sor.u32 $0x440, s18;
	v25 =	vadd.s32 s9, v2;
	v20 =	vld.idx.msk [tilespmem:v20+s3+$0x0], $0xffff;
	[tilespmem:s4+$0x10800] =	vst v26  }
0x182: {  	v26 =	vadd.s32 s12, v2;
	s12 =	sor.u32 $0x440, s11;
	v1 =	vld.idx.msk [tilespmem:v1+s3+$0x0], $0xffff;
	[tilespmem:s10+$0x10800] =	vst v21  }
0x183: {  	s14 =	sor.u32 $0x440, s13;
	v21 =	vadd.s32 s6, v3;
	[tilespmem:s12+$0x10800] =	vst v23;
	v22 =	vld.idx.msk [tilespmem:v22+s3+$0x0], $0xffff  }
0x184: {  	s15 =	sor.u32 $0x460, s20;
	[tilespmem:s14+$0x10800] =	vst v19;
	v19 =	vadd.s32 s16, v3;
	v23 =	vld.idx.msk [tilespmem:v24+s3+$0x0], $0xffff  }
0x185: {  	s17 =	sor.u32 $0x460, s0;
	[tilespmem:s15+$0x10800] =	vst v27;
	v24 =	vadd.s32 s19, v3;
	v18 =	vld.idx.msk [tilespmem:v18+s3+$0x0], $0xffff  }
0x186: {  	s21 =	sor.u32 $0x450, s1;
	v25 =	vld.idx.msk [tilespmem:v25+s3+$0x0], $0xffff;
	[tilespmem:s17+$0x10800] =	vst v20;
	v20 =	vadd.s32 s22, v3  }
0x187: {  	s23 =	sor.u32 $0x450, s18;
	v27 =	vadd.s32 s8, v2;
	v26 =	vld.idx.msk [tilespmem:v26+s3+$0x0], $0xffff;
	[tilespmem:s21+$0x10800] =	vst v1  }
0x188: {  	s24 =	sor.u32 $0x450, s11;
	v1 =	vadd.s32 s5, v2;
	v21 =	vld.idx.msk [tilespmem:v21+s3+$0x0], $0xffff;
	[tilespmem:s23+$0x10800] =	vst v22  }
0x189: {  	s25 =	sor.u32 $0x450, s13;
	v22 =	vadd.s32 s6, v2;
	[tilespmem:s24+$0x10800] =	vst v23;
	v19 =	vld.idx.msk [tilespmem:v19+s3+$0x0], $0xffff  }
0x18a: {  	s26 =	sor.u32 $0x470, s28;
	[tilespmem:s25+$0x10800] =	vst v18;
	v18 =	vadd.s32 s16, v2;
	v23 =	vld.idx.msk [tilespmem:v24+s3+$0x0], $0xffff  }
0x18b: {  	s5 =	sor.u32 $0x470, s20;
	[tilespmem:s26+$0x10800] =	vst v25;
	v24 =	vadd.s32 s19, v2;
	v20 =	vld.idx.msk [tilespmem:v20+s3+$0x0], $0xffff  }
0x18c: {  	v25 =	vld.idx.msk [tilespmem:v27+s3+$0x0], $0xffff;
	s6 =	sor.u32 $0x460, s1;
	[tilespmem:s5+$0x10800] =	vst v26;
	v26 =	vadd.s32 s22, v2  }
0x18d: {  	s8 =	sor.u32 $0x460, s18;
	v1 =	vld.idx.msk [tilespmem:v1+s3+$0x0], $0xffff;
	[tilespmem:s6+$0x10800] =	vst v21  }
0x18e: {  	s9 =	sor.u32 $0x460, s11;
	v21 =	vld.idx.msk [tilespmem:v22+s3+$0x0], $0xffff;
	[tilespmem:s8+$0x10800] =	vst v19  }
0x18f: {  	s10 =	sor.u32 $0x460, s13;
	[tilespmem:s9+$0x10800] =	vst v23;
	v18 =	vld.idx.msk [tilespmem:v18+s3+$0x0], $0xffff  }
0x190: {  	s12 =	sor.u32 $0x470, s0;
	[tilespmem:s10+$0x10800] =	vst v20;
	v19 =	vld.idx.msk [tilespmem:v24+s3+$0x0], $0xffff  }
0x191: {  	s14 =	sor.u32 $0x470, s7;
	[tilespmem:s12+$0x10800] =	vst v25;
	v20 =	vld.idx.msk [tilespmem:v26+s3+$0x0], $0xffff  }
0x192: {  	s15 =	sor.u32 $0x470, s1;
	[tilespmem:s14+$0x10800] =	vst v1  }
0x193: {  	s16 =	sor.u32 $0x470, s18;
	[tilespmem:s15+$0x10800] =	vst v21  }
0x194: {  	s17 =	sor.u32 $0x470, s11;
	[tilespmem:s16+$0x10800] =	vst v18  }
0x195: {  	s18 =	sor.u32 $0x470, s13;
	[tilespmem:s17+$0x10800] =	vst v19  }
0x196: {  	[tilespmem:s18+$0x10800] =	vst v20  }
0x197: {  	v61 =	vld [tilespmem:$0x10600];
	_ =	sdelay $0x4  }
0x198: {  	v1 =	vshll.u32 v61, $0xA  }
0x199: {  	v54 =	vld [tilespmem:$0x10620];
	v1 =	vand.u32 $0xFC00, v1  }
0x19a: {  	v1 =	vadd.s32 v17, v1  }
0x19b: {  	v56 =	vld [tilespmem:$0x10610]  }
0x19c: {  	v50 =	vld [tilespmem:$0x10630];
	_ =	sdelay $0x1  }
0x19d: {  	v45 =	vld [tilespmem:$0x10640];
	v19 =	vshll.u32 v54, $0xA  }
0x19e: {  	v62 =	vld.idx.msk [tilespmem:v1+s3+$0x0], $0xffff;
	v1 =	vand.u32 $0xFC00, v19  }
0x19f: {  	s19 =	simm.s32 $0x10000;
	v1 =	vadd.s32 v15, v1  }
0x1a0: {  	v30 =	vld.idx.msk [tilespmem:v17+s19+$0x0], $0xffff;
	v18 =	vshll.u32 v56, $0xA;
	v17 =	vshll.u32 v50, $0xA  }
0x1a1: {  	v18 =	vand.u32 $0xFC00, v18;
	v17 =	vand.u32 $0xFC00, v17  }
0x1a2: {  	v29 =	vld.idx.msk [tilespmem:v16+s19+$0x0], $0xffff;
	v18 =	vadd.s32 v16, v18;
	v16 =	vadd.s32 v14, v17;
	v17 =	vshll.u32 v45, $0xA  }
0x1a3: {  	v39 =	vld [tilespmem:$0x10660];
	v17 =	vand.u32 $0xFC00, v17  }
0x1a4: {  	v59 =	vld.idx.msk [tilespmem:v1+s3+$0x0], $0xffff;
	v1 =	vadd.s32 v13, v17;
	_ =	sdelay $0x3  }
0x1a5: {  	v58 =	vld.idx.msk [tilespmem:v14+s19+$0x0], $0xffff;
	v14 =	vshll.u32 v39, $0xA  }
0x1a6: {  	v52 =	vld.idx.msk [tilespmem:v1+s3+$0x0], $0xffff;
	v1 =	vand.u32 $0xFC00, v14  }
0x1a7: {  	v33 =	vld [tilespmem:$0x10680];
	v1 =	vadd.s32 v11, v1;
	_ =	sdelay $0x4  }
0x1a8: {  	v47 =	vld.idx.msk [tilespmem:v1+s3+$0x0], $0xffff;
	v1 =	vshll.u32 v33, $0xA  }
0x1a9: {  	v1 =	vand.u32 $0xFC00, v1  }
0x1aa: {  	v31 =	vld [tilespmem:$0x106A0];
	v1 =	vadd.s32 v9, v1;
	_ =	sdelay $0x4  }
0x1ab: {  	v37 =	vld.idx.msk [tilespmem:v1+s3+$0x0], $0xffff;
	v1 =	vshll.u32 v31, $0xA  }
0x1ac: {  	v1 =	vand.u32 $0xFC00, v1  }
0x1ad: {  	v1 =	vadd.s32 v7, v1  }
0x1ae: {  	v44 =	vld [tilespmem:$0x10650]  }
0x1af: {  	v60 =	vld.idx.msk [tilespmem:v15+s19+$0x0], $0xffff  }
0x1b0: {  	v28 =	vld [tilespmem:$0x106B0]  }
0x1b1: {  	v38 =	vld [tilespmem:$0x10670]  }
0x1b2: {  	v0 =	vld.idx.msk [tilespmem:v1+s3+$0x0], $0xffff  }
0x1b3: {  	v32 =	vld [tilespmem:$0x10690]  }
0x1b4: {  	v55 =	vld.idx.msk [tilespmem:v13+s19+$0x0], $0xffff  }
0x1b5: {  	v35 =	vld.idx.msk [tilespmem:v9+s19+$0x0], $0xffff;
	v9 =	vshll.u32 v28, $0xA  }
0x1b6: {  	v53 =	vld.idx.msk [tilespmem:v12+s19+$0x0], $0xffff;
	v9 =	vand.u32 $0xFC00, v9  }
0x1b7: {  	v15 =	vshll.u32 v44, $0xA;
	v13 =	vshll.u32 v38, $0xA;
	v9 =	vadd.s32 v6, v9;
	[tilespmem:$0x1FF30] =	vst v0;
	v0 =	vld.idx.msk [tilespmem:v7+s19+$0x0], $0xffff  }
0x1b8: {  	v48 =	vld.idx.msk [tilespmem:v11+s19+$0x0], $0xffff;
	v15 =	vand.u32 $0xFC00, v15;
	v13 =	vand.u32 $0xFC00, v13;
	v11 =	vshll.u32 v32, $0xA  }
0x1b9: {  	v49 =	vld.idx.msk [tilespmem:v10+s19+$0x0], $0xffff;
	v15 =	vadd.s32 v12, v15;
	v12 =	vadd.s32 v10, v13;
	v10 =	vand.u32 $0xFC00, v11  }
0x1ba: {  	v25 =	vld [tilespmem:$0x106C0];
	v10 =	vadd.s32 v8, v10;
	_ =	sdelay $0x1  }
0x1bb: {  	[tilespmem:$0x1FF40] =	vst v0;
	v0 =	vld.idx.msk [tilespmem:v9+s3+$0x0], $0xffff;
	_ =	sdelay $0x2  }
0x1bc: {  	v36 =	vld.idx.msk [tilespmem:v10+s3+$0x0], $0xffff;
	v10 =	vshll.u32 v25, $0xA  }
0x1bd: {  	v34 =	vld.idx.msk [tilespmem:v8+s19+$0x0], $0xffff;
	v10 =	vand.u32 $0xFC00, v10  }
0x1be: {  	v8 =	vadd.s32 v4, v10;
	[tilespmem:$0x1FF50] =	vst v0;
	v0 =	vld.idx.msk [tilespmem:v6+s19+$0x0], $0xffff;
	_ =	sdelay $0x2  }
0x1bf: {  	v24 =	vld [tilespmem:$0x106D0];
	_ =	sdelay $0x1  }
0x1c0: {  	[tilespmem:$0x1FF60] =	vst v0;
	v0 =	vld.idx.msk [tilespmem:v8+s3+$0x0], $0xffff;
	_ =	sdelay $0x2  }
0x1c1: {  	v10 =	vshll.u32 v24, $0xA  }
0x1c2: {  	v1 =	vand.u32 $0xFC00, v10  }
0x1c3: {  	v1 =	vadd.s32 v5, v1;
	[tilespmem:$0x1FF70] =	vst v0;
	v0 =	vld.idx.msk [tilespmem:v4+s19+$0x0], $0xffff;
	_ =	sdelay $0x2  }
0x1c4: {  	v26 =	vld [tilespmem:$0x106E0];
	_ =	sdelay $0x1  }
0x1c5: {  	[tilespmem:$0x1FF80] =	vst v0;
	v0 =	vld.idx.msk [tilespmem:v1+s3+$0x0], $0xffff;
	_ =	sdelay $0x2  }
0x1c6: {  	v7 =	vshll.u32 v26, $0xA  }
0x1c7: {  	v7 =	vand.u32 $0xFC00, v7  }
0x1c8: {  	v6 =	vadd.s32 v3, v7;
	[tilespmem:$0x1FF90] =	vst v0;
	v0 =	vld.idx.msk [tilespmem:v5+s19+$0x0], $0xffff;
	_ =	sdelay $0x2  }
0x1c9: {  	v27 =	vld [tilespmem:$0x106F0];
	_ =	sdelay $0x1  }
0x1ca: {  	[tilespmem:$0x1FFA0] =	vst v0;
	v0 =	vld.idx.msk [tilespmem:v6+s3+$0x0], $0xffff;
	_ =	sdelay $0x2  }
0x1cb: {  	v7 =	vshll.u32 v27, $0xA  }
0x1cc: {  	v7 =	vand.u32 $0xFC00, v7  }
0x1cd: {  	v4 =	vadd.s32 v2, v7;
	[tilespmem:$0x1FFB0] =	vst v0;
	v0 =	vld.idx.msk [tilespmem:v3+s19+$0x0], $0xffff;
	_ =	sdelay $0x1  }
0x1ce: {  	s20 =	sld [smem:$0x7EE]  }
0x1cf: {  	s22 =	sld [smem:$0x7F5]  }
0x1d0: {  	s23 =	sld [smem:$0x7F7]  }
0x1d1: {  	s21 =	sshll.u32 s20, $0xC;
	[tilespmem:$0x1FFC0] =	vst v0;
	v0 =	vld.idx.msk [tilespmem:v4+s3+$0x0], $0xffff  }
0x1d2: {  	s0 =	sadd.s32 s22, s21;
	v63 =	vld.idx.msk [tilespmem:v18+s3+$0x0], $0xffff  }
0x1d3: {  	s1 =	sadd.s32 s23, s0;
	v57 =	vld.idx.msk [tilespmem:v16+s3+$0x0], $0xffff  }
0x1d4: {  	s2 =	rddreg [dreg:$0x1];
	s24 =	simm.s32 $0x800;
	s1 =	sshrl.u32 s1, $0x3;
	v51 =	vld.idx.msk [tilespmem:v15+s3+$0x0], $0xffff  }
0x1d5: {  	s26 =	simm.s32 $0x10800;
	s25 =	simm.s32 $0x64000;
	s1 =	sadd.s32 s2, s1;
	v46 =	vld.idx.msk [tilespmem:v12+s3+$0x0], $0xffff  }
0x1d6: {  	[tilespmem:$0x1FFD0] =	vst v0;
	v0 =	vld.idx.msk [tilespmem:v2+s19+$0x0], $0xffff;
	[hbm4b:s1+s24] =	stream.strided.scatter [tilespmem:s26], [sflag:$0x3], $0x2800, s25, s24, $0x38  }
0x1d7: {  	s1 =	sld [smem:$0x7F8];
	_ =	sdelay $0x2  }
0x1d8: {  	s0 =	sadd.s32 @!p0 s0, s1  }
0x1d9: {  	s4 =	simm.s32 @!p0 $0x13000;
	s0 =	sshrl.u32 @!p0 s0, $0x3  }
0x1da: {  	s1 =	simm.s32 @!p0 $0x800;
	s0 =	sadd.s32 @!p0 s2, s0;
	s2 =	simm.s32 @!p0 $0x64000  }
0x1db: {  	[hbm4b:s0+s1] =	stream.strided.scatter @!p0 [tilespmem:s4], [sflag:$0x3], $0x1800, s2, s1, $0x38;
	[tilespmem:$0x18880] =	vst v63  }
0x1dc: {  	s0 =	sld [smem:$0x7F6]  }
0x1dd: {  	s1 =	sld [smem:$0x7EF];
	_ =	sdelay $0x1  }
0x1de: {  	p2 =	seq.s32 s20, $0x31  }
0x1df: {  	s0 =	sadd.s32 @!p2 s1, s0  }
0x1e0: {  	s1 =	rddreg [dreg:$0x1b];
	s0 =	sshrl.u32 @!p2 s0, $0x3  }
0x1e1: {  	s2 =	simm.s32 @!p2 $0x0;
	s4 =	simm.s32 @!p2 $0x10400;
	s1 =	sadd.s32 @!p2 s1, s0  }
0x1e2: {  	[tilespmem:s4], [sflag:$0x1] =	stream.linear.gather @!p2 [hbm4b:s1+s2], $0x100, $0x38;
	[tilespmem:$0x18880] =	vst v63  }
0x1e3: {  	s1 =	rddreg [dreg:$0x1c]  }
0x1e4: {  	s6 =	simm.s32 $0x2;
	[tilespmem:$0x1FFE0] =	vst v0;
	s0 =	sadd.s32 @!p2 s1, s0;
	s1 =	simm.s32 @!p2 $0x10600  }
0x1e5: {  	[tilespmem:s1], [sflag:$0x1] =	stream.linear.gather @!p2 [hbm4b:s0+s2], $0x100, $0x38;
	[tilespmem:$0x18880] =	vst v63  }
0x1e6: {  	_ =	swait.ge [sflag:s6], $0x100  }
0x1e7: {  	[sflag:s6] =	ssyncset.done $0x0  }
0x1e8: {  	[sflag:s6] =	ssyncadd.s32 $0xFFFFFF00  }
0x1e9: {  	_ =	swait.ge [sflag:s6], $0x100  }
0x1ea: {  	[sflag:s6] =	ssyncset.done $0x0  }
0x1eb: {  	s0 =	simm.s32 @!p3 $0x4;
	[sflag:s6] =	ssyncadd.s32 $0xFFFFFF00  }
0x1ec: {  	_ =	swait.ge @!p3 [sflag:s0], $0x2800  }
0x1ed: {  	[sflag:s0] =	ssyncset.done @!p3 $0x0  }
0x1ee: {  	[sflag:s0] =	ssyncadd.s32 @!p3 $0xFFFFD800;
	s0 =	simm.s32 @!p4 $0x4  }
0x1ef: {  	_ =	swait.ge @!p4 [sflag:s0], $0x1800  }
0x1f0: {  	[sflag:s0] =	ssyncset.done @!p4 $0x0  }
0x1f1: {  	[sflag:s0] =	ssyncadd.s32 @!p4 $0xFFFFE800  }
0x1f2: {  	v17 =	vld [tilespmem:$0x10500]  }
0x1f3: {  	v16 =	vld [tilespmem:$0x10510]  }
0x1f4: {  	v15 =	vld [tilespmem:$0x10520]  }
0x1f5: {  	v14 =	vld [tilespmem:$0x10530]  }
0x1f6: {  	v13 =	vld [tilespmem:$0x10540]  }
0x1f7: {  	s0 =	simm.s32 $0x0;
	v12 =	vld [tilespmem:$0x10550]  }
0x1f8: {  	v11 =	vld [tilespmem:$0x10560];
	v1 =	vadd.s32 s0, v17  }
0x1f9: {  	v10 =	vld [tilespmem:$0x10570]  }
0x1fa: {  	v9 =	vld [tilespmem:$0x10580]  }
0x1fb: {  	v8 =	vld [tilespmem:$0x10590]  }
0x1fc: {  	v7 =	vld [tilespmem:$0x105A0]  }
0x1fd: {  	v1 =	vld.idx.msk [tilespmem:v1+s3+$0x0], $0xffff  }
0x1fe: {  	s2 =	simm.s32 $0x0;
	v6 =	vld [tilespmem:$0x105B0];
	v0 =	vadd.s32 s0, v16  }
0x1ff: {  	s8 =	simm.s32 $0x0;
	s7 =	sand.u32 $0x3800, s2;
	v5 =	vld [tilespmem:$0x105C0]  }
0x200: {  	s4 =	sand.u32 $0x200, s8;
	s9 =	sadd.s32 $0x14800, s7;
	v4 =	vld [tilespmem:$0x105D0]  }
0x201: {  	s11 =	sor.u32 s4, s9;
	v3 =	vld [tilespmem:$0x105E0]  }
0x202: {  	v2 =	vld [tilespmem:$0x105F0];
	[tilespmem:s11+$0x0] =	vst v1  }
0x203: {  	v0 =	vld.idx.msk [tilespmem:v0+s3+$0x0], $0xffff  }
0x204: {  	v1 =	vadd.s32 s0, v15;
	_ =	sdelay $0x3  }
0x205: {  	[tilespmem:s11+$0x10] =	vst v0  }
0x206: {  	v0 =	vld.idx.msk [tilespmem:v1+s3+$0x0], $0xffff  }
0x207: {  	s5 =	simm.s32 $0x400;
	v1 =	vadd.s32 s0, v14  }
0x208: {  	v40 =	vadd.s32 s5, v17;
	_ =	sdelay $0x2  }
0x209: {  	[tilespmem:s11+$0x20] =	vst v0  }
0x20a: {  	v0 =	vld.idx.msk [tilespmem:v1+s3+$0x0], $0xffff  }
0x20b: {  	v1 =	vld.idx.msk [tilespmem:v40+s3+$0x0], $0xffff;
	v40 =	vadd.s32 s0, v13  }
0x20c: {  	v18 =	vadd.s32 s5, v16  }
0x20d: {  	s12 =	simm.s32 $0x80;
	s4 =	simm.s32 $0xC00  }
0x20e: {  	s13 =	sand.u32 $0x280, s12;
	v41 =	vadd.s32 s4, v17  }
0x20f: {  	s1 =	simm.s32 $0x800;
	s14 =	sor.u32 s13, s9;
	[tilespmem:s11+$0x30] =	vst v0  }
0x210: {  	[tilespmem:s14+$0x0] =	vst v1;
	v1 =	vadd.s32 s1, v17;
	v0 =	vld.idx.msk [tilespmem:v40+s3+$0x0], $0xffff  }
0x211: {  	v18 =	vld.idx.msk [tilespmem:v18+s3+$0x0], $0xffff;
	v40 =	vadd.s32 s0, v12  }
0x212: {  	v19 =	vadd.s32 s5, v15  }
0x213: {  	v41 =	vld.idx.msk [tilespmem:v41+s3+$0x0], $0xffff  }
0x214: {  	v20 =	vadd.s32 s4, v16  }
0x215: {  	s15 =	simm.s32 $0x180;
	[tilespmem:s11+$0x40] =	vst v0;
	v0 =	vld.idx.msk [tilespmem:v1+s3+$0x0], $0xffff  }
0x216: {  	s6 =	sand.u32 $0x380, s15;
	[tilespmem:s14+$0x10] =	vst v18;
	v18 =	vadd.s32 s1, v16;
	v1 =	vld.idx.msk [tilespmem:v40+s3+$0x0], $0xffff  }
0x217: {  	s16 =	simm.s32 $0x100;
	s6 =	sor.u32 s6, s9;
	v19 =	vld.idx.msk [tilespmem:v19+s3+$0x0], $0xffff;
	v40 =	vadd.s32 s0, v11  }
0x218: {  	s10 =	sand.u32 $0x300, s16;
	[tilespmem:s6+$0x0] =	vst v41;
	v41 =	vadd.s32 s5, v14  }
0x219: {  	s7 =	sor.u32 s10, s9;
	v20 =	vld.idx.msk [tilespmem:v20+s3+$0x0], $0xffff  }
0x21a: {  	[tilespmem:s7+$0x0] =	vst v0;
	v0 =	vadd.s32 s4, v15  }
0x21b: {  	[tilespmem:s11+$0x50] =	vst v1;
	v1 =	vld.idx.msk [tilespmem:v18+s3+$0x0], $0xffff  }
0x21c: {  	[tilespmem:s14+$0x20] =	vst v19;
	v19 =	vadd.s32 s1, v15;
	v18 =	vld.idx.msk [tilespmem:v40+s3+$0x0], $0xffff  }
0x21d: {  	v40 =	vld.idx.msk [tilespmem:v41+s3+$0x0], $0xffff;
	v41 =	vadd.s32 s0, v10  }
0x21e: {  	s21 =	simm.s32 $0x1000;
	[tilespmem:s6+$0x10] =	vst v20;
	v20 =	vadd.s32 s5, v13  }
0x21f: {  	v21 =	vadd.s32 s21, v17;
	v0 =	vld.idx.msk [tilespmem:v0+s3+$0x0], $0xffff  }
0x220: {  	[tilespmem:s7+$0x10] =	vst v1;
	v1 =	vadd.s32 s4, v14  }
0x221: {  	[tilespmem:s11+$0x60] =	vst v18;
	v18 =	vld.idx.msk [tilespmem:v19+s3+$0x0], $0xffff  }
0x222: {  	[tilespmem:s14+$0x30] =	vst v40;
	v40 =	vadd.s32 s1, v14;
	v19 =	vld.idx.msk [tilespmem:v41+s3+$0x0], $0xffff  }
0x223: {  	v20 =	vld.idx.msk [tilespmem:v20+s3+$0x0], $0xffff;
	v41 =	vadd.s32 s0, v9  }
0x224: {  	[tilespmem:s6+$0x20] =	vst v0;
	v0 =	vld.idx.msk [tilespmem:v21+s3+$0x0], $0xffff;
	v21 =	vadd.s32 s5, v12  }
0x225: {  	s17 =	simm.s32 $0x400;
	v22 =	vadd.s32 s21, v16;
	v1 =	vld.idx.msk [tilespmem:v1+s3+$0x0], $0xffff  }
0x226: {  	s18 =	simm.s32 $0x200;
	s10 =	sand.u32 $0x3800, s17;
	[tilespmem:s7+$0x20] =	vst v18;
	v18 =	vadd.s32 s4, v13  }
0x227: {  	s19 =	sand.u32 $0x200, s18;
	s12 =	sadd.s32 $0x14800, s10;
	[tilespmem:s11+$0x70] =	vst v19;
	v19 =	vld.idx.msk [tilespmem:v40+s3+$0x0], $0xffff  }
0x228: {  	s10 =	simm.s32 $0x1;
	p3 =	por $0x0, $0x0;
	[tilespmem:s14+$0x40] =	vst v20;
	s11 =	sor.u32 s19, s12;
	v40 =	vadd.s32 s1, v13;
	v20 =	vld.idx.msk [tilespmem:v41+s3+$0x0], $0xffff  }
0x229: {  	s10 =	simm.s32 @!p3 $0x0;
	[tilespmem:s11+$0x0] =	vst v0;
	v0 =	vld.idx.msk [tilespmem:v21+s3+$0x0], $0xffff;
	v21 =	vadd.s32 s0, v8  }
0x22a: {  	s20 =	sshll.u32 s10, $0x9;
	[tilespmem:s6+$0x30] =	vst v1;
	v1 =	vld.idx.msk [tilespmem:v22+s3+$0x0], $0xffff;
	v22 =	vadd.s32 s5, v11  }
0x22b: {  	s18 =	sadd.s32 $0x0, s20;
	v41 =	vadd.s32 s21, v15;
	v18 =	vld.idx.msk [tilespmem:v18+s3+$0x0], $0xffff  }
0x22c: {  	s8 =	sor.u32 $0x400, s18;
	[tilespmem:s7+$0x30] =	vst v19;
	v19 =	vadd.s32 s4, v12  }
0x22d: {  	[tilespmem:s8+$0x14800] =	vst v20;
	v20 =	vld.idx.msk [tilespmem:v40+s3+$0x0], $0xffff  }
0x22e: {  	[tilespmem:s14+$0x50] =	vst v0;
	v0 =	vld.idx.msk [tilespmem:v21+s3+$0x0], $0xffff;
	v21 =	vadd.s32 s1, v12  }
0x22f: {  	[tilespmem:s11+$0x10] =	vst v1;
	v1 =	vld.idx.msk [tilespmem:v22+s3+$0x0], $0xffff;
	v22 =	vadd.s32 s0, v7  }
0x230: {  	v40 =	vadd.s32 s5, v10;
	[tilespmem:s6+$0x40] =	vst v18;
	v18 =	vld.idx.msk [tilespmem:v41+s3+$0x0], $0xffff  }
0x231: {  	v41 =	vadd.s32 s21, v14;
	v19 =	vld.idx.msk [tilespmem:v19+s3+$0x0], $0xffff  }
0x232: {  	s26 =	simm.s32 $0x1400;
	s22 =	sor.u32 $0x410, s18;
	[tilespmem:s7+$0x40] =	vst v20;
	v20 =	vadd.s32 s4, v11  }
0x233: {  	[tilespmem:s22+$0x14800] =	vst v0;
	v0 =	vld.idx.msk [tilespmem:v21+s3+$0x0], $0xffff;
	v21 =	vadd.s32 s26, v17  }
0x234: {  	[tilespmem:s14+$0x60] =	vst v1;
	v1 =	vld.idx.msk [tilespmem:v22+s3+$0x0], $0xffff;
	v22 =	vadd.s32 s1, v11  }
0x235: {  	[tilespmem:s11+$0x20] =	vst v18;
	v18 =	vld.idx.msk [tilespmem:v40+s3+$0x0], $0xffff;
	v40 =	vadd.s32 s0, v6  }
0x236: {  	[tilespmem:s6+$0x50] =	vst v19;
	v19 =	vld.idx.msk [tilespmem:v41+s3+$0x0], $0xffff;
	v41 =	vadd.s32 s5, v9  }
0x237: {  	v23 =	vadd.s32 s21, v13;
	v20 =	vld.idx.msk [tilespmem:v20+s3+$0x0], $0xffff  }
0x238: {  	s23 =	sor.u32 $0x420, s18;
	s22 =	simm.s32 $0x1C00;
	[tilespmem:s7+$0x50] =	vst v0;
	v0 =	vld.idx.msk [tilespmem:v21+s3+$0x0], $0xffff;
	v21 =	vadd.s32 s4, v10  }
0x239: {  	[tilespmem:s23+$0x14800] =	vst v1;
	v1 =	vld.idx.msk [tilespmem:v22+s3+$0x0], $0xffff;
	v22 =	vadd.s32 s22, v17  }
0x23a: {  	[tilespmem:s14+$0x70] =	vst v18;
	v18 =	vld.idx.msk [tilespmem:v40+s3+$0x0], $0xffff;
	v40 =	vadd.s32 s1, v10  }
0x23b: {  	s9 =	simm.s32 $0x1800;
	[tilespmem:s11+$0x30] =	vst v19;
	v19 =	vld.idx.msk [tilespmem:v41+s3+$0x0], $0xffff;
	v41 =	vadd.s32 s26, v16  }
0x23c: {  	s25 =	simm.s32 $0x280;
	s24 =	sand.u32 $0x7, s2;
	[tilespmem:s6+$0x60] =	vst v20;
	v20 =	vld.idx.msk [tilespmem:v23+s3+$0x0], $0xffff;
	v23 =	vadd.s32 s9, v17  }
0x23d: {  	s13 =	sand.u32 $0x280, s25;
	s10 =	sshll.u32 s24, $0x7;
	v42 =	vadd.s32 s5, v8;
	v21 =	vld.idx.msk [tilespmem:v21+s3+$0x0], $0xffff  }
0x23e: {  	s16 =	sor.u32 s13, s12;
	s14 =	sadd.s32 $0x0, s10;
	[tilespmem:s7+$0x60] =	vst v1;
	v1 =	vld.idx.msk [tilespmem:v22+s3+$0x0], $0xffff;
	v22 =	vadd.s32 s0, v5  }
0x23f: {  	s8 =	sor.u32 $0x430, s18;
	s10 =	sadd.s32 $0x80, s14;
	[tilespmem:s16+$0x0] =	vst v0;
	v0 =	vld.idx.msk [tilespmem:v40+s3+$0x0], $0xffff;
	v40 =	vadd.s32 s21, v12  }
0x240: {  	s15 =	sor.u32 $0x400, s10;
	[tilespmem:s8+$0x14800] =	vst v18;
	v18 =	vld.idx.msk [tilespmem:v41+s3+$0x0], $0xffff;
	v41 =	vadd.s32 s22, v16  }
0x241: {  	s17 =	simm.s32 $0x380;
	[tilespmem:s15+$0x14800] =	vst v19;
	v19 =	vld.idx.msk [tilespmem:v23+s3+$0x0], $0xffff;
	v23 =	vadd.s32 s1, v9  }
0x242: {  	s13 =	sand.u32 $0x380, s17;
	[tilespmem:s11+$0x40] =	vst v20;
	v20 =	vld.idx.msk [tilespmem:v42+s3+$0x0], $0xffff;
	v42 =	vadd.s32 s26, v15  }
0x243: {  	[tilespmem:s6+$0x70] =	vst v21;
	s6 =	sor.u32 s13, s12;
	v21 =	vld.idx.msk [tilespmem:v22+s3+$0x0], $0xffff  }
0x244: {  	s19 =	simm.s32 $0x300;
	v22 =	vadd.s32 s4, v9;
	[tilespmem:s6+$0x0] =	vst v1;
	v1 =	vld.idx.msk [tilespmem:v40+s3+$0x0], $0xffff  }
0x245: {  	s20 =	sand.u32 $0x300, s19;
	v40 =	vadd.s32 s9, v16;
	[tilespmem:s7+$0x70] =	vst v0;
	v0 =	vld.idx.msk [tilespmem:v41+s3+$0x0], $0xffff  }
0x246: {  	s12 =	sor.u32 s20, s12;
	v41 =	vadd.s32 s0, v4;
	[tilespmem:s16+$0x10] =	vst v18;
	v18 =	vld.idx.msk [tilespmem:v23+s3+$0x0], $0xffff  }
0x247: {  	s24 =	sor.u32 $0x410, s10;
	v23 =	vadd.s32 s22, v15;
	[tilespmem:s12+$0x0] =	vst v19;
	v19 =	vld.idx.msk [tilespmem:v42+s3+$0x0], $0xffff  }
0x248: {  	s2 =	sand.u32 $0x3, s2;
	s23 =	sor.u32 $0x440, s18;
	v42 =	vadd.s32 s21, v11;
	[tilespmem:s24+$0x14800] =	vst v20  }
0x249: {  	s2 =	sshll.u32 s2, $0x8;
	[tilespmem:s23+$0x14800] =	vst v21;
	v21 =	vld.idx.msk [tilespmem:v22+s3+$0x0], $0xffff;
	v22 =	vadd.s32 s26, v14  }
0x24a: {  	s2 =	sadd.s32 $0x0, s2;
	v20 =	vld.idx.msk [tilespmem:v40+s3+$0x0], $0xffff;
	[tilespmem:s11+$0x50] =	vst v1  }
0x24b: {  	s15 =	sadd.s32 $0x100, s2;
	v40 =	vadd.s32 s5, v7;
	[tilespmem:s6+$0x10] =	vst v0;
	v0 =	vld.idx.msk [tilespmem:v41+s3+$0x0], $0xffff  }
0x24c: {  	s29 =	simm.s32 $0x2400;
	s14 =	sadd.s32 $0x180, s14;
	s2 =	sor.u32 $0x400, s15;
	v41 =	vadd.s32 s1, v8;
	v23 =	vld.idx.msk [tilespmem:v23+s3+$0x0], $0xffff;
	[tilespmem:s16+$0x20] =	vst v19  }
0x24d: {  	s25 =	simm.s32 $0x2000;
	s8 =	sor.u32 $0x400, s14;
	v1 =	vadd.s32 s29, v17;
	v19 =	vld.idx.msk [tilespmem:v42+s3+$0x0], $0xffff;
	[tilespmem:s2+$0x14800] =	vst v18  }
0x24e: {  	v42 =	vadd.s32 s25, v17;
	v18 =	vld.idx.msk [tilespmem:v22+s3+$0x0], $0xffff;
	[tilespmem:s8+$0x14800] =	vst v21  }
0x24f: {  	s13 =	sor.u32 $0x450, s18;
	v22 =	vadd.s32 s4, v8;
	[tilespmem:s12+$0x10] =	vst v20  }
0x250: {  	v21 =	vld.idx.msk [tilespmem:v40+s3+$0x0], $0xffff;
	v40 =	vadd.s32 s21, v10;
	[tilespmem:s13+$0x14800] =	vst v0  }
0x251: {  	v20 =	vld.idx.msk [tilespmem:v41+s3+$0x0], $0xffff;
	v41 =	vadd.s32 s9, v15;
	[tilespmem:s6+$0x20] =	vst v23  }
0x252: {  	v1 =	vld.idx.msk [tilespmem:v1+s3+$0x0], $0xffff;
	v0 =	vadd.s32 s22, v14;
	[tilespmem:s11+$0x60] =	vst v19  }
0x253: {  	s20 =	simm.s32 $0x800;
	v23 =	vld.idx.msk [tilespmem:v42+s3+$0x0], $0xffff;
	v42 =	vadd.s32 s26, v13;
	[tilespmem:s16+$0x30] =	vst v18  }
0x254: {  	s17 =	simm.s32 $0x800;
	v19 =	vld.idx.msk [tilespmem:v22+s3+$0x0], $0xffff;
	v22 =	vadd.s32 s1, v7;
	[dreg:$0x3] =	wrdreg s20  }
0x255: {  	s19 =	sor.u32 $0x420, s10;
	s24 =	simm.s32 $0x400;
	s23 =	sand.u32 $0x3800, s17;
	v18 =	vld.idx.msk [tilespmem:v40+s3+$0x0], $0xffff;
	v40 =	vadd.s32 s5, v6  }
0x256: {  	s17 =	sadd.s32 $0x14800, s23;
	s25 =	sand.u32 $0x200, s24;
	s2 =	sor.u32 $0x410, s15;
	[tilespmem:s19+$0x14800] =	vst v21;
	v21 =	vld.idx.msk [tilespmem:v41+s3+$0x0], $0xffff;
	v41 =	vadd.s32 s4, v7  }
0x257: {  	[tilespmem:s2+$0x14800] =	vst v20;
	s2 =	sor.u32 s25, s17;
	v0 =	vld.idx.msk [tilespmem:v0+s3+$0x0], $0xffff  }
0x258: {  	s7 =	sor.u32 $0x410, s14;
	s19 =	simm.s32 $0x2000;
	v20 =	vadd.s32 s9, v14;
	[tilespmem:s2+$0x0] =	vst v23;
	v23 =	vld.idx.msk [tilespmem:v42+s3+$0x0], $0xffff  }
0x259: {  	v42 =	vadd.s32 s19, v16;
	[tilespmem:s7+$0x14800] =	vst v19;
	v22 =	vld.idx.msk [tilespmem:v22+s3+$0x0], $0xffff  }
0x25a: {  	[tilespmem:s11+$0x70] =	vst v18;
	v18 =	vld.idx.msk [tilespmem:v40+s3+$0x0], $0xffff  }
0x25b: {  	v19 =	vshra.s32 v61, $0x6;
	[tilespmem:s12+$0x20] =	vst v21;
	v40 =	vld.idx.msk [tilespmem:v41+s3+$0x0], $0xffff  }
0x25c: {  	vm0 =	veq.s32 v19, v43;
	v19 =	vsub.f32 v29, v63;
	v29 =	vadd.s32 s21, v9;
	v63 =	vld [tilespmem:$0x1FFF0]  }
0x25d: {  	v41 =	vadd.s32 s1, v6;
	[tilespmem:s6+$0x30] =	vst v0;
	v0 =	vld.idx.msk [tilespmem:v20+s3+$0x0], $0xffff  }
0x25e: {  	v20 =	vadd.s32 s5, v5;
	[tilespmem:s16+$0x40] =	vst v23;
	v23 =	vld.idx.msk [tilespmem:v42+s3+$0x0], $0xffff  }
0x25f: {  	v30 =	vsub.f32 v30, v62;
	v61 =	vadd.s32 s22, v13  }
0x260: {  	s8 =	sor.u32 $0x420, s15  }
0x261: {  	p3 =	por !p3, !p3;
	s13 =	sor.u32 $0x430, s10;
	v21 =	vnsel vm0, $0x0, v30;
	v30 =	vshra.s32 v56, $0x6;
	s11 =	simm.s32 $0x1;
	[tilespmem:s8+$0x14800] =	vst v22;
	v29 =	vld.idx.msk [tilespmem:v29+s3+$0x0], $0xffff  }
0x262: {  	vm13 =	veq.s32 v30, v43;
	v30 =	vadd.s32 s4, v6;
	s11 =	simm.s32 @!p3 $0x0;
	[tilespmem:s13+$0x14800] =	vst v18;
	v21 =	vadd.f32 v21, v63;
	v63 =	vld.idx.msk [tilespmem:v41+s3+$0x0], $0xffff  }
0x263: {  	s20 =	sor.u32 $0x420, s14;
	v19 =	vnsel vm13, $0x0, v19;
	s11 =	sshll.u32 s11, $0x9;
	v22 =	vadd.s32 s9, v13;
	v20 =	vld.idx.msk [tilespmem:v20+s3+$0x0], $0xffff;
	[tilespmem:s2+$0x10] =	vst v23;
	v23 =	vadd.s32 s1, v5  }
0x264: {  	s7 =	sadd.s32 $0x400, s11;
	v18 =	vshra.s32 v54, $0x6;
	[tilespmem:s20+$0x14800] =	vst v40;
	v19 =	vadd.f32 v19, v21;
	v21 =	vld.idx.msk [tilespmem:v61+s3+$0x0], $0xffff;
	v61 =	vsub.f32 v60, v59  }
0x265: {  	v62 =	vadd.s32 s26, v12;
	s11 =	sor.u32 $0x400, s7;
	vm14 =	veq.s32 v18, v43;
	[tilespmem:s12+$0x30] =	vst v0  }
0x266: {  	s23 =	sor.u32 $0x430, s15;
	v18 =	vsub.f32 v58, v57;
	v58 =	vadd.s32 s21, v8;
	[tilespmem:s11+$0x14800] =	vst v29;
	v0 =	vnsel vm14, $0x0, v61  }
0x267: {  	s24 =	sor.u32 $0x440, s10;
	v56 =	vadd.s32 s22, v12;
	v57 =	vshra.s32 v50, $0x6;
	v0 =	vadd.f32 v0, v19;
	v19 =	vld.idx.msk [tilespmem:v30+s3+$0x0], $0xffff;
	[tilespmem:s23+$0x14800] =	vst v63  }
0x268: {  	vm15 =	veq.s32 v57, v43;
	[tilespmem:s24+$0x14800] =	vst v20;
	v20 =	vadd.s32 s0, v3;
	v23 =	vld.idx.msk [tilespmem:v23+s3+$0x0], $0xffff  }
0x269: {  	v18 =	vnsel vm15, $0x0, v18;
	v29 =	vadd.s32 s4, v5;
	[tilespmem:s6+$0x40] =	vst v21;
	v21 =	vld.idx.msk [tilespmem:v22+s3+$0x0], $0xffff  }
0x26a: {  	v22 =	vadd.s32 s5, v4;
	v0 =	vadd.f32 v18, v0;
	v18 =	vld.idx.msk [tilespmem:v62+s3+$0x0], $0xffff  }
0x26b: {  	s25 =	sor.u32 $0x430, s14;
	v59 =	vshra.s32 v45, $0x6;
	v60 =	vadd.s32 s19, v15;
	v30 =	vsub.f32 v55, v52;
	v62 =	vld.idx.msk [tilespmem:v58+s3+$0x0], $0xffff  }
0x26c: {  	v44 =	vshra.s32 v44, $0x6;
	s13 =	sor.u32 $0x440, s15;
	vm4 =	veq.s32 v59, v43;
	v63 =	vadd.s32 s9, v12;
	v41 =	vld.idx.msk [tilespmem:v56+s3+$0x0], $0xffff;
	[tilespmem:s25+$0x14800] =	vst v19  }
0x26d: {  	v61 =	vsub.f32 v53, v51;
	v30 =	vnsel vm4, $0x0, v30;
	v19 =	vadd.s32 s26, v11;
	v20 =	vld.idx.msk [tilespmem:v20+s3+$0x0], $0xffff;
	[tilespmem:s13+$0x14800] =	vst v23  }
0x26e: {  	vm5 =	veq.s32 v44, v43;
	v0 =	vadd.f32 v30, v0;
	v29 =	vld.idx.msk [tilespmem:v29+s3+$0x0], $0xffff;
	[tilespmem:s12+$0x40] =	vst v21;
	v21 =	vadd.s32 s21, v7  }
0x26f: {  	s8 =	sor.u32 $0x410, s7;
	v30 =	vnsel vm5, $0x0, v61;
	v22 =	vld.idx.msk [tilespmem:v22+s3+$0x0], $0xffff;
	[tilespmem:s16+$0x50] =	vst v18;
	v18 =	vadd.s32 s1, v4  }
0x270: {  	v47 =	vsub.f32 v48, v47;
	v48 =	vadd.s32 s4, v4;
	v0 =	vadd.f32 v30, v0;
	v30 =	vld.idx.msk [tilespmem:v60+s3+$0x0], $0xffff;
	[tilespmem:s8+$0x14800] =	vst v62  }
0x271: {  	s24 =	sor.u32 $0x460, s18;
	v23 =	vadd.s32 s5, v3;
	[tilespmem:s6+$0x50] =	vst v41;
	v51 =	vld.idx.msk [tilespmem:v63+s3+$0x0], $0xffff  }
0x272: {  	s23 =	sor.u32 $0x440, s14;
	v19 =	vld.idx.msk [tilespmem:v19+s3+$0x0], $0xffff;
	[tilespmem:s24+$0x14800] =	vst v20  }
0x273: {  	s20 =	sor.u32 $0x450, s10;
	[tilespmem:s23+$0x14800] =	vst v29;
	v29 =	vadd.s32 s26, v10;
	v21 =	vld.idx.msk [tilespmem:v21+s3+$0x0], $0xffff  }
0x274: {  	[tilespmem:s20+$0x14800] =	vst v22;
	v22 =	vadd.s32 s19, v14;
	v18 =	vld.idx.msk [tilespmem:v18+s3+$0x0], $0xffff  }
0x275: {  	[tilespmem:s2+$0x20] =	vst v30;
	v30 =	vadd.s32 s22, v11;
	v52 =	vld.idx.msk [tilespmem:v48+s3+$0x0], $0xffff  }
0x276: {  	v20 =	vadd.s32 s1, v3;
	v23 =	vld.idx.msk [tilespmem:v23+s3+$0x0], $0xffff;
	[tilespmem:s12+$0x50] =	vst v51  }
0x277: {  	s25 =	sor.u32 $0x420, s7;
	[tilespmem:s16+$0x60] =	vst v19  }
0x278: {  	s8 =	sor.u32 $0x450, s15;
	v29 =	vld.idx.msk [tilespmem:v29+s3+$0x0], $0xffff;
	[tilespmem:s25+$0x14800] =	vst v21  }
0x279: {  	v39 =	vshra.s32 v39, $0x6;
	s11 =	sor.u32 $0x450, s14;
	v19 =	vadd.s32 s9, v11;
	v22 =	vld.idx.msk [tilespmem:v22+s3+$0x0], $0xffff;
	[tilespmem:s8+$0x14800] =	vst v18  }
0x27a: {  	vm6 =	veq.s32 v39, v43;
	v38 =	vshra.s32 v38, $0x6;
	s13 =	sor.u32 $0x460, s10;
	v30 =	vld.idx.msk [tilespmem:v30+s3+$0x0], $0xffff;
	[tilespmem:s11+$0x14800] =	vst v52  }
0x27b: {  	vm7 =	veq.s32 v38, v43;
	v32 =	vshra.s32 v32, $0x6;
	v33 =	vshra.s32 v33, $0x6;
	v20 =	vld.idx.msk [tilespmem:v20+s3+$0x0], $0xffff;
	[tilespmem:s13+$0x14800] =	vst v23  }
0x27c: {  	v50 =	vsub.f32 v49, v46;
	v41 =	vnsel vm6, $0x0, v47;
	v21 =	vadd.s32 s4, v3;
	v57 =	vld [tilespmem:$0x1FF30]  }
0x27d: {  	vm8 =	veq.s32 v33, v43;
	v31 =	vshra.s32 v31, $0x6;
	v0 =	vadd.f32 v41, v0;
	v58 =	vld [tilespmem:$0x1FF40]  }
0x27e: {  	v35 =	vsub.f32 v35, v37;
	v38 =	vnsel vm7, $0x0, v50;
	v55 =	vadd.s32 s21, v6;
	v19 =	vld.idx.msk [tilespmem:v19+s3+$0x0], $0xffff;
	[tilespmem:s2+$0x30] =	vst v22  }
0x27f: {  	vm10 =	veq.s32 v31, v43;
	v0 =	vadd.f32 v38, v0;
	v18 =	vadd.s32 s5, v2;
	v31 =	vld [tilespmem:$0x1FF50]  }
0x280: {  	v54 =	vnsel vm8, $0x0, v35;
	v53 =	vsub.f32 v34, v36;
	v56 =	vadd.s32 s26, v9;
	v59 =	vld [tilespmem:$0x1FF60]  }
0x281: {  	vm9 =	veq.s32 v32, v43;
	v0 =	vadd.f32 v54, v0;
	v23 =	vadd.s32 s1, v2;
	v21 =	vld.idx.msk [tilespmem:v21+s3+$0x0], $0xffff  }
0x282: {  	v33 =	vnsel vm9, $0x0, v53;
	[tilespmem:s16+$0x70] =	vst v29  }
0x283: {  	s24 =	sor.u32 $0x460, s15;
	v0 =	vadd.f32 v33, v0;
	v32 =	vld.idx.msk [tilespmem:v55+s3+$0x0], $0xffff;
	v22 =	vadd.s32 s0, v2;
	[tilespmem:s6+$0x60] =	vst v30;
	v33 =	vsub.f32 v58, v57  }
0x284: {  	v18 =	vld.idx.msk [tilespmem:v18+s3+$0x0], $0xffff;
	[tilespmem:s24+$0x14800] =	vst v20  }
0x285: {  	v28 =	vshra.s32 v28, $0x6;
	s25 =	sor.u32 $0x460, s14;
	v60 =	vld.idx.msk [tilespmem:v56+s3+$0x0], $0xffff;
	[tilespmem:s12+$0x60] =	vst v19;
	v33 =	vnsel vm10, $0x0, v33;
	v31 =	vsub.f32 v59, v31  }
0x286: {  	v25 =	vshra.s32 v25, $0x6;
	vm11 =	veq.s32 v28, v43;
	v23 =	vld.idx.msk [tilespmem:v23+s3+$0x0], $0xffff;
	v0 =	vadd.f32 v33, v0;
	[tilespmem:s25+$0x14800] =	vst v21  }
0x287: {  	vm12 =	veq.s32 v25, v43;
	v25 =	vld [tilespmem:$0x1FF80];
	v28 =	vnsel vm11, $0x0, v31  }
0x288: {  	s5 =	sor.u32 $0x470, s10;
	v0 =	vadd.f32 v28, v0;
	v28 =	vld.idx.msk [tilespmem:v22+s3+$0x0], $0xffff  }
0x289: {  	s23 =	simm.s32 $0x4;
	v22 =	vld [tilespmem:$0x1FF70];
	[tilespmem:s5+$0x14800] =	vst v18  }
0x28a: {  	s1 =	sand.u32 $0x7, s23;
	v18 =	vshra.s32 v24, $0x6;
	v24 =	vld [tilespmem:$0x1FF90]  }
0x28b: {  	s1 =	sshll.u32 s1, $0x7;
	v29 =	vadd.s32 s22, v10;
	v31 =	vld [tilespmem:$0x1FFA0]  }
0x28c: {  	s20 =	simm.s32 $0x2;
	s1 =	sadd.s32 $0x400, s1;
	s16 =	simm.s32 $0x2C00  }
0x28d: {  	s10 =	sor.u32 $0x430, s7;
	s0 =	sand.u32 $0x3, s20;
	s20 =	sadd.s32 $0x80, s1;
	v19 =	vadd.s32 s16, v17  }
0x28e: {  	s13 =	sor.u32 $0x400, s20;
	[tilespmem:s10+$0x14800] =	vst v32  }
0x28f: {  	s15 =	sor.u32 $0x470, s15;
	[tilespmem:s13+$0x14800] =	vst v60;
	v22 =	vsub.f32 v25, v22  }
0x290: {  	v29 =	vld.idx.msk [tilespmem:v29+s3+$0x0], $0xffff;
	[tilespmem:s15+$0x14800] =	vst v23;
	v24 =	vsub.f32 v31, v24  }
0x291: {  	vm13 =	veq.s32 v18, v43;
	v23 =	vld [tilespmem:$0x1FFB0];
	v22 =	vnsel vm12, $0x0, v22  }
0x292: {  	v30 =	vadd.s32 s4, v2;
	v0 =	vadd.f32 v22, v0;
	v22 =	vnsel vm13, $0x0, v24;
	v24 =	vld.idx.msk [tilespmem:v19+s3+$0x0], $0xffff  }
0x293: {  	v21 =	vadd.s32 s9, v10;
	v19 =	vshra.s32 v26, $0x6;
	v26 =	vld [tilespmem:$0x1FFC0]  }
0x294: {  	s11 =	simm.s32 $0x480  }
0x295: {  	s4 =	sand.u32 $0x280, s11  }
0x296: {  	v20 =	vadd.s32 s19, v13;
	s10 =	sor.u32 s4, s17  }
0x297: {  	v61 =	vld.idx.msk [tilespmem:v30+s3+$0x0], $0xffff;
	[tilespmem:s10+$0x0] =	vst v1  }
0x298: {  	v63 =	vld.idx.msk [tilespmem:v21+s3+$0x0], $0xffff;
	[tilespmem:s6+$0x70] =	vst v29;
	v23 =	vsub.f32 v26, v23  }
0x299: {  	s31 =	simm.s32 $0x4;
	s24 =	simm.s32 $0x2800;
	v25 =	vadd.s32 s29, v16;
	vm14 =	veq.s32 v19, v43;
	v21 =	vld [tilespmem:$0x1FFD0]  }
0x29a: {  	s30 =	simm.s32 $0x580;
	p3 =	por !p3, !p3;
	s0 =	sshll.u32 s0, $0x8;
	v31 =	vadd.s32 s24, v17;
	v1 =	vnsel vm14, $0x0, v23;
	v23 =	vld [tilespmem:$0x1FFE0]  }
0x29b: {  	s14 =	sor.u32 $0x470, s14;
	s8 =	sadd.s32 $0x180, s1;
	s0 =	sadd.s32 $0x400, s0;
	v18 =	vld.idx.msk [tilespmem:v20+s3+$0x0], $0xffff;
	v20 =	vadd.s32 s26, v8  }
0x29c: {  	v62 =	vadd.s32 s21, v5;
	s1 =	sand.u32 $0x380, s30;
	s23 =	sadd.s32 $0x100, s0;
	s0 =	simm.s32 $0x8  }
0x29d: {  	s25 =	simm.s32 $0x500;
	s5 =	simm.s32 $0x8;
	s13 =	sand.u32 $0x3, s31;
	v26 =	vadd.s32 s19, v12  }
0x29e: {  	s4 =	sand.u32 $0x300, s25;
	s15 =	simm.s32 $0x8;
	s25 =	sand.u32 $0x7, s5;
	v0 =	vadd.f32 v22, v0;
	v22 =	vadd.s32 s16, v16;
	v30 =	vld.idx.msk [tilespmem:v25+s3+$0x0], $0xffff;
	[tilespmem:s14+$0x14800] =	vst v61  }
0x29f: {  	s13 =	sshll.u32 s13, $0x8;
	s11 =	sshll.u32 s25, $0x7;
	v19 =	vshra.s32 v27, $0x6;
	v21 =	vsub.f32 v23, v21;
	v23 =	vld.idx.msk [tilespmem:v31+s3+$0x0], $0xffff;
	[dreg:$0x8] =	wrdreg s15  }
0x2a0: {  	v32 =	vadd.s32 s9, v9;
	s13 =	sadd.s32 $0x800, s13;
	s6 =	sor.u32 s4, s17;
	s4 =	simm.s32 $0x1;
	vm15 =	veq.s32 v19, v43;
	v25 =	vld.idx.msk [tilespmem:v20+s3+$0x0], $0xffff  }
0x2a1: {  	s28 =	sadd.s32 $0x800, s11;
	s17 =	sor.u32 s1, s17;
	s4 =	simm.s32 @!p3 $0x0;
	v19 =	vadd.s32 s21, v4;
	v0 =	vadd.f32 v1, v0;
	v31 =	vadd.s32 s22, v9;
	[tilespmem:s2+$0x40] =	vst v18;
	v29 =	vld.idx.msk [tilespmem:v62+s3+$0x0], $0xffff  }
0x2a2: {  	s5 =	sadd.s32 $0x100, s13;
	s11 =	sadd.s32 $0x180, s28;
	s4 =	sshll.u32 s4, $0x9;
	v18 =	vadd.s32 s19, v4;
	[tilespmem:s17+$0x0] =	vst v24;
	v24 =	vadd.s32 s29, v15;
	v1 =	vnsel vm15, $0x0, v21;
	v27 =	vld.idx.msk [tilespmem:v26+s3+$0x0], $0xffff  }
0x2a3: {  	s14 =	sadd.s32 $0x800, s4;
	s4 =	sor.u32 $0x470, s18;
	s18 =	simm.s32 $0x3C00;
	[tilespmem:s12+$0x70] =	vst v63;
	v20 =	vadd.s32 s24, v15;
	v21 =	vadd.s32 s24, v16;
	v26 =	vld.idx.msk [tilespmem:v22+s3+$0x0], $0xffff;
	v1 =	vadd.f32 v1, v0  }
.LBB2_5:
0x2a4: {  	[dreg:$0x19] =	wrdreg s21  }
0x2a5: {  	[dreg:$0x17] =	wrdreg s7  }
0x2a6: {  	[dreg:$0x10] =	wrdreg s28  }
0x2a7: {  	[dreg:$0xf] =	wrdreg s5  }
0x2a8: {  	[dreg:$0xa] =	wrdreg s11;
	s11 =	sadd.s32 $0xFFFFF400, s18  }
0x2a9: {  	s0 =	sadd.s32 $0x4, s0;
	s25 =	smov.u32 s14;
	[tilespmem:s4+$0x14800] =	vst v28;
	s14 =	smov.u32 s6  }
0x2aa: {  	v0 =	vld.idx.msk [tilespmem:v32+s3+$0x0], $0xffff;
	s1 =	sadd.s32 $0xFFFFF800, s18;
	s6 =	sor.u32 $0x440, s7;
	s12 =	sor.u32 $0x410, s20;
	[tilespmem:s14+$0x0] =	vst v23  }
0x2ab: {  	v33 =	vadd.s32 s16, v15;
	s31 =	sadd.s32 $0x2, s31;
	s15 =	rddreg [dreg:$0x8];
	p3 =	por !p3, !p3;
	[tilespmem:s10+$0x10] =	vst v30  }
0x2ac: {  	v34 =	vadd.s32 s19, v11;
	s28 =	smov.u32 s20;
	s30 =	sadd.s32 $0x200, s30;
	[dreg:$0x5] =	wrdreg s0;
	[tilespmem:s6+$0x14800] =	vst v29;
	v29 =	vld.idx.msk [tilespmem:v21+s3+$0x0], $0xffff  }
0x2ad: {  	v31 =	vld.idx.msk [tilespmem:v31+s3+$0x0], $0xffff;
	v36 =	vadd.s32 s9, v8;
	p4 =	slt.u32 s0, $0x3C;
	[dreg:$0x6] =	wrdreg s31;
	s0 =	sadd.s32 $0x4, s15;
	[tilespmem:s17+$0x10] =	vst v26  }
0x2ae: {  	s15 =	sor.u32 $0x450, s7;
	[dreg:$0x8] =	wrdreg s0;
	s21 =	sand.u32 $0x7, s0;
	v24 =	vld.idx.msk [tilespmem:v24+s3+$0x0], $0xffff;
	[tilespmem:s12+$0x14800] =	vst v25  }
0x2af: {  	v35 =	vadd.s32 s29, v14;
	s7 =	sor.u32 $0x400, s23;
	s0 =	rddreg [dreg:$0x3];
	s4 =	sshll.u32 s21, $0x7;
	v26 =	vld.idx.msk [tilespmem:v19+s3+$0x0], $0xffff;
	[tilespmem:s2+$0x50] =	vst v27  }
0x2b0: {  	s21 =	simm.s32 $0x1;
	s5 =	sadd.s32 $0x400, s0;
	s0 =	sadd.s32 $0xFFFFFE80, s30;
	v30 =	vadd.s32 s11, v17;
	v27 =	vld.idx.msk [tilespmem:v33+s3+$0x0], $0xffff;
	[tilespmem:s7+$0x14800] =	vst v0  }
0x2b1: {  	s12 =	sor.u32 $0x420, s20;
	s20 =	smov.u32 s16;
	s16 =	sor.u32 $0x400, s8;
	v0 =	vadd.s32 s22, v8;
	v52 =	vld.idx.msk [tilespmem:v34+s3+$0x0], $0xffff;
	[tilespmem:s14+$0x10] =	vst v29  }
0x2b2: {  	v21 =	vadd.s32 s26, v7;
	s6 =	sand.u32 $0x3, s31;
	s21 =	simm.s32 @!p3 $0x0;
	s4 =	sadd.s32 s5, s4;
	[tilespmem:s16+$0x14800] =	vst v31;
	v29 =	vld.idx.msk [tilespmem:v36+s3+$0x0], $0xffff  }
0x2b3: {  	v28 =	vadd.s32 s1, v17;
	s31 =	smov.u32 s23;
	s23 =	smov.u32 s22;
	s21 =	sshll.u32 s21, $0x9;
	[tilespmem:s10+$0x20] =	vst v24;
	v37 =	vld.idx.msk [tilespmem:v20+s3+$0x0], $0xffff  }
0x2b4: {  	v54 =	vadd.s32 s19, v10;
	s7 =	sadd.s32 $0xFFFFFF80, s30;
	s22 =	sadd.s32 $0xFFFFFF00, s30;
	s21 =	sadd.s32 s21, s5;
	[tilespmem:s15+$0x14800] =	vst v26;
	v24 =	vld.idx.msk [tilespmem:v35+s3+$0x0], $0xffff  }
0x2b5: {  	s16 =	sand.u32 $0x3800, s5;
	s22 =	sand.u32 $0x280, s22;
	[dreg:$0xd] =	wrdreg s21;
	[tilespmem:s17+$0x20] =	vst v27;
	v27 =	vadd.s32 s20, v14;
	v30 =	vld.idx.msk [tilespmem:v30+s3+$0x0], $0xffff  }
0x2b6: {  	v56 =	vadd.s32 s9, v7;
	s21 =	sand.u32 $0x200, s0;
	s0 =	smov.u32 s8;
	s8 =	sadd.s32 $0x14800, s16;
	v0 =	vld.idx.msk [tilespmem:v0+s3+$0x0], $0xffff  }
0x2b7: {  	v53 =	vadd.s32 s11, v16;
	s6 =	sshll.u32 s6, $0x8;
	s16 =	sor.u32 s22, s8;
	s22 =	sor.u32 $0x410, s31;
	v55 =	vld.idx.msk [tilespmem:v21+s3+$0x0], $0xffff;
	[tilespmem:s2+$0x60] =	vst v52  }
0x2b8: {  	[dreg:$0x3] =	wrdreg s5;
	v31 =	vadd.s32 s29, v13;
	s6 =	sadd.s32 s5, s6;
	s7 =	sand.u32 $0x300, s7;
	v28 =	vld.idx.msk [tilespmem:v28+s3+$0x0], $0xffff;
	[tilespmem:s22+$0x14800] =	vst v29  }
0x2b9: {  	v57 =	vadd.s32 s26, v6;
	s5 =	sand.u32 $0x380, s30;
	s21 =	sor.u32 s21, s8;
	s15 =	sadd.s32 $0x100, s6;
	v34 =	vld.idx.msk [tilespmem:v54+s3+$0x0], $0xffff;
	[tilespmem:s10+$0x30] =	vst v24  }
0x2ba: {  	v38 =	vadd.s32 s24, v14;
	s6 =	sor.u32 s7, s8;
	s8 =	sor.u32 s5, s8;
	s5 =	sor.u32 $0x410, s0;
	v27 =	vld.idx.msk [tilespmem:v27+s3+$0x0], $0xffff;
	[tilespmem:s21+$0x0] =	vst v30  }
0x2bb: {  	v29 =	vadd.s32 s23, v7;
	v32 =	vld.idx.msk [tilespmem:v56+s3+$0x0], $0xffff;
	[tilespmem:s5+$0x14800] =	vst v0  }
0x2bc: {  	v30 =	vadd.s32 s19, v9;
	[tilespmem:s12+$0x14800] =	vst v55;
	v0 =	vld.idx.msk [tilespmem:v53+s3+$0x0], $0xffff  }
0x2bd: {  	v39 =	vadd.s32 s20, v13;
	[tilespmem:s14+$0x20] =	vst v37;
	v31 =	vld.idx.msk [tilespmem:v31+s3+$0x0], $0xffff  }
0x2be: {  	v60 =	vadd.s32 s9, v6;
	[tilespmem:s2+$0x70] =	vst v34;
	v36 =	vld.idx.msk [tilespmem:v57+s3+$0x0], $0xffff  }
0x2bf: {  	v59 =	vadd.s32 s29, v12;
	[tilespmem:s16+$0x0] =	vst v28;
	v28 =	vld.idx.msk [tilespmem:v38+s3+$0x0], $0xffff  }
0x2c0: {  	v61 =	vadd.s32 s26, v5;
	s12 =	sor.u32 $0x420, s31;
	v29 =	vld.idx.msk [tilespmem:v29+s3+$0x0], $0xffff;
	[tilespmem:s17+$0x30] =	vst v27  }
0x2c1: {  	v27 =	vadd.s32 s23, v6;
	v30 =	vld.idx.msk [tilespmem:v30+s3+$0x0], $0xffff;
	[tilespmem:s12+$0x14800] =	vst v32  }
0x2c2: {  	s22 =	smov.u32 s21;
	v62 =	vld.idx.msk [tilespmem:v39+s3+$0x0], $0xffff;
	[tilespmem:s10+$0x40] =	vst v31;
	v31 =	vadd.s32 s24, v13  }
0x2c3: {  	v58 =	vadd.s32 s11, v15;
	s21 =	sor.u32 $0x430, s28;
	v34 =	vld.idx.msk [tilespmem:v60+s3+$0x0], $0xffff;
	[tilespmem:s22+$0x10] =	vst v0  }
0x2c4: {  	v63 =	vadd.s32 s20, v12;
	s2 =	sor.u32 $0x420, s0;
	v33 =	vld.idx.msk [tilespmem:v59+s3+$0x0], $0xffff;
	[tilespmem:s21+$0x14800] =	vst v36  }
0x2c5: {  	v40 =	vadd.s32 s19, v8;
	v37 =	vld.idx.msk [tilespmem:v61+s3+$0x0], $0xffff;
	[tilespmem:s2+$0x14800] =	vst v29  }
0x2c6: {  	[tilespmem:s14+$0x30] =	vst v28;
	v28 =	vadd.s32 s9, v5;
	v27 =	vld.idx.msk [tilespmem:v27+s3+$0x0], $0xffff  }
0x2c7: {  	s5 =	sor.u32 $0x400, s25;
	v29 =	vadd.s32 s26, v4;
	s2 =	rddreg [dreg:$0x19];
	[tilespmem:s17+$0x40] =	vst v62;
	v0 =	vld.idx.msk [tilespmem:v31+s3+$0x0], $0xffff  }
0x2c8: {  	s12 =	sor.u32 $0x430, s31;
	v42 =	vadd.s32 s2, v3;
	v31 =	vld.idx.msk [tilespmem:v58+s3+$0x0], $0xffff;
	[tilespmem:s5+$0x14800] =	vst v30  }
0x2c9: {  	v41 =	vadd.s32 s23, v5;
	s21 =	sor.u32 $0x440, s28;
	v32 =	vld.idx.msk [tilespmem:v63+s3+$0x0], $0xffff;
	[tilespmem:s12+$0x14800] =	vst v34  }
0x2ca: {  	v44 =	vadd.s32 s29, v11;
	s5 =	sor.u32 $0x430, s0;
	v36 =	vld.idx.msk [tilespmem:v40+s3+$0x0], $0xffff;
	[tilespmem:s21+$0x14800] =	vst v37  }
0x2cb: {  	v30 =	vadd.s32 s24, v12;
	v28 =	vld.idx.msk [tilespmem:v28+s3+$0x0], $0xffff;
	[tilespmem:s5+$0x14800] =	vst v27  }
0x2cc: {  	v45 =	vadd.s32 s19, v7;
	v29 =	vld.idx.msk [tilespmem:v29+s3+$0x0], $0xffff;
	[tilespmem:s10+$0x50] =	vst v33  }
0x2cd: {  	v47 =	vld.idx.msk [tilespmem:v42+s3+$0x0], $0xffff;
	[tilespmem:s14+$0x40] =	vst v0;
	v0 =	vadd.s32 s9, v4  }
0x2ce: {  	v49 =	vadd.s32 s11, v14;
	s12 =	sor.u32 $0x410, s25;
	v27 =	vld.idx.msk [tilespmem:v41+s3+$0x0], $0xffff;
	[tilespmem:s17+$0x50] =	vst v32  }
0x2cf: {  	v46 =	vadd.s32 s26, v3;
	s21 =	sor.u32 $0x440, s31;
	v34 =	vld.idx.msk [tilespmem:v44+s3+$0x0], $0xffff;
	[tilespmem:s12+$0x14800] =	vst v36  }
0x2d0: {  	v48 =	vadd.s32 s23, v4;
	v30 =	vld.idx.msk [tilespmem:v30+s3+$0x0], $0xffff;
	[tilespmem:s21+$0x14800] =	vst v28  }
0x2d1: {  	v51 =	vadd.s32 s11, v4;
	v50 =	vadd.s32 s2, v2;
	s5 =	sor.u32 $0x450, s28;
	v36 =	vld.idx.msk [tilespmem:v45+s3+$0x0], $0xffff;
	[tilespmem:s22+$0x20] =	vst v31  }
0x2d2: {  	v19 =	vmov v18;
	v18 =	vmov v51;
	v51 =	vadd.s32 s29, v10;
	s12 =	sor.u32 $0x440, s0;
	[tilespmem:s5+$0x14800] =	vst v29;
	v0 =	vld.idx.msk [tilespmem:v0+s3+$0x0], $0xffff  }
0x2d3: {  	v29 =	vadd.s32 s20, v11;
	v52 =	vld.idx.msk [tilespmem:v49+s3+$0x0], $0xffff;
	[tilespmem:s12+$0x14800] =	vst v27;
	s12 =	rddreg [dreg:$0x17]  }
0x2d4: {  	v33 =	vld.idx.msk [tilespmem:v46+s3+$0x0], $0xffff;
	v27 =	vadd.s32 s9, v3;
	[tilespmem:s10+$0x60] =	vst v34;
	s5 =	sor.u32 $0x460, s12  }
0x2d5: {  	v53 =	vadd.s32 s24, v11;
	s21 =	smov.u32 s19;
	s19 =	smov.u32 s11;
	s11 =	sor.u32 $0x420, s25;
	v31 =	vld.idx.msk [tilespmem:v48+s3+$0x0], $0xffff;
	[tilespmem:s5+$0x14800] =	vst v47  }
0x2d6: {  	v56 =	vadd.s32 s21, v6;
	s5 =	sor.u32 $0x450, s31;
	v28 =	vld.idx.msk [tilespmem:v50+s3+$0x0], $0xffff;
	[tilespmem:s11+$0x14800] =	vst v36  }
0x2d7: {  	v55 =	vadd.s32 s26, v2;
	v34 =	vld.idx.msk [tilespmem:v51+s3+$0x0], $0xffff;
	[tilespmem:s5+$0x14800] =	vst v0  }
0x2d8: {  	v54 =	vadd.s32 s23, v3;
	s26 =	smov.u32 s29;
	v29 =	vld.idx.msk [tilespmem:v29+s3+$0x0], $0xffff;
	[tilespmem:s14+$0x50] =	vst v30  }
0x2d9: {  	v25 =	vadd.s32 s1, v16;
	v24 =	vadd.s32 s1, v15;
	s29 =	smov.u32 s1;
	s1 =	sor.u32 $0x460, s28;
	[tilespmem:s22+$0x30] =	vst v52;
	v0 =	vadd.s32 s26, v9;
	v27 =	vld.idx.msk [tilespmem:v27+s3+$0x0], $0xffff  }
0x2da: {  	s11 =	sor.u32 $0x450, s0;
	[tilespmem:s1+$0x14800] =	vst v33;
	v30 =	vadd.s32 s19, v13;
	v38 =	vld.idx.msk [tilespmem:v53+s3+$0x0], $0xffff  }
0x2db: {  	v59 =	vld.idx.msk [tilespmem:v56+s3+$0x0], $0xffff;
	[tilespmem:s11+$0x14800] =	vst v31;
	v31 =	vadd.s32 s9, v2  }
0x2dc: {  	s13 =	sadd.s32 $0xFFFFFC00, s18;
	v57 =	vadd.s32 s20, v10;
	v58 =	vld.idx.msk [tilespmem:v55+s3+$0x0], $0xffff;
	[tilespmem:s10+$0x70] =	vst v34  }
0x2dd: {  	v23 =	vadd.s32 s13, v17;
	s5 =	sor.u32 $0x460, s31;
	v32 =	vld.idx.msk [tilespmem:v54+s3+$0x0], $0xffff;
	[tilespmem:s17+$0x60] =	vst v29  }
0x2de: {  	v60 =	vadd.s32 s23, v2;
	v0 =	vld.idx.msk [tilespmem:v0+s3+$0x0], $0xffff;
	[tilespmem:s5+$0x14800] =	vst v27  }
0x2df: {  	v22 =	vadd.s32 s18, v17;
	s9 =	smov.u32 s24;
	v29 =	vld.idx.msk [tilespmem:v30+s3+$0x0], $0xffff;
	[tilespmem:s14+$0x60] =	vst v38  }
0x2e0: {  	v20 =	vadd.s32 s13, v15;
	v21 =	vadd.s32 s13, v16;
	s24 =	smov.u32 s13;
	s13 =	sor.u32 $0x470, s28;
	v30 =	vadd.s32 s9, v10;
	v27 =	vld.idx.msk [tilespmem:v31+s3+$0x0], $0xffff  }
0x2e1: {  	s23 =	sor.u32 $0x430, s25;
	s11 =	sor.u32 $0x460, s0;
	[tilespmem:s13+$0x14800] =	vst v58;
	s5 =	rddreg [dreg:$0x10];
	v31 =	vld.idx.msk [tilespmem:v57+s3+$0x0], $0xffff  }
0x2e2: {  	s2 =	smov.u32 s22;
	v61 =	vadd.s32 s26, v8;
	s22 =	smov.u32 s20;
	s20 =	sadd.s32 $0x80, s5;
	[tilespmem:s11+$0x14800] =	vst v32;
	v23 =	vld.idx.msk [tilespmem:v23+s3+$0x0], $0xffff  }
0x2e3: {  	[dreg:$0x13] =	wrdreg s8;
	v62 =	vadd.s32 s21, v5;
	[tilespmem:s23+$0x14800] =	vst v59;
	s8 =	sor.u32 $0x400, s20;
	v34 =	vld.idx.msk [tilespmem:v60+s3+$0x0], $0xffff  }
0x2e4: {  	s7 =	sadd.s32 $0x180, s4;
	v63 =	vadd.s32 s19, v12;
	s10 =	smov.u32 s16;
	s16 =	smov.u32 s18;
	v22 =	vld.idx.msk [tilespmem:v22+s3+$0x0], $0xffff;
	[tilespmem:s8+$0x14800] =	vst v0  }
0x2e5: {  	v26 =	vadd.s32 s18, v16;
	s28 =	smov.u32 s4;
	s13 =	rddreg [dreg:$0xf];
	s11 =	sor.u32 $0x470, s31;
	v0 =	vld.idx.msk [tilespmem:v30+s3+$0x0], $0xffff;
	[tilespmem:s2+$0x40] =	vst v29  }
.Ltmp5:
0x2e6: {  	s23 =	smov.u32 s13;
	s13 =	rddreg [dreg:$0xa];
	v30 =	vld.idx.msk [tilespmem:v25+s3+$0x0], $0xffff;
	[tilespmem:s11+$0x14800] =	vst v27;
	(pc) =	sbr.rel @p4 .LBB2_5-.Ltmp5, $4  }
0x2e7: {  	s5 =	smov.u32 s15;
	s15 =	rddreg [dreg:$0x13];
	v25 =	vld.idx.msk [tilespmem:v61+s3+$0x0], $0xffff;
	[tilespmem:s17+$0x70] =	vst v31;
	s17 =	sor.u32 $0x470, s0  }
0x2e8: {  	s18 =	sadd.s32 $0x1000, s18;
	s31 =	rddreg [dreg:$0x6];
	v29 =	vld.idx.msk [tilespmem:v62+s3+$0x0], $0xffff;
	[tilespmem:s17+$0x14800] =	vst v34;
	s17 =	smov.u32 s15  }
0x2e9: {  	s4 =	sor.u32 $0x470, s12;
	s8 =	smov.u32 s13;
	s0 =	rddreg [dreg:$0x5];
	v27 =	vld.idx.msk [tilespmem:v63+s3+$0x0], $0xffff;
	[tilespmem:s17+$0x0] =	vst v22  }
0x2ea: {  	v32 =	vadd.s32 s9, v9;
	s11 =	smov.u32 s7;
	v31 =	vadd.s32 s22, v9;
	s7 =	smov.u32 s25;
	[tilespmem:s14+$0x70] =	vst v0;
	s14 =	rddreg [dreg:$0xd];
	v26 =	vld.idx.msk [tilespmem:v26+s3+$0x0], $0xffff  }
0x2eb: {  	_ =	sdelay $0x2  }
0x2ec: {  	[tilespmem:s6+$0x0] =	vst v23  }
0x2ed: {  	v46 =	vadd.s32 s16, v15;
	v0 =	vld.idx.msk [tilespmem:v21+s3+$0x0], $0xffff;
	_ =	sdelay $0x2  }
0x2ee: {  	[tilespmem:s10+$0x10] =	vst v30  }
0x2ef: {  	v22 =	vld.idx.msk [tilespmem:v24+s3+$0x0], $0xffff;
	[tilespmem:s17+$0x10] =	vst v26  }
0x2f0: {  	v21 =	vld.idx.msk [tilespmem:v46+s3+$0x0], $0xffff;
	[tilespmem:s6+$0x10] =	vst v0;
	v0 =	vadd.s32 s29, v14  }
0x2f1: {  	v48 =	vadd.s32 s16, v14;
	v20 =	vld.idx.msk [tilespmem:v20+s3+$0x0], $0xffff  }
0x2f2: {  	v47 =	vadd.s32 s24, v14;
	_ =	sdelay $0x1  }
0x2f3: {  	[tilespmem:s10+$0x20] =	vst v22  }
0x2f4: {  	[tilespmem:s17+$0x20] =	vst v21;
	v0 =	vld.idx.msk [tilespmem:v0+s3+$0x0], $0xffff  }
0x2f5: {  	v49 =	vadd.s32 s29, v13;
	v51 =	vld.idx.msk [tilespmem:v48+s3+$0x0], $0xffff;
	[tilespmem:s6+$0x20] =	vst v20  }
0x2f6: {  	[tilespmem:s4+$0x14800] =	vst v28;
	v53 =	vadd.s32 s16, v13;
	s18 =	sor.u32 $0x410, s20;
	v50 =	vld.idx.msk [tilespmem:v47+s3+$0x0], $0xffff  }
0x2f7: {  	v52 =	vadd.s32 s24, v13;
	s1 =	sor.u32 $0x440, s7;
	[tilespmem:s18+$0x14800] =	vst v25  }
0x2f8: {  	v54 =	vld.idx.msk [tilespmem:v32+s3+$0x0], $0xffff;
	[tilespmem:s1+$0x14800] =	vst v29  }
0x2f9: {  	v59 =	vld.idx.msk [tilespmem:v31+s3+$0x0], $0xffff;
	v61 =	vadd.s32 s26, v7;
	[tilespmem:s10+$0x30] =	vst v0  }
0x2fa: {  	v0 =	vadd.s32 s19, v11;
	[tilespmem:s17+$0x30] =	vst v51;
	v20 =	vld.idx.msk [tilespmem:v49+s3+$0x0], $0xffff  }
0x2fb: {  	v55 =	vadd.s32 s29, v12;
	v57 =	vld.idx.msk [tilespmem:v53+s3+$0x0], $0xffff;
	[tilespmem:s6+$0x30] =	vst v50  }
0x2fc: {  	s25 =	sor.u32 $0x400, s23;
	v60 =	vadd.s32 s16, v12;
	[tilespmem:s2+$0x50] =	vst v27;
	v56 =	vld.idx.msk [tilespmem:v52+s3+$0x0], $0xffff  }
0x2fd: {  	v58 =	vadd.s32 s24, v12;
	s30 =	sor.u32 $0x400, s8;
	v19 =	vld.idx.msk [tilespmem:v19+s3+$0x0], $0xffff;
	[tilespmem:s25+$0x14800] =	vst v54  }
0x2fe: {  	v62 =	vadd.s32 s9, v8;
	[tilespmem:s30+$0x14800] =	vst v59;
	v36 =	vld.idx.msk [tilespmem:v61+s3+$0x0], $0xffff  }
0x2ff: {  	v63 =	vadd.s32 s22, v8;
	v0 =	vld.idx.msk [tilespmem:v0+s3+$0x0], $0xffff;
	[tilespmem:s10+$0x40] =	vst v20  }
0x300: {  	v38 =	vadd.s32 s19, v10;
	[tilespmem:s17+$0x40] =	vst v57;
	v21 =	vld.idx.msk [tilespmem:v55+s3+$0x0], $0xffff  }
0x301: {  	v32 =	vadd.s32 s29, v11;
	s31 =	sor.u32 $0x450, s7;
	v34 =	vld.idx.msk [tilespmem:v60+s3+$0x0], $0xffff;
	[tilespmem:s6+$0x40] =	vst v56  }
0x302: {  	v37 =	vadd.s32 s16, v11;
	s0 =	sor.u32 $0x420, s20;
	[tilespmem:s31+$0x14800] =	vst v19;
	v33 =	vld.idx.msk [tilespmem:v58+s3+$0x0], $0xffff  }
0x303: {  	v35 =	vadd.s32 s24, v11;
	v26 =	vld.idx.msk [tilespmem:v62+s3+$0x0], $0xffff;
	[tilespmem:s0+$0x14800] =	vst v36  }
0x304: {  	v20 =	vld.idx.msk [tilespmem:v63+s3+$0x0], $0xffff;
	[tilespmem:s2+$0x60] =	vst v0;
	v0 =	vadd.s32 s9, v7  }
0x305: {  	v39 =	vadd.s32 s26, v6;
	v44 =	vld.idx.msk [tilespmem:v38+s3+$0x0], $0xffff;
	[tilespmem:s10+$0x50] =	vst v21  }
0x306: {  	v46 =	vadd.s32 s22, v7;
	[tilespmem:s17+$0x50] =	vst v34;
	v22 =	vld.idx.msk [tilespmem:v32+s3+$0x0], $0xffff  }
0x307: {  	v40 =	vadd.s32 s29, v10;
	s4 =	sor.u32 $0x410, s23;
	v19 =	vld.idx.msk [tilespmem:v37+s3+$0x0], $0xffff;
	[tilespmem:s6+$0x50] =	vst v33  }
0x308: {  	s12 =	sor.u32 $0x410, s8;
	v45 =	vadd.s32 s16, v10;
	[tilespmem:s4+$0x14800] =	vst v26;
	v41 =	vld.idx.msk [tilespmem:v35+s3+$0x0], $0xffff  }
0x309: {  	v42 =	vadd.s32 s24, v10;
	[tilespmem:s12+$0x14800] =	vst v20;
	v0 =	vld.idx.msk [tilespmem:v0+s3+$0x0], $0xffff  }
0x30a: {  	v47 =	vadd.s32 s19, v9;
	v21 =	vld.idx.msk [tilespmem:v39+s3+$0x0], $0xffff;
	[tilespmem:s2+$0x70] =	vst v44  }
0x30b: {  	v48 =	vadd.s32 s9, v6;
	v20 =	vld.idx.msk [tilespmem:v46+s3+$0x0], $0xffff;
	[tilespmem:s10+$0x60] =	vst v22  }
0x30c: {  	v53 =	vadd.s32 s26, v5;
	[tilespmem:s17+$0x60] =	vst v19;
	v23 =	vld.idx.msk [tilespmem:v40+s3+$0x0], $0xffff  }
0x30d: {  	s13 =	sor.u32 $0x420, s23;
	v49 =	vadd.s32 s29, v9;
	v51 =	vld.idx.msk [tilespmem:v45+s3+$0x0], $0xffff;
	[tilespmem:s6+$0x60] =	vst v41  }
0x30e: {  	s15 =	sor.u32 $0x430, s20;
	[tilespmem:s13+$0x14800] =	vst v0;
	v0 =	vadd.s32 s16, v9;
	v50 =	vld.idx.msk [tilespmem:v42+s3+$0x0], $0xffff  }
0x30f: {  	s18 =	sor.u32 $0x420, s8;
	v52 =	vadd.s32 s24, v9;
	[tilespmem:s15+$0x14800] =	vst v21;
	v27 =	vld.idx.msk [tilespmem:v47+s3+$0x0], $0xffff  }
0x310: {  	v55 =	vadd.s32 s19, v8;
	[tilespmem:s18+$0x14800] =	vst v20;
	v22 =	vld.idx.msk [tilespmem:v48+s3+$0x0], $0xffff  }
0x311: {  	v54 =	vadd.s32 s22, v6;
	v21 =	vld.idx.msk [tilespmem:v53+s3+$0x0], $0xffff;
	[tilespmem:s10+$0x70] =	vst v23  }
0x312: {  	v59 =	vadd.s32 s9, v5;
	[tilespmem:s17+$0x70] =	vst v51;
	v24 =	vld.idx.msk [tilespmem:v49+s3+$0x0], $0xffff  }
0x313: {  	s25 =	sor.u32 $0x400, s14;
	v56 =	vadd.s32 s29, v8;
	v0 =	vld.idx.msk [tilespmem:v0+s3+$0x0], $0xffff;
	[tilespmem:s6+$0x70] =	vst v50  }
0x314: {  	s30 =	sor.u32 $0x430, s23;
	v58 =	vadd.s32 s16, v8;
	[tilespmem:s25+$0x14800] =	vst v27;
	v26 =	vld.idx.msk [tilespmem:v52+s3+$0x0], $0xffff  }
0x315: {  	s1 =	sadd.s32 $0x80, s28;
	v57 =	vadd.s32 s24, v8;
	v19 =	vld.idx.msk [tilespmem:v55+s3+$0x0], $0xffff;
	[tilespmem:s30+$0x14800] =	vst v22;
	s6 =	sor.u32 $0x440, s20  }
0x316: {  	s31 =	sor.u32 $0x400, s1;
	v60 =	vadd.s32 s26, v4;
	v23 =	vld.idx.msk [tilespmem:v54+s3+$0x0], $0xffff;
	[tilespmem:s6+$0x14800] =	vst v21  }
0x317: {  	s4 =	sor.u32 $0x400, s11;
	v34 =	vadd.s32 s19, v7;
	v32 =	vld.idx.msk [tilespmem:v59+s3+$0x0], $0xffff;
	[tilespmem:s31+$0x14800] =	vst v24  }
0x318: {  	s0 =	sor.u32 $0x400, s5;
	v35 =	vadd.s32 s21, v3;
	[tilespmem:s4+$0x14800] =	vst v0;
	v25 =	vld.idx.msk [tilespmem:v56+s3+$0x0], $0xffff  }
0x319: {  	s12 =	sor.u32 $0x410, s14;
	v0 =	vadd.s32 s29, v7;
	v63 =	vld.idx.msk [tilespmem:v58+s3+$0x0], $0xffff;
	[tilespmem:s0+$0x14800] =	vst v26  }
0x31a: {  	v33 =	vadd.s32 s16, v7;
	s10 =	sor.u32 $0x430, s8;
	[tilespmem:s12+$0x14800] =	vst v19;
	v20 =	vld.idx.msk [tilespmem:v57+s3+$0x0], $0xffff  }
0x31b: {  	v62 =	vadd.s32 s24, v7;
	s18 =	sor.u32 $0x440, s23;
	v22 =	vld.idx.msk [tilespmem:v60+s3+$0x0], $0xffff;
	[tilespmem:s10+$0x14800] =	vst v23  }
0x31c: {  	v61 =	vadd.s32 s22, v5;
	s13 =	sor.u32 $0x410, s1;
	v39 =	vld.idx.msk [tilespmem:v34+s3+$0x0], $0xffff;
	[tilespmem:s18+$0x14800] =	vst v32  }
0x31d: {  	v41 =	vadd.s32 s19, v6;
	s17 =	sor.u32 $0x410, s11;
	v19 =	vld.idx.msk [tilespmem:v35+s3+$0x0], $0xffff;
	[tilespmem:s13+$0x14800] =	vst v25  }
0x31e: {  	v36 =	vadd.s32 s9, v4;
	s15 =	sor.u32 $0x410, s5;
	[tilespmem:s17+$0x14800] =	vst v63;
	v0 =	vld.idx.msk [tilespmem:v0+s3+$0x0], $0xffff  }
0x31f: {  	v37 =	vadd.s32 s29, v6;
	s25 =	sor.u32 $0x450, s20;
	v23 =	vld.idx.msk [tilespmem:v33+s3+$0x0], $0xffff;
	[tilespmem:s15+$0x14800] =	vst v20  }
0x320: {  	v40 =	vadd.s32 s16, v6;
	s4 =	sor.u32 $0x420, s14;
	[tilespmem:s25+$0x14800] =	vst v22;
	v21 =	vld.idx.msk [tilespmem:v62+s3+$0x0], $0xffff  }
0x321: {  	v38 =	vadd.s32 s24, v6;
	s6 =	sor.u32 $0x460, s7;
	v24 =	vld.idx.msk [tilespmem:v61+s3+$0x0], $0xffff;
	[tilespmem:s4+$0x14800] =	vst v39  }
0x322: {  	v42 =	vadd.s32 s22, v4;
	s30 =	sor.u32 $0x420, s1;
	[tilespmem:s6+$0x14800] =	vst v19;
	v47 =	vld.idx.msk [tilespmem:v41+s3+$0x0], $0xffff  }
0x323: {  	v50 =	vadd.s32 s19, v5;
	s0 =	sor.u32 $0x420, s11;
	v25 =	vld.idx.msk [tilespmem:v36+s3+$0x0], $0xffff;
	[tilespmem:s30+$0x14800] =	vst v0  }
0x324: {  	s31 =	sor.u32 $0x420, s5;
	v0 =	vadd.s32 s26, v3;
	[tilespmem:s0+$0x14800] =	vst v23;
	v20 =	vld.idx.msk [tilespmem:v37+s3+$0x0], $0xffff  }
0x325: {  	s28 =	sor.u32 $0x440, s8;
	v44 =	vadd.s32 s29, v5;
	v22 =	vld.idx.msk [tilespmem:v40+s3+$0x0], $0xffff;
	[tilespmem:s31+$0x14800] =	vst v21  }
0x326: {  	v48 =	vadd.s32 s16, v5;
	[tilespmem:s28+$0x14800] =	vst v24;
	s17 =	sor.u32 $0x430, s14;
	v45 =	vld.idx.msk [tilespmem:v38+s3+$0x0], $0xffff  }
0x327: {  	v46 =	vadd.s32 s24, v5;
	s10 =	sor.u32 $0x450, s23;
	v49 =	vld.idx.msk [tilespmem:v42+s3+$0x0], $0xffff;
	[tilespmem:s17+$0x14800] =	vst v47  }
0x328: {  	v51 =	vadd.s32 s9, v3;
	s12 =	sor.u32 $0x430, s1;
	[tilespmem:s10+$0x14800] =	vst v25;
	v25 =	vld.idx.msk [tilespmem:v50+s3+$0x0], $0xffff  }
0x329: {  	s15 =	sor.u32 $0x430, s11;
	v0 =	vld.idx.msk [tilespmem:v0+s3+$0x0], $0xffff;
	[tilespmem:s12+$0x14800] =	vst v20  }
0x32a: {  	v52 =	vadd.s32 s22, v3;
	s13 =	sor.u32 $0x430, s5;
	[tilespmem:s15+$0x14800] =	vst v22;
	v21 =	vld.idx.msk [tilespmem:v44+s3+$0x0], $0xffff  }
0x32b: {  	v53 =	vadd.s32 s29, v4;
	s18 =	sor.u32 $0x450, s8;
	v24 =	vld.idx.msk [tilespmem:v48+s3+$0x0], $0xffff;
	[tilespmem:s13+$0x14800] =	vst v45  }
0x32c: {  	v55 =	vadd.s32 s16, v4;
	[tilespmem:s18+$0x14800] =	vst v49;
	s0 =	sor.u32 $0x440, s14;
	v23 =	vld.idx.msk [tilespmem:v46+s3+$0x0], $0xffff  }
0x32d: {  	v54 =	vadd.s32 s24, v4;
	s25 =	sor.u32 $0x460, s20;
	v56 =	vld.idx.msk [tilespmem:v51+s3+$0x0], $0xffff;
	[tilespmem:s0+$0x14800] =	vst v25  }
0x32e: {  	s28 =	sor.u32 $0x440, s1;
	v18 =	vld.idx.msk [tilespmem:v18+s3+$0x0], $0xffff;
	[tilespmem:s25+$0x14800] =	vst v0;
	v0 =	vadd.s32 s26, v2  }
0x32f: {  	v62 =	vadd.s32 s19, v3;
	s31 =	sor.u32 $0x440, s11;
	v20 =	vld.idx.msk [tilespmem:v52+s3+$0x0], $0xffff;
	[tilespmem:s28+$0x14800] =	vst v21  }
0x330: {  	v57 =	vadd.s32 s9, v2;
	s30 =	sor.u32 $0x440, s5;
	[tilespmem:s31+$0x14800] =	vst v24;
	v22 =	vld.idx.msk [tilespmem:v53+s3+$0x0], $0xffff  }
0x331: {  	v58 =	vadd.s32 s29, v3;
	s4 =	sor.u32 $0x460, s23;
	v60 =	vld.idx.msk [tilespmem:v55+s3+$0x0], $0xffff;
	[tilespmem:s30+$0x14800] =	vst v23  }
0x332: {  	v61 =	vadd.s32 s16, v3;
	[tilespmem:s4+$0x14800] =	vst v56;
	s13 =	sor.u32 $0x450, s14;
	v19 =	vld.idx.msk [tilespmem:v54+s3+$0x0], $0xffff  }
0x333: {  	v59 =	vadd.s32 s24, v3;
	s6 =	sor.u32 $0x460, s8;
	[tilespmem:s13+$0x14800] =	vst v18;
	v0 =	vld.idx.msk [tilespmem:v0+s3+$0x0], $0xffff  }
0x334: {  	s9 =	sor.u32 $0x450, s1;
	v63 =	vadd.s32 s22, v2;
	[tilespmem:s6+$0x14800] =	vst v20;
	v20 =	vld.idx.msk [tilespmem:v62+s3+$0x0], $0xffff  }
0x335: {  	v32 =	vadd.s32 s19, v2;
	s12 =	sor.u32 $0x450, s11;
	v21 =	vld.idx.msk [tilespmem:v57+s3+$0x0], $0xffff;
	[tilespmem:s9+$0x14800] =	vst v22  }
0x336: {  	v28 =	vadd.s32 s21, v2;
	s10 =	sor.u32 $0x450, s5;
	[tilespmem:s12+$0x14800] =	vst v60;
	v23 =	vld.idx.msk [tilespmem:v58+s3+$0x0], $0xffff  }
0x337: {  	v29 =	vadd.s32 s29, v2;
	s15 =	sor.u32 $0x470, s20;
	v25 =	vld.idx.msk [tilespmem:v61+s3+$0x0], $0xffff;
	[tilespmem:s10+$0x14800] =	vst v19  }
0x338: {  	s19 =	sor.u32 $0x460, s14;
	[tilespmem:s15+$0x14800] =	vst v0;
	v0 =	vadd.s32 s16, v2;
	v24 =	vld.idx.msk [tilespmem:v59+s3+$0x0], $0xffff  }
0x339: {  	v30 =	vadd.s32 s24, v2;
	s0 =	sor.u32 $0x470, s23;
	v31 =	vld.idx.msk [tilespmem:v63+s3+$0x0], $0xffff;
	[tilespmem:s19+$0x14800] =	vst v20  }
0x33a: {  	[tilespmem:s0+$0x14800] =	vst v21;
	v20 =	vld.idx.msk [tilespmem:v32+s3+$0x0], $0xffff;
	s16 =	sor.u32 $0x460, s1  }
0x33b: {  	s18 =	sor.u32 $0x460, s11;
	v22 =	vld.idx.msk [tilespmem:v28+s3+$0x0], $0xffff;
	[tilespmem:s16+$0x14800] =	vst v23  }
0x33c: {  	s17 =	sor.u32 $0x460, s5;
	[tilespmem:s18+$0x14800] =	vst v25;
	v19 =	vld.idx.msk [tilespmem:v29+s3+$0x0], $0xffff  }
0x33d: {  	s20 =	sor.u32 $0x470, s8;
	v0 =	vld.idx.msk [tilespmem:v0+s3+$0x0], $0xffff;
	[tilespmem:s17+$0x14800] =	vst v24  }
0x33e: {  	s25 =	sor.u32 $0x470, s14;
	[tilespmem:s20+$0x14800] =	vst v31;
	v18 =	vld.idx.msk [tilespmem:v30+s3+$0x0], $0xffff  }
0x33f: {  	s21 =	sor.u32 $0x470, s7;
	[tilespmem:s25+$0x14800] =	vst v20  }
0x340: {  	s22 =	sor.u32 $0x470, s1;
	[tilespmem:s21+$0x14800] =	vst v22  }
0x341: {  	s24 =	sor.u32 $0x470, s11;
	[tilespmem:s22+$0x14800] =	vst v19  }
0x342: {  	s23 =	sor.u32 $0x470, s5;
	[tilespmem:s24+$0x14800] =	vst v0  }
0x343: {  	[tilespmem:s23+$0x14800] =	vst v18  }
0x344: {  	v0 =	vld [tilespmem:$0x10700]  }
0x345: {  	v18 =	vld [tilespmem:$0x10710]  }
0x346: {  	v20 =	vld [tilespmem:$0x10720]  }
0x347: {  	v22 =	vld [tilespmem:$0x10730]  }
0x348: {  	s26 =	simm.s32 $0x10000;
	v24 =	vld [tilespmem:$0x10740]  }
0x349: {  	v36 =	vld.idx.msk [tilespmem:v17+s26+$0x0], $0xffff  }
0x34a: {  	v38 =	vld [tilespmem:$0x10750]  }
0x34b: {  	v39 =	vld.idx.msk [tilespmem:v16+s26+$0x0], $0xffff  }
0x34c: {  	v41 =	vld [tilespmem:$0x10760];
	v33 =	vshll.u32 v0, $0xA  }
0x34d: {  	v42 =	vld.idx.msk [tilespmem:v15+s26+$0x0], $0xffff;
	v19 =	vand.u32 $0xFC00, v33  }
0x34e: {  	v30 =	vld [tilespmem:$0x10770];
	v34 =	vshll.u32 v18, $0xA;
	v19 =	vadd.s32 v17, v19  }
0x34f: {  	v51 =	vld [tilespmem:$0x10780];
	v35 =	vshll.u32 v20, $0xA;
	v21 =	vand.u32 $0xFC00, v34  }
0x350: {  	v47 =	vld.idx.msk [tilespmem:v14+s26+$0x0], $0xffff;
	v37 =	vshll.u32 v22, $0xA;
	v40 =	vshll.u32 v24, $0xA;
	v21 =	vadd.s32 v16, v21  }
0x351: {  	v62 =	vld [tilespmem:$0x107A0];
	v44 =	vshll.u32 v38, $0xA;
	v0 =	vshra.s32 v0, $0x6;
	v23 =	vand.u32 $0xFC00, v35  }
0x352: {  	v52 =	vld.idx.msk [tilespmem:v13+s26+$0x0], $0xffff;
	v18 =	vshra.s32 v18, $0x6;
	v48 =	vshll.u32 v41, $0xA;
	v23 =	vadd.s32 v15, v23  }
0x353: {  	v20 =	vshra.s32 v20, $0x6;
	v53 =	vshll.u32 v30, $0xA;
	v25 =	vand.u32 $0xFC00, v37;
	v19 =	vld.idx.msk [tilespmem:v19+s3+$0x0], $0xffff  }
0x354: {  	v55 =	vld.idx.msk [tilespmem:v12+s26+$0x0], $0xffff;
	v56 =	vshra.s32 v22, $0x6;
	v59 =	vshll.u32 v51, $0xA;
	v25 =	vadd.s32 v14, v25  }
0x355: {  	v60 =	vshra.s32 v24, $0x6;
	v24 =	vshra.s32 v38, $0x6;
	v27 =	vand.u32 $0xFC00, v40;
	v21 =	vld.idx.msk [tilespmem:v21+s3+$0x0], $0xffff  }
0x356: {  	v57 =	vld [tilespmem:$0x10790];
	v31 =	vshll.u32 v62, $0xA;
	v32 =	vshra.s32 v41, $0x6;
	v27 =	vadd.s32 v13, v27  }
0x357: {  	v41 =	vshra.s32 v30, $0x6;
	v29 =	vand.u32 $0xFC00, v44;
	vm0 =	veq.s32 v0, v43;
	v23 =	vld.idx.msk [tilespmem:v23+s3+$0x0], $0xffff  }
0x358: {  	v61 =	vld.idx.msk [tilespmem:v11+s26+$0x0], $0xffff;
	vm13 =	veq.s32 v18, v43;
	v46 =	vadd.s32 v12, v29;
	v0 =	vsub.f32 v36, v19  }
0x359: {  	vm14 =	veq.s32 v20, v43;
	v54 =	vand.u32 $0xFC00, v53;
	vm15 =	veq.s32 v56, v43;
	v45 =	vld.idx.msk [tilespmem:v25+s3+$0x0], $0xffff  }
0x35a: {  	v26 =	vld [tilespmem:$0x107B0];
	vm4 =	veq.s32 v60, v43;
	v16 =	vsub.f32 v39, v21;
	v0 =	vnsel vm0, $0x0, v0  }
0x35b: {  	vm5 =	veq.s32 v24, v43;
	v49 =	vld.idx.msk [tilespmem:v27+s3+$0x0], $0xffff;
	v21 =	vand.u32 $0xFC00, v48;
	v0 =	vadd.f32 v0, v1  }
0x35c: {  	v34 =	vld [tilespmem:$0x107D0];
	v15 =	vsub.f32 v42, v23;
	v50 =	vadd.s32 v11, v21;
	v1 =	vnsel vm13, $0x0, v16  }
0x35d: {  	v33 =	vand.u32 $0xFC00, v31;
	vm6 =	veq.s32 v32, v43;
	v0 =	vadd.f32 v1, v0;
	v1 =	vld.idx.msk [tilespmem:v46+s3+$0x0], $0xffff  }
0x35e: {  	v37 =	vld [tilespmem:$0x107E0];
	v19 =	vadd.s32 v10, v54;
	v14 =	vsub.f32 v47, v45;
	v15 =	vnsel vm14, $0x0, v15  }
0x35f: {  	v44 =	vld [tilespmem:$0x107F0];
	v25 =	vshll.u32 v57, $0xA;
	v16 =	vand.u32 $0xFC00, v59;
	v0 =	vadd.f32 v15, v0  }
0x360: {  	v29 =	vld [tilespmem:$0x107C0];
	v13 =	vsub.f32 v52, v49;
	v14 =	vnsel vm15, $0x0, v14;
	v16 =	vadd.s32 v9, v16  }
0x361: {  	v20 =	vshra.s32 v57, $0x6;
	v12 =	vand.u32 $0xFC00, v25;
	v58 =	vld.idx.msk [tilespmem:v50+s3+$0x0], $0xffff;
	v0 =	vadd.f32 v14, v0  }
0x362: {  	v27 =	vld.idx.msk [tilespmem:v10+s26+$0x0], $0xffff;
	v12 =	vadd.s32 v8, v12;
	v13 =	vnsel vm4, $0x0, v13;
	v1 =	vsub.f32 v55, v1  }
0x363: {  	vm7 =	veq.s32 v41, v43;
	vm9 =	veq.s32 v20, v43;
	v63 =	vld.idx.msk [tilespmem:v19+s3+$0x0], $0xffff;
	v0 =	vadd.f32 v13, v0  }
0x364: {  	v35 =	vld.idx.msk [tilespmem:v9+s26+$0x0], $0xffff;
	v36 =	vshll.u32 v26, $0xA;
	v15 =	vadd.s32 v7, v33;
	v1 =	vnsel vm5, $0x0, v1  }
0x365: {  	v40 =	vshll.u32 v29, $0xA;
	v18 =	vand.u32 $0xFC00, v36;
	v0 =	vadd.f32 v1, v0;
	v1 =	vld.idx.msk [tilespmem:v16+s3+$0x0], $0xffff  }
0x366: {  	v42 =	vand.u32 $0xFC00, v40;
	v45 =	vld.idx.msk [tilespmem:v8+s26+$0x0], $0xffff;
	v39 =	vadd.s32 v6, v18;
	v11 =	vsub.f32 v61, v58  }
0x367: {  	v53 =	vshll.u32 v44, $0xA;
	v49 =	vshll.u32 v37, $0xA;
	v38 =	vld.idx.msk [tilespmem:v12+s3+$0x0], $0xffff;
	v14 =	vadd.s32 v5, v42  }
0x368: {  	v47 =	vld.idx.msk [tilespmem:v7+s26+$0x0], $0xffff;
	v46 =	vshll.u32 v34, $0xA;
	v10 =	vsub.f32 v27, v63;
	v11 =	vnsel vm6, $0x0, v11  }
0x369: {  	v21 =	vshra.s32 v51, $0x6;
	v23 =	vand.u32 $0xFC00, v46;
	v15 =	vld.idx.msk [tilespmem:v15+s3+$0x0], $0xffff;
	v0 =	vadd.f32 v11, v0  }
0x36a: {  	v52 =	vld.idx.msk [tilespmem:v6+s26+$0x0], $0xffff;
	v48 =	vadd.s32 v4, v23;
	v10 =	vnsel vm7, $0x0, v10;
	v1 =	vsub.f32 v35, v1  }
0x36b: {  	v51 =	vand.u32 $0xFC00, v49;
	vm8 =	veq.s32 v21, v43;
	v50 =	vld.idx.msk [tilespmem:v39+s3+$0x0], $0xffff;
	v0 =	vadd.f32 v10, v0  }
0x36c: {  	v12 =	vadd.s32 v3, v51;
	v8 =	vsub.f32 v45, v38;
	v54 =	vld.idx.msk [tilespmem:v14+s3+$0x0], $0xffff;
	v1 =	vnsel vm8, $0x0, v1  }
0x36d: {  	v57 =	vshra.s32 v62, $0x6;
	v55 =	vand.u32 $0xFC00, v53;
	v0 =	vadd.f32 v1, v0;
	v1 =	vld.idx.msk [tilespmem:v5+s26+$0x0], $0xffff  }
0x36e: {  	v8 =	vnsel vm9, $0x0, v8;
	v56 =	vadd.s32 v2, v55;
	v58 =	vld.idx.msk [tilespmem:v4+s26+$0x0], $0xffff;
	v7 =	vsub.f32 v47, v15  }
0x36f: {  	vm10 =	veq.s32 v57, v43;
	v9 =	vld.idx.msk [tilespmem:v48+s3+$0x0], $0xffff;
	v0 =	vadd.f32 v8, v0  }
0x370: {  	v3 =	vld.idx.msk [tilespmem:v3+s26+$0x0], $0xffff;
	v59 =	vshra.s32 v26, $0x6;
	v6 =	vsub.f32 v52, v50;
	v7 =	vnsel vm10, $0x0, v7  }
0x371: {  	vm11 =	veq.s32 v59, v43;
	v60 =	vld.idx.msk [tilespmem:v12+s3+$0x0], $0xffff;
	v0 =	vadd.f32 v7, v0  }
0x372: {  	v61 =	vshra.s32 v29, $0x6;
	v2 =	vld.idx.msk [tilespmem:v2+s26+$0x0], $0xffff;
	v6 =	vnsel vm11, $0x0, v6;
	v1 =	vsub.f32 v1, v54  }
0x373: {  	vm12 =	veq.s32 v61, v43;
	v5 =	vld.idx.msk [tilespmem:v56+s3+$0x0], $0xffff;
	v0 =	vadd.f32 v6, v0  }
0x374: {  	v62 =	vshra.s32 v34, $0x6;
	v4 =	vsub.f32 v58, v9;
	v1 =	vnsel vm12, $0x0, v1  }
0x375: {  	s29 =	sld [smem:$0x7EF];
	vm13 =	veq.s32 v62, v43;
	v0 =	vadd.f32 v1, v0  }
0x376: {  	s28 =	rddreg [dreg:$0x1d];
	v63 =	vshra.s32 v37, $0x6;
	v3 =	vsub.f32 v3, v60;
	v1 =	vnsel vm13, $0x0, v4  }
.Ltmp6:
0x377: {  	s30 =	sld [smem:$0x7F9];
	vm14 =	veq.s32 v63, v43;
	v0 =	vadd.f32 v1, v0;
	(pc) =	sbr.rel @p1 .LBB2_9-.Ltmp6, $4  }
0x378: {  	s0 =	sadd.s32 s29, s28;
	v2 =	vsub.f32 v2, v5;
	v1 =	vnsel vm14, $0x0, v3;
	v3 =	vshra.s32 v44, $0x6  }
0x379: {  	s2 =	simm.s32 $0x10000;
	s5 =	simm.s32 $0x64000;
	s0 =	sadd.s32 $0x100, s0;
	vm15 =	veq.s32 v3, v43;
	v0 =	vadd.f32 v1, v0  }
0x37a: {  	s4 =	simm.s32 $0x800;
	s31 =	simm.s32 $0x14800;
	s1 =	sadd.s32 s30, s0;
	v1 =	vnsel vm15, $0x0, v2  }
0x37b: {  	[hbm4b:s1+s4] =	stream.strided.scatter [tilespmem:s31], [sflag:$0x4], $0x2800, s5, s4, $0x38;
	v0 =	vadd.f32 v1, v0;
	[tilespmem:$0x18880] =	vst v63  }
.Ltmp7:
0x37c: {  	(pc) =	sbr.rel @!p2 .LBB2_10-.Ltmp7, $2  }
0x37d: {  	_ =	sdelay $0x2  }
0x37e: {  	s19 =	sld [smem:$0x7EE]  }
0x37f: {  	s0 =	simm.s32 $0x3  }
0x380: {  	_ =	swait.ge [sflag:s0], $0x2800  }
.Ltmp8:
0x381: {  	[sflag:s0] =	ssyncset.done $0x0;
	(pc) =	sbr.rel .LBB2_12-.Ltmp8, $4  }
0x382: {  	s31 =	simm.s32 $0x4;
	[sflag:s0] =	ssyncadd.s32 $0xFFFFD800  }
0x383: {  	_ =	swait.ge [sflag:s31], $0x2800  }
0x384: {  	[sflag:s31] =	ssyncset.done $0x0  }
0x385: {  	s4 =	sld [smem:$0x7F0];
	[sflag:s31] =	ssyncadd.s32 $0xFFFFD800  }
.LBB2_13:
0x386: {  	_ =	sfence.sel $0x180000  }
0x387: {  	[bflag:$0x0] =	sbarrier.arrive $0xFFFF  }
0x388: {  	_ =	strace $0x90000047  }
0x389: {  	s0 =	stileid.u32;
	[bflag:$0x2] =	sbarrier.arrive $0xFFFF  }
0x38a: {  	p0 =	sne.s32 s0, $0x0;
	s0 =	rddreg [dreg:$0x2]  }
0x38b: {  	s0 =	sadd.s32 @!p0 $0x100000, s0  }
0x38c: {  	[sflag:s0] =	ssyncadd.tile.s32 @!p0 $0x1;
	_ =	shalt  }
.Lfunc_end2:
_tile_overlayer_lowered:
.L_overlay_start_2:
0x38d: {  	(tag) =	ssettag $0x2  }
0x38e: {  	s0 =	rddreg [dreg:$0x0];
	s2 =	stileid.u32  }
0x38f: {  	s1 =	rddreg [dreg:$0x1];
	p0 =	sne.s32 s2, $0x0  }
0x390: {  	s3 =	rddreg [dreg:$0x2];
	[bflag:$0x3] =	sbarrier.arrive $0xFFFF;
	s2 =	simm.s32 @!p0 $0x1C05  }
0x391: {  	[timem:s3], [sflag:s2] =	dma.local @!p0 [hbm:s0], s1  }
0x392: {  	s0 =	simm.s32 @!p0 $0x5  }
0x393: {  	_ =	swait.ge @!p0 [sflag:s0], s1  }
0x394: {  	s1 =	ssub.s32 @!p0 $0x0, s1;
	[sflag:s0] =	ssyncset.done @!p0 $0x0  }
0x395: {  	[sflag:s0] =	ssyncadd.s32 @!p0 s1  }
0x396: {  	[bflag:$0x3] =	sbarrier.arrive $0xFFFF  }
0x397: {  	_ =	shalt  }

</sc_bundles>
